<compile_context>
chip_gen: v7x
topology: tpu7x:2x2x1
jax: 0.10.2.dev20260603
libtpu: 0.0.44.dev20260713+nightly
codegen_flags: <defaults>
</compile_context>

<pallas_src>
import jax
import jax.numpy as jnp
from jax import lax
from jax.experimental import pallas as pl
from jax.experimental.pallas import tpu as pltpu
from jax.experimental.pallas import tpu_sc as plsc

NC = 2
NS = 16
L = 16
NW = NC * NS

B = 128
N = 32768
D = 8
K = 128

TPG = 128 // D
NG = N // TPG
ROWS_PER_W = B // NW
TPC = 2048
GPC = TPC // TPG
NCH = N // TPC
SEG = 256
NSEG = N // SEG
SPC = TPC // SEG
LAG = 16

_BIG = 2**30


def _sc_body(tokens_hbm, maskf_hbm, out_tok_hbm, out_msk_hbm,
             keys_v, bt0, bt1, bm0, bm1, seg_max, idx_v, vals_v,
             msk_out_v, wgrp_v, rows_v, idx_s,
             st0, st1, sm0, sm1, gsem):
    wid = lax.axis_index("s") * NC + lax.axis_index("c")
    lane = lax.iota(jnp.int32, L)
    lane0 = lane == 0
    ch2_lane = lane * D + 2

    def bf(x):
        return jnp.full((L,), x, jnp.float32)

    def bi(x):
        return jnp.full((L,), x, jnp.int32)

    def process_row(r, carry0):
        row = wid * ROWS_PER_W + r

        def issue(c, bt, bm, st, sm):
            pltpu.async_copy(
                tokens_hbm.at[row, pl.ds(c * GPC, GPC), :], bt, st)
            pltpu.async_copy(
                maskf_hbm.at[row, pl.ds(c * TPC, TPC)], bm, sm)

        def wait(bt, bm, st, sm):
            pltpu.make_async_copy(
                tokens_hbm.at[row, pl.ds(0, GPC), :], bt, st).wait()
            pltpu.make_async_copy(
                maskf_hbm.at[row, pl.ds(0, TPC)], bm, sm).wait()

        def compute(c, bt, bm):
            def seg_body(s, carry1):
                base = s * SEG
                m = bf(-3.0)
                for t in range(SEG // L):
                    off = base + t * L
                    ch2 = plsc.load_gather(bt, [bi(off // TPG), ch2_lane])
                    mv = bm[pl.ds(off, L)]
                    key = jnp.where(mv > 0.5, bf(-1.0), jnp.abs(ch2))
                    keys_v[pl.ds(c * TPC + off, L)] = key
                    m = jnp.maximum(m, key)
                plsc.store_scatter(
                    seg_max, [bi(c * SPC + s)],
                    jnp.full((L,), jnp.max(m)), mask=lane0)
                return carry1

            lax.fori_loop(0, SPC, seg_body, 0)

        issue(0, bt0, bm0, st0, sm0)
        issue(1, bt1, bm1, st1, sm1)

        def pair_body(p, carry):
            c0 = p * 2
            wait(bt0, bm0, st0, sm0)
            compute(c0, bt0, bm0)

            @pl.when(p < NCH // 2 - 1)
            def _():
                issue(c0 + 2, bt0, bm0, st0, sm0)

            wait(bt1, bm1, st1, sm1)
            compute(c0 + 1, bt1, bm1)

            @pl.when(p < NCH // 2 - 1)
            def _():
                issue(c0 + 3, bt1, bm1, st1, sm1)

            return carry

        lax.fori_loop(0, NCH // 2, pair_body, 0)

        def extract(j, carry):
            m = seg_max[pl.ds(0, L)]
            for i in range(1, NSEG // L):
                m = jnp.maximum(m, seg_max[pl.ds(i * L, L)])
            M = jnp.max(m)

            sstar = jnp.int32(_BIG)
            for i in range(NSEG // L):
                sv = seg_max[pl.ds(i * L, L)]
                cand = jnp.min(jnp.where(sv == M, i * L + lane, _BIG))
                sstar = jnp.minimum(sstar, cand)

            base = sstar * SEG
            eidx = jnp.int32(_BIG)
            for t in range(SEG // L):
                kv = keys_v[pl.ds(base + t * L, L)]
                cand = jnp.min(
                    jnp.where(kv == M, base + t * L + lane, _BIG))
                eidx = jnp.minimum(eidx, cand)

            idx_s[j] = eidx
            plsc.store_scatter(idx_v, [bi(j)], jnp.full((L,), eidx),
                               mask=lane0)
            plsc.store_scatter(vals_v, [bi(j)], jnp.full((L,), M),
                               mask=lane0)
            plsc.store_scatter(keys_v, [jnp.full((L,), eidx)],
                               bf(-2.0), mask=lane0)

            m2 = keys_v[pl.ds(base, L)]
            for t in range(1, SEG // L):
                m2 = jnp.maximum(m2, keys_v[pl.ds(base + t * L, L)])
            plsc.store_scatter(seg_max, [jnp.full((L,), sstar)],
                               jnp.full((L,), jnp.max(m2)), mask=lane0)
            return carry

        lax.fori_loop(0, K, extract, 0)

        def fetch(j, carry):
            @pl.when(j < K)
            def _():
                e = idx_s[j]
                pltpu.async_copy(
                    tokens_hbm.at[row, pl.ds(e // TPG, 1), :],
                    wgrp_v.at[pl.ds(j, 1), :], gsem)

            @pl.when(j >= LAG)
            def _():
                pltpu.make_async_copy(
                    tokens_hbm.at[row, pl.ds(0, 1), :],
                    wgrp_v.at[pl.ds(0, 1), :], gsem).wait()

            return carry

        lax.fori_loop(0, K + LAG, fetch, 0)

        jo = lane >> 3
        do = lane & 7

        def ex(i, carry):
            jv = i * 2 + jo
            tsel = plsc.load_gather(idx_v, [jv])
            col = (tsel & (TPG - 1)) * D + do
            rows_v[pl.ds(i * L, L)] = plsc.load_gather(wgrp_v, [jv, col])
            return carry

        lax.fori_loop(0, K * D // L, ex, 0)
        pltpu.sync_copy(rows_v, out_tok_hbm.at[row])

        def mk(i, carry):
            v = vals_v[pl.ds(i * L, L)]
            msk_out_v[pl.ds(i * L, L)] = jnp.where(
                v == -1.0, bf(1.0), bf(0.0))
            return carry

        lax.fori_loop(0, K // L, mk, 0)
        pltpu.sync_copy(msk_out_v, out_msk_hbm.at[row])
        return carry0

    lax.fori_loop(0, ROWS_PER_W, process_row, 0)


@jax.jit
def _run(tokens3, maskf):
    mesh = plsc.VectorSubcoreMesh(
        core_axis_name="c", subcore_axis_name="s",
        num_cores=NC, num_subcores=NS)
    f = pl.kernel(
        _sc_body,
        out_type=(
            jax.ShapeDtypeStruct((B, K * D), jnp.float32),
            jax.ShapeDtypeStruct((B, K), jnp.float32),
        ),
        mesh=mesh,
        compiler_params=pltpu.CompilerParams(needs_layout_passes=False),
        scratch_types=[
            pltpu.VMEM((N,), jnp.float32),
            pltpu.VMEM((GPC, 128), jnp.float32),
            pltpu.VMEM((GPC, 128), jnp.float32),
            pltpu.VMEM((TPC,), jnp.float32),
            pltpu.VMEM((TPC,), jnp.float32),
            pltpu.VMEM((NSEG,), jnp.float32),
            pltpu.VMEM((K,), jnp.int32),
            pltpu.VMEM((K,), jnp.float32),
            pltpu.VMEM((K,), jnp.float32),
            pltpu.VMEM((K, 128), jnp.float32),
            pltpu.VMEM((K * D,), jnp.float32),
            pltpu.SMEM((K,), jnp.int32),
            pltpu.SemaphoreType.DMA,
            pltpu.SemaphoreType.DMA,
            pltpu.SemaphoreType.DMA,
            pltpu.SemaphoreType.DMA,
            pltpu.SemaphoreType.DMA,
        ],
    )
    return f(tokens3, maskf)


def kernel(tokens, obs_mask):
    tokens3 = tokens.reshape(B, NG, 128)
    maskf = obs_mask.astype(jnp.float32)
    out_tok, mask_f = _run(tokens3, maskf)
    return out_tok.reshape(B, K, D), mask_f != 0.0

# --- scband reference (transcript-rebuilt; emitter-appended) ---
"""Pipeline reference for scband-obs-token-top-k-17111149707744 (READ-ONLY COPY).

The authoritative reference and input builder live on the scoring server;
editing this copy changes nothing except your own understanding.
"""

import jax, jax.numpy as jnp
import numpy as np

K = 128

def setup_inputs(seed: int = 0) -> dict:
    key = jax.random.key(seed)
    k1, k2 = jax.random.split(key)
    tokens = jax.random.normal(k1, (128, 32768, 8), dtype=jnp.float32)
    obs_mask = jax.random.randint(k2, (128, 32768), 0, 2).astype(jnp.bool_)
    return {"tokens": tokens, "obs_mask": obs_mask}

def reference(tokens, obs_mask):
    # values = |tokens[..., 2]| with masked positions set to -inf
    values = jnp.abs(tokens[..., 2].astype(jnp.float32))
    values = jnp.where(obs_mask, -jnp.inf, values)
    # k = min(config.k, N); here N=32768 > 128 so k = K
    topk_vals, indices = jax.lax.top_k(values, K)
    # gather full token vectors at topk indices
    gathered_tokens = jnp.take_along_axis(tokens, indices[:, :, None], axis=1)
    valid = jnp.isfinite(topk_vals)
    gathered_mask = ~valid  # keep_pad=False path
    return gathered_tokens, gathered_mask

if __name__ == "__main__":
    import jax
    _d = setup_inputs()
    print(jax.jit(kernel)(*tuple(_d.values())))

</pallas_src>

<mosaic_0001>
#map = affine_map<(d0, d1) -> (0, 0, 0)>
#map1 = affine_map<(d0, d1) -> (0, 0)>
module attributes {stable_mosaic.version = 14 : i64} {
  func.func @_sc_body(%arg0: i32, %arg1: i32, %arg2: memref<128x2048x128xf32, #tpu.memory_space<hbm>>, %arg3: memref<128x32768xf32, #tpu.memory_space<hbm>>, %arg4: memref<128x1024xf32, #tpu.memory_space<hbm>>, %arg5: memref<128x128xf32, #tpu.memory_space<hbm>>, %arg6: memref<32768xf32, #tpu.memory_space<vmem>>, %arg7: memref<128x128xf32, #tpu.memory_space<vmem>>, %arg8: memref<128x128xf32, #tpu.memory_space<vmem>>, %arg9: memref<2048xf32, #tpu.memory_space<vmem>>, %arg10: memref<2048xf32, #tpu.memory_space<vmem>>, %arg11: memref<128xf32, #tpu.memory_space<vmem>>, %arg12: memref<128xi32, #tpu.memory_space<vmem>>, %arg13: memref<128xf32, #tpu.memory_space<vmem>>, %arg14: memref<128xf32, #tpu.memory_space<vmem>>, %arg15: memref<128x128xf32, #tpu.memory_space<vmem>>, %arg16: memref<1024xf32, #tpu.memory_space<vmem>>, %arg17: memref<128xi32, #tpu.memory_space<smem>>, %arg18: memref<!tpu.dma_semaphore, #tpu.memory_space<semaphore_mem>>, %arg19: memref<!tpu.dma_semaphore, #tpu.memory_space<semaphore_mem>>, %arg20: memref<!tpu.dma_semaphore, #tpu.memory_space<semaphore_mem>>, %arg21: memref<!tpu.dma_semaphore, #tpu.memory_space<semaphore_mem>>, %arg22: memref<!tpu.dma_semaphore, #tpu.memory_space<semaphore_mem>>) attributes {dimension_semantics = [#tpu.dimension_semantics<core_parallel>, #tpu.dimension_semantics<subcore_parallel>], iteration_bounds = array<i64: 2, 16>, scalar_prefetch = 0 : i64, scratch_operands = 17 : i64, tpu.core_type = #tpu.core_type<sc_vector_subcore>, window_params = [{transform_indices = #map}, {transform_indices = #map1}, {transform_indices = #map1}, {transform_indices = #map1}]} {
    %mul3A = arith.constant 2 : i32
    %mul3A_0 = arith.muli %arg1, %mul3A : i32
    %add3A = arith.addi %mul3A_0, %arg0 : i32
    %iota3A = tpu.iota {dimensions = array<i32: 0>} : vector<16xi32>
    %eq3A = arith.constant 0 : i32
    %eq3A_1 = vector.broadcast %eq3A : i32 to vector<16xi32>
    %eq3A_2 = arith.cmpi eq, %iota3A, %eq3A_1 : vector<16xi32>
    %mul3A_3 = arith.constant 8 : i32
    %mul3A_4 = vector.broadcast %mul3A_3 : i32 to vector<16xi32>
    %mul3A_5 = arith.muli %iota3A, %mul3A_4 : vector<16xi32>
    %add3A_6 = arith.constant 2 : i32
    %add3A_7 = vector.broadcast %add3A_6 : i32 to vector<16xi32>
    %add3A_8 = arith.addi %mul3A_5, %add3A_7 : vector<16xi32>
    %scan3A = arith.constant 0 : i32
    %scan3A_9 = arith.constant 0 : i32
    %scan3A_10 = arith.constant 4 : i32
    %scan3A_11 = arith.addi %scan3A_9, %scan3A_10 : i32
    %scan3A_12 = arith.constant 1 : i32
    scf.for %scan3A_14 = %scan3A_9 to %scan3A_11 step %scan3A_12  : i32 {
      %mul3A_15 = arith.constant 4 : i32
      %mul3A_16 = arith.muli %add3A, %mul3A_15 : i32
      %add3A_17 = arith.addi %mul3A_16, %scan3A_14 : i32
      %dma_start3A = arith.constant 0 : i32
      %dma_start3A_18 = arith.constant 0 : i32
      %dma_start3A_19 = tpu.memref_slice %arg2[%add3A_17, %dma_start3A, %dma_start3A_18] : memref<128x2048x128xf32, #tpu.memory_space<hbm>> -> memref<1x128x128xf32, #tpu.memory_space<hbm>>
      %dma_start3A_20 = tpu.memref_squeeze %dma_start3A_19 : memref<1x128x128xf32, #tpu.memory_space<hbm>> -> memref<128x128xf32, #tpu.memory_space<hbm>>
      %dma_start3A_21 = arith.constant 0 : i32
      %dma_start3A_22 = arith.constant 0 : i32
      %dma_start3A_23 = tpu.memref_slice %arg2[%add3A_17, %dma_start3A_21, %dma_start3A_22] : memref<128x2048x128xf32, #tpu.memory_space<hbm>> -> memref<1x128x128xf32, #tpu.memory_space<hbm>>
      %dma_start3A_24 = tpu.memref_squeeze %dma_start3A_23 : memref<1x128x128xf32, #tpu.memory_space<hbm>> -> memref<128x128xf32, #tpu.memory_space<hbm>>
      tpu.enqueue_dma source(%dma_start3A_24 : memref<128x128xf32, #tpu.memory_space<hbm>>) target(%arg7 : memref<128x128xf32, #tpu.memory_space<vmem>>) target_semaphore(%arg18 : memref<!tpu.dma_semaphore, #tpu.memory_space<semaphore_mem>>)
      %dma_start3A_25 = arith.constant 0 : i32
      %dma_start3A_26 = tpu.memref_slice %arg3[%add3A_17, %dma_start3A_25] : memref<128x32768xf32, #tpu.memory_space<hbm>> -> memref<1x2048xf32, #tpu.memory_space<hbm>>
      %dma_start3A_27 = tpu.memref_squeeze %dma_start3A_26 : memref<1x2048xf32, #tpu.memory_space<hbm>> -> memref<2048xf32, #tpu.memory_space<hbm>>
      %dma_start3A_28 = arith.constant 0 : i32
      %dma_start3A_29 = tpu.memref_slice %arg3[%add3A_17, %dma_start3A_28] : memref<128x32768xf32, #tpu.memory_space<hbm>> -> memref<1x2048xf32, #tpu.memory_space<hbm>>
      %dma_start3A_30 = tpu.memref_squeeze %dma_start3A_29 : memref<1x2048xf32, #tpu.memory_space<hbm>> -> memref<2048xf32, #tpu.memory_space<hbm>>
      tpu.enqueue_dma source(%dma_start3A_30 : memref<2048xf32, #tpu.memory_space<hbm>>) target(%arg9 : memref<2048xf32, #tpu.memory_space<vmem>>) target_semaphore(%arg20 : memref<!tpu.dma_semaphore, #tpu.memory_space<semaphore_mem>>)
      %dma_start3A_31 = arith.constant 128 : i32
      %dma_start3A_32 = arith.constant 0 : i32
      %dma_start3A_33 = tpu.memref_slice %arg2[%add3A_17, %dma_start3A_31, %dma_start3A_32] : memref<128x2048x128xf32, #tpu.memory_space<hbm>> -> memref<1x128x128xf32, #tpu.memory_space<hbm>>
      %dma_start3A_34 = tpu.memref_squeeze %dma_start3A_33 : memref<1x128x128xf32, #tpu.memory_space<hbm>> -> memref<128x128xf32, #tpu.memory_space<hbm>>
      %dma_start3A_35 = arith.constant 128 : i32
      %dma_start3A_36 = arith.constant 0 : i32
      %dma_start3A_37 = tpu.memref_slice %arg2[%add3A_17, %dma_start3A_35, %dma_start3A_36] : memref<128x2048x128xf32, #tpu.memory_space<hbm>> -> memref<1x128x128xf32, #tpu.memory_space<hbm>>
      %dma_start3A_38 = tpu.memref_squeeze %dma_start3A_37 : memref<1x128x128xf32, #tpu.memory_space<hbm>> -> memref<128x128xf32, #tpu.memory_space<hbm>>
      tpu.enqueue_dma source(%dma_start3A_38 : memref<128x128xf32, #tpu.memory_space<hbm>>) target(%arg8 : memref<128x128xf32, #tpu.memory_space<vmem>>) target_semaphore(%arg19 : memref<!tpu.dma_semaphore, #tpu.memory_space<semaphore_mem>>)
      %dma_start3A_39 = arith.constant 2048 : i32
      %dma_start3A_40 = tpu.memref_slice %arg3[%add3A_17, %dma_start3A_39] : memref<128x32768xf32, #tpu.memory_space<hbm>> -> memref<1x2048xf32, #tpu.memory_space<hbm>>
      %dma_start3A_41 = tpu.memref_squeeze %dma_start3A_40 : memref<1x2048xf32, #tpu.memory_space<hbm>> -> memref<2048xf32, #tpu.memory_space<hbm>>
      %dma_start3A_42 = arith.constant 2048 : i32
      %dma_start3A_43 = tpu.memref_slice %arg3[%add3A_17, %dma_start3A_42] : memref<128x32768xf32, #tpu.memory_space<hbm>> -> memref<1x2048xf32, #tpu.memory_space<hbm>>
      %dma_start3A_44 = tpu.memref_squeeze %dma_start3A_43 : memref<1x2048xf32, #tpu.memory_space<hbm>> -> memref<2048xf32, #tpu.memory_space<hbm>>
      tpu.enqueue_dma source(%dma_start3A_44 : memref<2048xf32, #tpu.memory_space<hbm>>) target(%arg10 : memref<2048xf32, #tpu.memory_space<vmem>>) target_semaphore(%arg21 : memref<!tpu.dma_semaphore, #tpu.memory_space<semaphore_mem>>)
      %scan3A_45 = arith.constant 0 : i32
      %scan3A_46 = arith.constant 0 : i32
      %scan3A_47 = arith.constant 8 : i32
      %scan3A_48 = arith.addi %scan3A_46, %scan3A_47 : i32
      %scan3A_49 = arith.constant 1 : i32
      scf.for %scan3A_79 = %scan3A_46 to %scan3A_48 step %scan3A_49  : i32 {
        %mul3A_80 = arith.constant 2 : i32
        %mul3A_81 = arith.muli %scan3A_79, %mul3A_80 : i32
        %dma_wait3A = arith.constant 0 : i32
        %dma_wait3A_82 = arith.constant 0 : i32
        %dma_wait3A_83 = tpu.memref_slice %arg2[%add3A_17, %dma_wait3A, %dma_wait3A_82] : memref<128x2048x128xf32, #tpu.memory_space<hbm>> -> memref<1x128x128xf32, #tpu.memory_space<hbm>>
        %dma_wait3A_84 = tpu.memref_squeeze %dma_wait3A_83 : memref<1x128x128xf32, #tpu.memory_space<hbm>> -> memref<128x128xf32, #tpu.memory_space<hbm>>
        %dma_wait3A_85 = arith.constant 0 : i32
        %dma_wait3A_86 = arith.constant 0 : i32
        %dma_wait3A_87 = tpu.memref_slice %arg2[%add3A_17, %dma_wait3A_85, %dma_wait3A_86] : memref<128x2048x128xf32, #tpu.memory_space<hbm>> -> memref<1x128x128xf32, #tpu.memory_space<hbm>>
        %dma_wait3A_88 = tpu.memref_squeeze %dma_wait3A_87 : memref<1x128x128xf32, #tpu.memory_space<hbm>> -> memref<128x128xf32, #tpu.memory_space<hbm>>
        tpu.wait_dma2 semaphore(%arg18 : memref<!tpu.dma_semaphore, #tpu.memory_space<semaphore_mem>>) src(%dma_wait3A_88 : memref<128x128xf32, #tpu.memory_space<hbm>>) dst(%arg7 : memref<128x128xf32, #tpu.memory_space<vmem>>)
        %dma_wait3A_89 = arith.constant 0 : i32
        %dma_wait3A_90 = tpu.memref_slice %arg3[%add3A_17, %dma_wait3A_89] : memref<128x32768xf32, #tpu.memory_space<hbm>> -> memref<1x2048xf32, #tpu.memory_space<hbm>>
        %dma_wait3A_91 = tpu.memref_squeeze %dma_wait3A_90 : memref<1x2048xf32, #tpu.memory_space<hbm>> -> memref<2048xf32, #tpu.memory_space<hbm>>
        %dma_wait3A_92 = arith.constant 0 : i32
        %dma_wait3A_93 = tpu.memref_slice %arg3[%add3A_17, %dma_wait3A_92] : memref<128x32768xf32, #tpu.memory_space<hbm>> -> memref<1x2048xf32, #tpu.memory_space<hbm>>
        %dma_wait3A_94 = tpu.memref_squeeze %dma_wait3A_93 : memref<1x2048xf32, #tpu.memory_space<hbm>> -> memref<2048xf32, #tpu.memory_space<hbm>>
        tpu.wait_dma2 semaphore(%arg20 : memref<!tpu.dma_semaphore, #tpu.memory_space<semaphore_mem>>) src(%dma_wait3A_94 : memref<2048xf32, #tpu.memory_space<hbm>>) dst(%arg9 : memref<2048xf32, #tpu.memory_space<vmem>>)
        %scan3A_95 = arith.constant 0 : i32
        %scan3A_96 = arith.constant 0 : i32
        %scan3A_97 = arith.constant 8 : i32
        %scan3A_98 = arith.addi %scan3A_96, %scan3A_97 : i32
        %scan3A_99 = arith.constant 1 : i32
        scf.for %scan3A_130 = %scan3A_96 to %scan3A_98 step %scan3A_99  : i32 {
          %mul3A_131 = arith.constant 256 : i32
          %mul3A_132 = arith.muli %scan3A_130, %mul3A_131 : i32
          %broadcast_in_dim3A = arith.constant -3.000000e+00 : f32
          %broadcast_in_dim3A_133 = vector.broadcast %broadcast_in_dim3A : f32 to vector<16xf32>
          %add3A_134 = arith.constant 0 : i32
          %add3A_135 = arith.addi %mul3A_132, %add3A_134 : i32
          %jit3A = arith.constant 16 : i32
          %div3A = arith.divsi %add3A_135, %jit3A : i32
          %sign3A = arith.constant 0 : i32
          %sign3A_136 = arith.cmpi sgt, %add3A_135, %sign3A : i32
          %sign3A_137 = arith.extui %sign3A_136 : i1 to i32
          %sign3A_138 = arith.constant 0 : i32
          %sign3A_139 = arith.cmpi slt, %add3A_135, %sign3A_138 : i32
          %sign3A_140 = arith.extui %sign3A_139 : i1 to i32
          %sign3A_141 = arith.subi %sign3A_137, %sign3A_140 : i32
          %sign3A_142 = arith.constant 0 : i32
          %sign3A_143 = arith.cmpi sgt, %jit3A, %sign3A_142 : i32
          %sign3A_144 = arith.extui %sign3A_143 : i1 to i32
          %sign3A_145 = arith.constant 0 : i32
          %sign3A_146 = arith.cmpi slt, %jit3A, %sign3A_145 : i32
          %sign3A_147 = arith.extui %sign3A_146 : i1 to i32
          %sign3A_148 = arith.subi %sign3A_144, %sign3A_147 : i32
          %ne3A = arith.cmpi ne, %sign3A_141, %sign3A_148 : i32
          %rem3A = arith.remsi %add3A_135, %jit3A : i32
          %ne3A_149 = arith.constant 0 : i32
          %ne3A_150 = arith.cmpi ne, %rem3A, %ne3A_149 : i32
          %and3A_151 = arith.andi %ne3A, %ne3A_150 : i1
          %sub3A = arith.constant 1 : i32
          %sub3A_152 = arith.subi %div3A, %sub3A : i32
          %select_n3A = arith.select %and3A_151, %sub3A_152, %div3A : i32
          %broadcast_in_dim3A_153 = vector.broadcast %select_n3A : i32 to vector<16xi32>
          %gather3A = tpu.vector_load_idx %arg7[%broadcast_in_dim3A_153, %add3A_8] : memref<128x128xf32, #tpu.memory_space<vmem>>[vector<16xi32>, vector<16xi32>], vector<16xf32>,
          %get3A = arith.index_cast %add3A_135 : i32 to index
          %get3A_154 = tpu.vector_load %arg9[%get3A] {strides = array<i32>} : memref<2048xf32, #tpu.memory_space<vmem>>, vector<16xf32>,
          %gt3A = arith.constant 5.000000e-01 : f32
          %gt3A_155 = vector.broadcast %gt3A : f32 to vector<16xf32>
          %gt3A_156 = arith.cmpf ogt, %get3A_154, %gt3A_155 : vector<16xf32>
          %broadcast_in_dim3A_157 = arith.constant -1.000000e+00 : f32
          %broadcast_in_dim3A_158 = vector.broadcast %broadcast_in_dim3A_157 : f32 to vector<16xf32>
          %abs3A = math.absf %gather3A : vector<16xf32>
          %select_n3A_159 = arith.select %gt3A_156, %broadcast_in_dim3A_158, %abs3A : vector<16xi1>, vector<16xf32>
          %mul3A_160 = arith.constant 2048 : i32
          %mul3A_161 = arith.muli %mul3A_81, %mul3A_160 : i32
          %add3A_162 = arith.addi %mul3A_161, %add3A_135 : i32
          %swap3A = arith.index_cast %add3A_162 : i32 to index
          %swap3A_163 = tpu.vector_load %arg6[%swap3A] {strides = array<i32>} : memref<32768xf32, #tpu.memory_space<vmem>>, vector<16xf32>,
          tpu.vector_store %arg6[%swap3A], %select_n3A_159 {strides = array<i32>} : memref<32768xf32, #tpu.memory_space<vmem>>, vector<16xf32>,
          %max3A = arith.maximumf %broadcast_in_dim3A_133, %select_n3A_159 : vector<16xf32>
          %add3A_164 = arith.constant 16 : i32
          %add3A_165 = arith.addi %mul3A_132, %add3A_164 : i32
          %jit3A_166 = arith.constant 16 : i32
          %div3A_167 = arith.divsi %add3A_165, %jit3A_166 : i32
          %sign3A_168 = arith.constant 0 : i32
          %sign3A_169 = arith.cmpi sgt, %add3A_165, %sign3A_168 : i32
          %sign3A_170 = arith.extui %sign3A_169 : i1 to i32
          %sign3A_171 = arith.constant 0 : i32
          %sign3A_172 = arith.cmpi slt, %add3A_165, %sign3A_171 : i32
          %sign3A_173 = arith.extui %sign3A_172 : i1 to i32
          %sign3A_174 = arith.subi %sign3A_170, %sign3A_173 : i32
          %sign3A_175 = arith.constant 0 : i32
          %sign3A_176 = arith.cmpi sgt, %jit3A_166, %sign3A_175 : i32
          %sign3A_177 = arith.extui %sign3A_176 : i1 to i32
          %sign3A_178 = arith.constant 0 : i32
          %sign3A_179 = arith.cmpi slt, %jit3A_166, %sign3A_178 : i32
          %sign3A_180 = arith.extui %sign3A_179 : i1 to i32
          %sign3A_181 = arith.subi %sign3A_177, %sign3A_180 : i32
          %ne3A_182 = arith.cmpi ne, %sign3A_174, %sign3A_181 : i32
          %rem3A_183 = arith.remsi %add3A_165, %jit3A_166 : i32
          %ne3A_184 = arith.constant 0 : i32
          %ne3A_185 = arith.cmpi ne, %rem3A_183, %ne3A_184 : i32
          %and3A_186 = arith.andi %ne3A_182, %ne3A_185 : i1
          %sub3A_187 = arith.constant 1 : i32
          %sub3A_188 = arith.subi %div3A_167, %sub3A_187 : i32
          %select_n3A_189 = arith.select %and3A_186, %sub3A_188, %div3A_167 : i32
          %broadcast_in_dim3A_190 = vector.broadcast %select_n3A_189 : i32 to vector<16xi32>
          %gather3A_191 = tpu.vector_load_idx %arg7[%broadcast_in_dim3A_190, %add3A_8] : memref<128x128xf32, #tpu.memory_space<vmem>>[vector<16xi32>, vector<16xi32>], vector<16xf32>,
          %get3A_192 = arith.index_cast %add3A_165 : i32 to index
          %get3A_193 = tpu.vector_load %arg9[%get3A_192] {strides = array<i32>} : memref<2048xf32, #tpu.memory_space<vmem>>, vector<16xf32>,
          %gt3A_194 = arith.constant 5.000000e-01 : f32
          %gt3A_195 = vector.broadcast %gt3A_194 : f32 to vector<16xf32>
          %gt3A_196 = arith.cmpf ogt, %get3A_193, %gt3A_195 : vector<16xf32>
          %broadcast_in_dim3A_197 = arith.constant -1.000000e+00 : f32
          %broadcast_in_dim3A_198 = vector.broadcast %broadcast_in_dim3A_197 : f32 to vector<16xf32>
          %abs3A_199 = math.absf %gather3A_191 : vector<16xf32>
          %select_n3A_200 = arith.select %gt3A_196, %broadcast_in_dim3A_198, %abs3A_199 : vector<16xi1>, vector<16xf32>
          %mul3A_201 = arith.constant 2048 : i32
          %mul3A_202 = arith.muli %mul3A_81, %mul3A_201 : i32
          %add3A_203 = arith.addi %mul3A_202, %add3A_165 : i32
          %swap3A_204 = arith.index_cast %add3A_203 : i32 to index
          %swap3A_205 = tpu.vector_load %arg6[%swap3A_204] {strides = array<i32>} : memref<32768xf32, #tpu.memory_space<vmem>>, vector<16xf32>,
          tpu.vector_store %arg6[%swap3A_204], %select_n3A_200 {strides = array<i32>} : memref<32768xf32, #tpu.memory_space<vmem>>, vector<16xf32>,
          %max3A_206 = arith.maximumf %max3A, %select_n3A_200 : vector<16xf32>
          %add3A_207 = arith.constant 32 : i32
          %add3A_208 = arith.addi %mul3A_132, %add3A_207 : i32
          %jit3A_209 = arith.constant 16 : i32
          %div3A_210 = arith.divsi %add3A_208, %jit3A_209 : i32
          %sign3A_211 = arith.constant 0 : i32
          %sign3A_212 = arith.cmpi sgt, %add3A_208, %sign3A_211 : i32
          %sign3A_213 = arith.extui %sign3A_212 : i1 to i32
          %sign3A_214 = arith.constant 0 : i32
          %sign3A_215 = arith.cmpi slt, %add3A_208, %sign3A_214 : i32
          %sign3A_216 = arith.extui %sign3A_215 : i1 to i32
          %sign3A_217 = arith.subi %sign3A_213, %sign3A_216 : i32
          %sign3A_218 = arith.constant 0 : i32
          %sign3A_219 = arith.cmpi sgt, %jit3A_209, %sign3A_218 : i32
          %sign3A_220 = arith.extui %sign3A_219 : i1 to i32
          %sign3A_221 = arith.constant 0 : i32
          %sign3A_222 = arith.cmpi slt, %jit3A_209, %sign3A_221 : i32
          %sign3A_223 = arith.extui %sign3A_222 : i1 to i32
          %sign3A_224 = arith.subi %sign3A_220, %sign3A_223 : i32
          %ne3A_225 = arith.cmpi ne, %sign3A_217, %sign3A_224 : i32
          %rem3A_226 = arith.remsi %add3A_208, %jit3A_209 : i32
          %ne3A_227 = arith.constant 0 : i32
          %ne3A_228 = arith.cmpi ne, %rem3A_226, %ne3A_227 : i32
          %and3A_229 = arith.andi %ne3A_225, %ne3A_228 : i1
          %sub3A_230 = arith.constant 1 : i32
          %sub3A_231 = arith.subi %div3A_210, %sub3A_230 : i32
          %select_n3A_232 = arith.select %and3A_229, %sub3A_231, %div3A_210 : i32
          %broadcast_in_dim3A_233 = vector.broadcast %select_n3A_232 : i32 to vector<16xi32>
          %gather3A_234 = tpu.vector_load_idx %arg7[%broadcast_in_dim3A_233, %add3A_8] : memref<128x128xf32, #tpu.memory_space<vmem>>[vector<16xi32>, vector<16xi32>], vector<16xf32>,
          %get3A_235 = arith.index_cast %add3A_208 : i32 to index
          %get3A_236 = tpu.vector_load %arg9[%get3A_235] {strides = array<i32>} : memref<2048xf32, #tpu.memory_space<vmem>>, vector<16xf32>,
          %gt3A_237 = arith.constant 5.000000e-01 : f32
          %gt3A_238 = vector.broadcast %gt3A_237 : f32 to vector<16xf32>
          %gt3A_239 = arith.cmpf ogt, %get3A_236, %gt3A_238 : vector<16xf32>
          %broadcast_in_dim3A_240 = arith.constant -1.000000e+00 : f32
          %broadcast_in_dim3A_241 = vector.broadcast %broadcast_in_dim3A_240 : f32 to vector<16xf32>
          %abs3A_242 = math.absf %gather3A_234 : vector<16xf32>
          %select_n3A_243 = arith.select %gt3A_239, %broadcast_in_dim3A_241, %abs3A_242 : vector<16xi1>, vector<16xf32>
          %mul3A_244 = arith.constant 2048 : i32
          %mul3A_245 = arith.muli %mul3A_81, %mul3A_244 : i32
          %add3A_246 = arith.addi %mul3A_245, %add3A_208 : i32
          %swap3A_247 = arith.index_cast %add3A_246 : i32 to index
          %swap3A_248 = tpu.vector_load %arg6[%swap3A_247] {strides = array<i32>} : memref<32768xf32, #tpu.memory_space<vmem>>, vector<16xf32>,
          tpu.vector_store %arg6[%swap3A_247], %select_n3A_243 {strides = array<i32>} : memref<32768xf32, #tpu.memory_space<vmem>>, vector<16xf32>,
          %max3A_249 = arith.maximumf %max3A_206, %select_n3A_243 : vector<16xf32>
          %add3A_250 = arith.constant 48 : i32
          %add3A_251 = arith.addi %mul3A_132, %add3A_250 : i32
          %jit3A_252 = arith.constant 16 : i32
          %div3A_253 = arith.divsi %add3A_251, %jit3A_252 : i32
          %sign3A_254 = arith.constant 0 : i32
          %sign3A_255 = arith.cmpi sgt, %add3A_251, %sign3A_254 : i32
          %sign3A_256 = arith.extui %sign3A_255 : i1 to i32
          %sign3A_257 = arith.constant 0 : i32
          %sign3A_258 = arith.cmpi slt, %add3A_251, %sign3A_257 : i32
          %sign3A_259 = arith.extui %sign3A_258 : i1 to i32
          %sign3A_260 = arith.subi %sign3A_256, %sign3A_259 : i32
          %sign3A_261 = arith.constant 0 : i32
          %sign3A_262 = arith.cmpi sgt, %jit3A_252, %sign3A_261 : i32
          %sign3A_263 = arith.extui %sign3A_262 : i1 to i32
          %sign3A_264 = arith.constant 0 : i32
          %sign3A_265 = arith.cmpi slt, %jit3A_252, %sign3A_264 : i32
          %sign3A_266 = arith.extui %sign3A_265 : i1 to i32
          %sign3A_267 = arith.subi %sign3A_263, %sign3A_266 : i32
          %ne3A_268 = arith.cmpi ne, %sign3A_260, %sign3A_267 : i32
          %rem3A_269 = arith.remsi %add3A_251, %jit3A_252 : i32
          %ne3A_270 = arith.constant 0 : i32
          %ne3A_271 = arith.cmpi ne, %rem3A_269, %ne3A_270 : i32
          %and3A_272 = arith.andi %ne3A_268, %ne3A_271 : i1
          %sub3A_273 = arith.constant 1 : i32
          %sub3A_274 = arith.subi %div3A_253, %sub3A_273 : i32
          %select_n3A_275 = arith.select %and3A_272, %sub3A_274, %div3A_253 : i32
          %broadcast_in_dim3A_276 = vector.broadcast %select_n3A_275 : i32 to vector<16xi32>
          %gather3A_277 = tpu.vector_load_idx %arg7[%broadcast_in_dim3A_276, %add3A_8] : memref<128x128xf32, #tpu.memory_space<vmem>>[vector<16xi32>, vector<16xi32>], vector<16xf32>,
          %get3A_278 = arith.index_cast %add3A_251 : i32 to index
          %get3A_279 = tpu.vector_load %arg9[%get3A_278] {strides = array<i32>} : memref<2048xf32, #tpu.memory_space<vmem>>, vector<16xf32>,
          %gt3A_280 = arith.constant 5.000000e-01 : f32
          %gt3A_281 = vector.broadcast %gt3A_280 : f32 to vector<16xf32>
          %gt3A_282 = arith.cmpf ogt, %get3A_279, %gt3A_281 : vector<16xf32>
          %broadcast_in_dim3A_283 = arith.constant -1.000000e+00 : f32
          %broadcast_in_dim3A_284 = vector.broadcast %broadcast_in_dim3A_283 : f32 to vector<16xf32>
          %abs3A_285 = math.absf %gather3A_277 : vector<16xf32>
          %select_n3A_286 = arith.select %gt3A_282, %broadcast_in_dim3A_284, %abs3A_285 : vector<16xi1>, vector<16xf32>
          %mul3A_287 = arith.constant 2048 : i32
          %mul3A_288 = arith.muli %mul3A_81, %mul3A_287 : i32
          %add3A_289 = arith.addi %mul3A_288, %add3A_251 : i32
          %swap3A_290 = arith.index_cast %add3A_289 : i32 to index
          %swap3A_291 = tpu.vector_load %arg6[%swap3A_290] {strides = array<i32>} : memref<32768xf32, #tpu.memory_space<vmem>>, vector<16xf32>,
          tpu.vector_store %arg6[%swap3A_290], %select_n3A_286 {strides = array<i32>} : memref<32768xf32, #tpu.memory_space<vmem>>, vector<16xf32>,
          %max3A_292 = arith.maximumf %max3A_249, %select_n3A_286 : vector<16xf32>
          %add3A_293 = arith.constant 64 : i32
          %add3A_294 = arith.addi %mul3A_132, %add3A_293 : i32
          %jit3A_295 = arith.constant 16 : i32
          %div3A_296 = arith.divsi %add3A_294, %jit3A_295 : i32
          %sign3A_297 = arith.constant 0 : i32
          %sign3A_298 = arith.cmpi sgt, %add3A_294, %sign3A_297 : i32
          %sign3A_299 = arith.extui %sign3A_298 : i1 to i32
          %sign3A_300 = arith.constant 0 : i32
          %sign3A_301 = arith.cmpi slt, %add3A_294, %sign3A_300 : i32
          %sign3A_302 = arith.extui %sign3A_301 : i1 to i32
          %sign3A_303 = arith.subi %sign3A_299, %sign3A_302 : i32
          %sign3A_304 = arith.constant 0 : i32
          %sign3A_305 = arith.cmpi sgt, %jit3A_295, %sign3A_304 : i32
          %sign3A_306 = arith.extui %sign3A_305 : i1 to i32
          %sign3A_307 = arith.constant 0 : i32
          %sign3A_308 = arith.cmpi slt, %jit3A_295, %sign3A_307 : i32
          %sign3A_309 = arith.extui %sign3A_308 : i1 to i32
          %sign3A_310 = arith.subi %sign3A_306, %sign3A_309 : i32
          %ne3A_311 = arith.cmpi ne, %sign3A_303, %sign3A_310 : i32
          %rem3A_312 = arith.remsi %add3A_294, %jit3A_295 : i32
          %ne3A_313 = arith.constant 0 : i32
          %ne3A_314 = arith.cmpi ne, %rem3A_312, %ne3A_313 : i32
          %and3A_315 = arith.andi %ne3A_311, %ne3A_314 : i1
          %sub3A_316 = arith.constant 1 : i32
          %sub3A_317 = arith.subi %div3A_296, %sub3A_316 : i32
          %select_n3A_318 = arith.select %and3A_315, %sub3A_317, %div3A_296 : i32
          %broadcast_in_dim3A_319 = vector.broadcast %select_n3A_318 : i32 to vector<16xi32>
          %gather3A_320 = tpu.vector_load_idx %arg7[%broadcast_in_dim3A_319, %add3A_8] : memref<128x128xf32, #tpu.memory_space<vmem>>[vector<16xi32>, vector<16xi32>], vector<16xf32>,
          %get3A_321 = arith.index_cast %add3A_294 : i32 to index
          %get3A_322 = tpu.vector_load %arg9[%get3A_321] {strides = array<i32>} : memref<2048xf32, #tpu.memory_space<vmem>>, vector<16xf32>,
          %gt3A_323 = arith.constant 5.000000e-01 : f32
          %gt3A_324 = vector.broadcast %gt3A_323 : f32 to vector<16xf32>
          %gt3A_325 = arith.cmpf ogt, %get3A_322, %gt3A_324 : vector<16xf32>
          %broadcast_in_dim3A_326 = arith.constant -1.000000e+00 : f32
          %broadcast_in_dim3A_327 = vector.broadcast %broadcast_in_dim3A_326 : f32 to vector<16xf32>
          %abs3A_328 = math.absf %gather3A_320 : vector<16xf32>
          %select_n3A_329 = arith.select %gt3A_325, %broadcast_in_dim3A_327, %abs3A_328 : vector<16xi1>, vector<16xf32>
          %mul3A_330 = arith.constant 2048 : i32
          %mul3A_331 = arith.muli %mul3A_81, %mul3A_330 : i32
          %add3A_332 = arith.addi %mul3A_331, %add3A_294 : i32
          %swap3A_333 = arith.index_cast %add3A_332 : i32 to index
          %swap3A_334 = tpu.vector_load %arg6[%swap3A_333] {strides = array<i32>} : memref<32768xf32, #tpu.memory_space<vmem>>, vector<16xf32>,
          tpu.vector_store %arg6[%swap3A_333], %select_n3A_329 {strides = array<i32>} : memref<32768xf32, #tpu.memory_space<vmem>>, vector<16xf32>,
          %max3A_335 = arith.maximumf %max3A_292, %select_n3A_329 : vector<16xf32>
          %add3A_336 = arith.constant 80 : i32
          %add3A_337 = arith.addi %mul3A_132, %add3A_336 : i32
          %jit3A_338 = arith.constant 16 : i32
          %div3A_339 = arith.divsi %add3A_337, %jit3A_338 : i32
          %sign3A_340 = arith.constant 0 : i32
          %sign3A_341 = arith.cmpi sgt, %add3A_337, %sign3A_340 : i32
          %sign3A_342 = arith.extui %sign3A_341 : i1 to i32
          %sign3A_343 = arith.constant 0 : i32
          %sign3A_344 = arith.cmpi slt, %add3A_337, %sign3A_343 : i32
          %sign3A_345 = arith.extui %sign3A_344 : i1 to i32
          %sign3A_346 = arith.subi %sign3A_342, %sign3A_345 : i32
          %sign3A_347 = arith.constant 0 : i32
          %sign3A_348 = arith.cmpi sgt, %jit3A_338, %sign3A_347 : i32
          %sign3A_349 = arith.extui %sign3A_348 : i1 to i32
          %sign3A_350 = arith.constant 0 : i32
          %sign3A_351 = arith.cmpi slt, %jit3A_338, %sign3A_350 : i32
          %sign3A_352 = arith.extui %sign3A_351 : i1 to i32
          %sign3A_353 = arith.subi %sign3A_349, %sign3A_352 : i32
          %ne3A_354 = arith.cmpi ne, %sign3A_346, %sign3A_353 : i32
          %rem3A_355 = arith.remsi %add3A_337, %jit3A_338 : i32
          %ne3A_356 = arith.constant 0 : i32
          %ne3A_357 = arith.cmpi ne, %rem3A_355, %ne3A_356 : i32
          %and3A_358 = arith.andi %ne3A_354, %ne3A_357 : i1
          %sub3A_359 = arith.constant 1 : i32
          %sub3A_360 = arith.subi %div3A_339, %sub3A_359 : i32
          %select_n3A_361 = arith.select %and3A_358, %sub3A_360, %div3A_339 : i32
          %broadcast_in_dim3A_362 = vector.broadcast %select_n3A_361 : i32 to vector<16xi32>
          %gather3A_363 = tpu.vector_load_idx %arg7[%broadcast_in_dim3A_362, %add3A_8] : memref<128x128xf32, #tpu.memory_space<vmem>>[vector<16xi32>, vector<16xi32>], vector<16xf32>,
          %get3A_364 = arith.index_cast %add3A_337 : i32 to index
          %get3A_365 = tpu.vector_load %arg9[%get3A_364] {strides = array<i32>} : memref<2048xf32, #tpu.memory_space<vmem>>, vector<16xf32>,
          %gt3A_366 = arith.constant 5.000000e-01 : f32
          %gt3A_367 = vector.broadcast %gt3A_366 : f32 to vector<16xf32>
          %gt3A_368 = arith.cmpf ogt, %get3A_365, %gt3A_367 : vector<16xf32>
          %broadcast_in_dim3A_369 = arith.constant -1.000000e+00 : f32
          %broadcast_in_dim3A_370 = vector.broadcast %broadcast_in_dim3A_369 : f32 to vector<16xf32>
          %abs3A_371 = math.absf %gather3A_363 : vector<16xf32>
          %select_n3A_372 = arith.select %gt3A_368, %broadcast_in_dim3A_370, %abs3A_371 : vector<16xi1>, vector<16xf32>
          %mul3A_373 = arith.constant 2048 : i32
          %mul3A_374 = arith.muli %mul3A_81, %mul3A_373 : i32
          %add3A_375 = arith.addi %mul3A_374, %add3A_337 : i32
          %swap3A_376 = arith.index_cast %add3A_375 : i32 to index
          %swap3A_377 = tpu.vector_load %arg6[%swap3A_376] {strides = array<i32>} : memref<32768xf32, #tpu.memory_space<vmem>>, vector<16xf32>,
          tpu.vector_store %arg6[%swap3A_376], %select_n3A_372 {strides = array<i32>} : memref<32768xf32, #tpu.memory_space<vmem>>, vector<16xf32>,
          %max3A_378 = arith.maximumf %max3A_335, %select_n3A_372 : vector<16xf32>
          %add3A_379 = arith.constant 96 : i32
          %add3A_380 = arith.addi %mul3A_132, %add3A_379 : i32
          %jit3A_381 = arith.constant 16 : i32
          %div3A_382 = arith.divsi %add3A_380, %jit3A_381 : i32
          %sign3A_383 = arith.constant 0 : i32
          %sign3A_384 = arith.cmpi sgt, %add3A_380, %sign3A_383 : i32
          %sign3A_385 = arith.extui %sign3A_384 : i1 to i32
          %sign3A_386 = arith.constant 0 : i32
          %sign3A_387 = arith.cmpi slt, %add3A_380, %sign3A_386 : i32
          %sign3A_388 = arith.extui %sign3A_387 : i1 to i32
          %sign3A_389 = arith.subi %sign3A_385, %sign3A_388 : i32
          %sign3A_390 = arith.constant 0 : i32
          %sign3A_391 = arith.cmpi sgt, %jit3A_381, %sign3A_390 : i32
          %sign3A_392 = arith.extui %sign3A_391 : i1 to i32
          %sign3A_393 = arith.constant 0 : i32
          %sign3A_394 = arith.cmpi slt, %jit3A_381, %sign3A_393 : i32
          %sign3A_395 = arith.extui %sign3A_394 : i1 to i32
          %sign3A_396 = arith.subi %sign3A_392, %sign3A_395 : i32
          %ne3A_397 = arith.cmpi ne, %sign3A_389, %sign3A_396 : i32
          %rem3A_398 = arith.remsi %add3A_380, %jit3A_381 : i32
          %ne3A_399 = arith.constant 0 : i32
          %ne3A_400 = arith.cmpi ne, %rem3A_398, %ne3A_399 : i32
          %and3A_401 = arith.andi %ne3A_397, %ne3A_400 : i1
          %sub3A_402 = arith.constant 1 : i32
          %sub3A_403 = arith.subi %div3A_382, %sub3A_402 : i32
          %select_n3A_404 = arith.select %and3A_401, %sub3A_403, %div3A_382 : i32
          %broadcast_in_dim3A_405 = vector.broadcast %select_n3A_404 : i32 to vector<16xi32>
          %gather3A_406 = tpu.vector_load_idx %arg7[%broadcast_in_dim3A_405, %add3A_8] : memref<128x128xf32, #tpu.memory_space<vmem>>[vector<16xi32>, vector<16xi32>], vector<16xf32>,
          %get3A_407 = arith.index_cast %add3A_380 : i32 to index
          %get3A_408 = tpu.vector_load %arg9[%get3A_407] {strides = array<i32>} : memref<2048xf32, #tpu.memory_space<vmem>>, vector<16xf32>,
          %gt3A_409 = arith.constant 5.000000e-01 : f32
          %gt3A_410 = vector.broadcast %gt3A_409 : f32 to vector<16xf32>
          %gt3A_411 = arith.cmpf ogt, %get3A_408, %gt3A_410 : vector<16xf32>
          %broadcast_in_dim3A_412 = arith.constant -1.000000e+00 : f32
          %broadcast_in_dim3A_413 = vector.broadcast %broadcast_in_dim3A_412 : f32 to vector<16xf32>
          %abs3A_414 = math.absf %gather3A_406 : vector<16xf32>
          %select_n3A_415 = arith.select %gt3A_411, %broadcast_in_dim3A_413, %abs3A_414 : vector<16xi1>, vector<16xf32>
          %mul3A_416 = arith.constant 2048 : i32
          %mul3A_417 = arith.muli %mul3A_81, %mul3A_416 : i32
          %add3A_418 = arith.addi %mul3A_417, %add3A_380 : i32
          %swap3A_419 = arith.index_cast %add3A_418 : i32 to index
          %swap3A_420 = tpu.vector_load %arg6[%swap3A_419] {strides = array<i32>} : memref<32768xf32, #tpu.memory_space<vmem>>, vector<16xf32>,
          tpu.vector_store %arg6[%swap3A_419], %select_n3A_415 {strides = array<i32>} : memref<32768xf32, #tpu.memory_space<vmem>>, vector<16xf32>,
          %max3A_421 = arith.maximumf %max3A_378, %select_n3A_415 : vector<16xf32>
          %add3A_422 = arith.constant 112 : i32
          %add3A_423 = arith.addi %mul3A_132, %add3A_422 : i32
          %jit3A_424 = arith.constant 16 : i32
          %div3A_425 = arith.divsi %add3A_423, %jit3A_424 : i32
          %sign3A_426 = arith.constant 0 : i32
          %sign3A_427 = arith.cmpi sgt, %add3A_423, %sign3A_426 : i32
          %sign3A_428 = arith.extui %sign3A_427 : i1 to i32
          %sign3A_429 = arith.constant 0 : i32
          %sign3A_430 = arith.cmpi slt, %add3A_423, %sign3A_429 : i32
          %sign3A_431 = arith.extui %sign3A_430 : i1 to i32
          %sign3A_432 = arith.subi %sign3A_428, %sign3A_431 : i32
          %sign3A_433 = arith.constant 0 : i32
          %sign3A_434 = arith.cmpi sgt, %jit3A_424, %sign3A_433 : i32
          %sign3A_435 = arith.extui %sign3A_434 : i1 to i32
          %sign3A_436 = arith.constant 0 : i32
          %sign3A_437 = arith.cmpi slt, %jit3A_424, %sign3A_436 : i32
          %sign3A_438 = arith.extui %sign3A_437 : i1 to i32
          %sign3A_439 = arith.subi %sign3A_435, %sign3A_438 : i32
          %ne3A_440 = arith.cmpi ne, %sign3A_432, %sign3A_439 : i32
          %rem3A_441 = arith.remsi %add3A_423, %jit3A_424 : i32
          %ne3A_442 = arith.constant 0 : i32
          %ne3A_443 = arith.cmpi ne, %rem3A_441, %ne3A_442 : i32
          %and3A_444 = arith.andi %ne3A_440, %ne3A_443 : i1
          %sub3A_445 = arith.constant 1 : i32
          %sub3A_446 = arith.subi %div3A_425, %sub3A_445 : i32
          %select_n3A_447 = arith.select %and3A_444, %sub3A_446, %div3A_425 : i32
          %broadcast_in_dim3A_448 = vector.broadcast %select_n3A_447 : i32 to vector<16xi32>
          %gather3A_449 = tpu.vector_load_idx %arg7[%broadcast_in_dim3A_448, %add3A_8] : memref<128x128xf32, #tpu.memory_space<vmem>>[vector<16xi32>, vector<16xi32>], vector<16xf32>,
          %get3A_450 = arith.index_cast %add3A_423 : i32 to index
          %get3A_451 = tpu.vector_load %arg9[%get3A_450] {strides = array<i32>} : memref<2048xf32, #tpu.memory_space<vmem>>, vector<16xf32>,
          %gt3A_452 = arith.constant 5.000000e-01 : f32
          %gt3A_453 = vector.broadcast %gt3A_452 : f32 to vector<16xf32>
          %gt3A_454 = arith.cmpf ogt, %get3A_451, %gt3A_453 : vector<16xf32>
          %broadcast_in_dim3A_455 = arith.constant -1.000000e+00 : f32
          %broadcast_in_dim3A_456 = vector.broadcast %broadcast_in_dim3A_455 : f32 to vector<16xf32>
          %abs3A_457 = math.absf %gather3A_449 : vector<16xf32>
          %select_n3A_458 = arith.select %gt3A_454, %broadcast_in_dim3A_456, %abs3A_457 : vector<16xi1>, vector<16xf32>
          %mul3A_459 = arith.constant 2048 : i32
          %mul3A_460 = arith.muli %mul3A_81, %mul3A_459 : i32
          %add3A_461 = arith.addi %mul3A_460, %add3A_423 : i32
          %swap3A_462 = arith.index_cast %add3A_461 : i32 to index
          %swap3A_463 = tpu.vector_load %arg6[%swap3A_462] {strides = array<i32>} : memref<32768xf32, #tpu.memory_space<vmem>>, vector<16xf32>,
          tpu.vector_store %arg6[%swap3A_462], %select_n3A_458 {strides = array<i32>} : memref<32768xf32, #tpu.memory_space<vmem>>, vector<16xf32>,
          %max3A_464 = arith.maximumf %max3A_421, %select_n3A_458 : vector<16xf32>
          %add3A_465 = arith.constant 128 : i32
          %add3A_466 = arith.addi %mul3A_132, %add3A_465 : i32
          %jit3A_467 = arith.constant 16 : i32
          %div3A_468 = arith.divsi %add3A_466, %jit3A_467 : i32
          %sign3A_469 = arith.constant 0 : i32
          %sign3A_470 = arith.cmpi sgt, %add3A_466, %sign3A_469 : i32
          %sign3A_471 = arith.extui %sign3A_470 : i1 to i32
          %sign3A_472 = arith.constant 0 : i32
          %sign3A_473 = arith.cmpi slt, %add3A_466, %sign3A_472 : i32
          %sign3A_474 = arith.extui %sign3A_473 : i1 to i32
          %sign3A_475 = arith.subi %sign3A_471, %sign3A_474 : i32
          %sign3A_476 = arith.constant 0 : i32
          %sign3A_477 = arith.cmpi sgt, %jit3A_467, %sign3A_476 : i32
          %sign3A_478 = arith.extui %sign3A_477 : i1 to i32
          %sign3A_479 = arith.constant 0 : i32
          %sign3A_480 = arith.cmpi slt, %jit3A_467, %sign3A_479 : i32
          %sign3A_481 = arith.extui %sign3A_480 : i1 to i32
          %sign3A_482 = arith.subi %sign3A_478, %sign3A_481 : i32
          %ne3A_483 = arith.cmpi ne, %sign3A_475, %sign3A_482 : i32
          %rem3A_484 = arith.remsi %add3A_466, %jit3A_467 : i32
          %ne3A_485 = arith.constant 0 : i32
          %ne3A_486 = arith.cmpi ne, %rem3A_484, %ne3A_485 : i32
          %and3A_487 = arith.andi %ne3A_483, %ne3A_486 : i1
          %sub3A_488 = arith.constant 1 : i32
          %sub3A_489 = arith.subi %div3A_468, %sub3A_488 : i32
          %select_n3A_490 = arith.select %and3A_487, %sub3A_489, %div3A_468 : i32
          %broadcast_in_dim3A_491 = vector.broadcast %select_n3A_490 : i32 to vector<16xi32>
          %gather3A_492 = tpu.vector_load_idx %arg7[%broadcast_in_dim3A_491, %add3A_8] : memref<128x128xf32, #tpu.memory_space<vmem>>[vector<16xi32>, vector<16xi32>], vector<16xf32>,
          %get3A_493 = arith.index_cast %add3A_466 : i32 to index
          %get3A_494 = tpu.vector_load %arg9[%get3A_493] {strides = array<i32>} : memref<2048xf32, #tpu.memory_space<vmem>>, vector<16xf32>,
          %gt3A_495 = arith.constant 5.000000e-01 : f32
          %gt3A_496 = vector.broadcast %gt3A_495 : f32 to vector<16xf32>
          %gt3A_497 = arith.cmpf ogt, %get3A_494, %gt3A_496 : vector<16xf32>
          %broadcast_in_dim3A_498 = arith.constant -1.000000e+00 : f32
          %broadcast_in_dim3A_499 = vector.broadcast %broadcast_in_dim3A_498 : f32 to vector<16xf32>
          %abs3A_500 = math.absf %gather3A_492 : vector<16xf32>
          %select_n3A_501 = arith.select %gt3A_497, %broadcast_in_dim3A_499, %abs3A_500 : vector<16xi1>, vector<16xf32>
          %mul3A_502 = arith.constant 2048 : i32
          %mul3A_503 = arith.muli %mul3A_81, %mul3A_502 : i32
          %add3A_504 = arith.addi %mul3A_503, %add3A_466 : i32
          %swap3A_505 = arith.index_cast %add3A_504 : i32 to index
          %swap3A_506 = tpu.vector_load %arg6[%swap3A_505] {strides = array<i32>} : memref<32768xf32, #tpu.memory_space<vmem>>, vector<16xf32>,
          tpu.vector_store %arg6[%swap3A_505], %select_n3A_501 {strides = array<i32>} : memref<32768xf32, #tpu.memory_space<vmem>>, vector<16xf32>,
          %max3A_507 = arith.maximumf %max3A_464, %select_n3A_501 : vector<16xf32>
          %add3A_508 = arith.constant 144 : i32
          %add3A_509 = arith.addi %mul3A_132, %add3A_508 : i32
          %jit3A_510 = arith.constant 16 : i32
          %div3A_511 = arith.divsi %add3A_509, %jit3A_510 : i32
          %sign3A_512 = arith.constant 0 : i32
          %sign3A_513 = arith.cmpi sgt, %add3A_509, %sign3A_512 : i32
          %sign3A_514 = arith.extui %sign3A_513 : i1 to i32
          %sign3A_515 = arith.constant 0 : i32
          %sign3A_516 = arith.cmpi slt, %add3A_509, %sign3A_515 : i32
          %sign3A_517 = arith.extui %sign3A_516 : i1 to i32
          %sign3A_518 = arith.subi %sign3A_514, %sign3A_517 : i32
          %sign3A_519 = arith.constant 0 : i32
          %sign3A_520 = arith.cmpi sgt, %jit3A_510, %sign3A_519 : i32
          %sign3A_521 = arith.extui %sign3A_520 : i1 to i32
          %sign3A_522 = arith.constant 0 : i32
          %sign3A_523 = arith.cmpi slt, %jit3A_510, %sign3A_522 : i32
          %sign3A_524 = arith.extui %sign3A_523 : i1 to i32
          %sign3A_525 = arith.subi %sign3A_521, %sign3A_524 : i32
          %ne3A_526 = arith.cmpi ne, %sign3A_518, %sign3A_525 : i32
          %rem3A_527 = arith.remsi %add3A_509, %jit3A_510 : i32
          %ne3A_528 = arith.constant 0 : i32
          %ne3A_529 = arith.cmpi ne, %rem3A_527, %ne3A_528 : i32
          %and3A_530 = arith.andi %ne3A_526, %ne3A_529 : i1
          %sub3A_531 = arith.constant 1 : i32
          %sub3A_532 = arith.subi %div3A_511, %sub3A_531 : i32
          %select_n3A_533 = arith.select %and3A_530, %sub3A_532, %div3A_511 : i32
          %broadcast_in_dim3A_534 = vector.broadcast %select_n3A_533 : i32 to vector<16xi32>
          %gather3A_535 = tpu.vector_load_idx %arg7[%broadcast_in_dim3A_534, %add3A_8] : memref<128x128xf32, #tpu.memory_space<vmem>>[vector<16xi32>, vector<16xi32>], vector<16xf32>,
          %get3A_536 = arith.index_cast %add3A_509 : i32 to index
          %get3A_537 = tpu.vector_load %arg9[%get3A_536] {strides = array<i32>} : memref<2048xf32, #tpu.memory_space<vmem>>, vector<16xf32>,
          %gt3A_538 = arith.constant 5.000000e-01 : f32
          %gt3A_539 = vector.broadcast %gt3A_538 : f32 to vector<16xf32>
          %gt3A_540 = arith.cmpf ogt, %get3A_537, %gt3A_539 : vector<16xf32>
          %broadcast_in_dim3A_541 = arith.constant -1.000000e+00 : f32
          %broadcast_in_dim3A_542 = vector.broadcast %broadcast_in_dim3A_541 : f32 to vector<16xf32>
          %abs3A_543 = math.absf %gather3A_535 : vector<16xf32>
          %select_n3A_544 = arith.select %gt3A_540, %broadcast_in_dim3A_542, %abs3A_543 : vector<16xi1>, vector<16xf32>
          %mul3A_545 = arith.constant 2048 : i32
          %mul3A_546 = arith.muli %mul3A_81, %mul3A_545 : i32
          %add3A_547 = arith.addi %mul3A_546, %add3A_509 : i32
          %swap3A_548 = arith.index_cast %add3A_547 : i32 to index
          %swap3A_549 = tpu.vector_load %arg6[%swap3A_548] {strides = array<i32>} : memref<32768xf32, #tpu.memory_space<vmem>>, vector<16xf32>,
          tpu.vector_store %arg6[%swap3A_548], %select_n3A_544 {strides = array<i32>} : memref<32768xf32, #tpu.memory_space<vmem>>, vector<16xf32>,
          %max3A_550 = arith.maximumf %max3A_507, %select_n3A_544 : vector<16xf32>
          %add3A_551 = arith.constant 160 : i32
          %add3A_552 = arith.addi %mul3A_132, %add3A_551 : i32
          %jit3A_553 = arith.constant 16 : i32
          %div3A_554 = arith.divsi %add3A_552, %jit3A_553 : i32
          %sign3A_555 = arith.constant 0 : i32
          %sign3A_556 = arith.cmpi sgt, %add3A_552, %sign3A_555 : i32
          %sign3A_557 = arith.extui %sign3A_556 : i1 to i32
          %sign3A_558 = arith.constant 0 : i32
          %sign3A_559 = arith.cmpi slt, %add3A_552, %sign3A_558 : i32
          %sign3A_560 = arith.extui %sign3A_559 : i1 to i32
          %sign3A_561 = arith.subi %sign3A_557, %sign3A_560 : i32
          %sign3A_562 = arith.constant 0 : i32
          %sign3A_563 = arith.cmpi sgt, %jit3A_553, %sign3A_562 : i32
          %sign3A_564 = arith.extui %sign3A_563 : i1 to i32
          %sign3A_565 = arith.constant 0 : i32
          %sign3A_566 = arith.cmpi slt, %jit3A_553, %sign3A_565 : i32
          %sign3A_567 = arith.extui %sign3A_566 : i1 to i32
          %sign3A_568 = arith.subi %sign3A_564, %sign3A_567 : i32
          %ne3A_569 = arith.cmpi ne, %sign3A_561, %sign3A_568 : i32
          %rem3A_570 = arith.remsi %add3A_552, %jit3A_553 : i32
          %ne3A_571 = arith.constant 0 : i32
          %ne3A_572 = arith.cmpi ne, %rem3A_570, %ne3A_571 : i32
          %and3A_573 = arith.andi %ne3A_569, %ne3A_572 : i1
          %sub3A_574 = arith.constant 1 : i32
          %sub3A_575 = arith.subi %div3A_554, %sub3A_574 : i32
          %select_n3A_576 = arith.select %and3A_573, %sub3A_575, %div3A_554 : i32
          %broadcast_in_dim3A_577 = vector.broadcast %select_n3A_576 : i32 to vector<16xi32>
          %gather3A_578 = tpu.vector_load_idx %arg7[%broadcast_in_dim3A_577, %add3A_8] : memref<128x128xf32, #tpu.memory_space<vmem>>[vector<16xi32>, vector<16xi32>], vector<16xf32>,
          %get3A_579 = arith.index_cast %add3A_552 : i32 to index
          %get3A_580 = tpu.vector_load %arg9[%get3A_579] {strides = array<i32>} : memref<2048xf32, #tpu.memory_space<vmem>>, vector<16xf32>,
          %gt3A_581 = arith.constant 5.000000e-01 : f32
          %gt3A_582 = vector.broadcast %gt3A_581 : f32 to vector<16xf32>
          %gt3A_583 = arith.cmpf ogt, %get3A_580, %gt3A_582 : vector<16xf32>
          %broadcast_in_dim3A_584 = arith.constant -1.000000e+00 : f32
          %broadcast_in_dim3A_585 = vector.broadcast %broadcast_in_dim3A_584 : f32 to vector<16xf32>
          %abs3A_586 = math.absf %gather3A_578 : vector<16xf32>
          %select_n3A_587 = arith.select %gt3A_583, %broadcast_in_dim3A_585, %abs3A_586 : vector<16xi1>, vector<16xf32>
          %mul3A_588 = arith.constant 2048 : i32
          %mul3A_589 = arith.muli %mul3A_81, %mul3A_588 : i32
          %add3A_590 = arith.addi %mul3A_589, %add3A_552 : i32
          %swap3A_591 = arith.index_cast %add3A_590 : i32 to index
          %swap3A_592 = tpu.vector_load %arg6[%swap3A_591] {strides = array<i32>} : memref<32768xf32, #tpu.memory_space<vmem>>, vector<16xf32>,
          tpu.vector_store %arg6[%swap3A_591], %select_n3A_587 {strides = array<i32>} : memref<32768xf32, #tpu.memory_space<vmem>>, vector<16xf32>,
          %max3A_593 = arith.maximumf %max3A_550, %select_n3A_587 : vector<16xf32>
          %add3A_594 = arith.constant 176 : i32
          %add3A_595 = arith.addi %mul3A_132, %add3A_594 : i32
          %jit3A_596 = arith.constant 16 : i32
          %div3A_597 = arith.divsi %add3A_595, %jit3A_596 : i32
          %sign3A_598 = arith.constant 0 : i32
          %sign3A_599 = arith.cmpi sgt, %add3A_595, %sign3A_598 : i32
          %sign3A_600 = arith.extui %sign3A_599 : i1 to i32
          %sign3A_601 = arith.constant 0 : i32
          %sign3A_602 = arith.cmpi slt, %add3A_595, %sign3A_601 : i32
          %sign3A_603 = arith.extui %sign3A_602 : i1 to i32
          %sign3A_604 = arith.subi %sign3A_600, %sign3A_603 : i32
          %sign3A_605 = arith.constant 0 : i32
          %sign3A_606 = arith.cmpi sgt, %jit3A_596, %sign3A_605 : i32
          %sign3A_607 = arith.extui %sign3A_606 : i1 to i32
          %sign3A_608 = arith.constant 0 : i32
          %sign3A_609 = arith.cmpi slt, %jit3A_596, %sign3A_608 : i32
          %sign3A_610 = arith.extui %sign3A_609 : i1 to i32
          %sign3A_611 = arith.subi %sign3A_607, %sign3A_610 : i32
          %ne3A_612 = arith.cmpi ne, %sign3A_604, %sign3A_611 : i32
          %rem3A_613 = arith.remsi %add3A_595, %jit3A_596 : i32
          %ne3A_614 = arith.constant 0 : i32
          %ne3A_615 = arith.cmpi ne, %rem3A_613, %ne3A_614 : i32
          %and3A_616 = arith.andi %ne3A_612, %ne3A_615 : i1
          %sub3A_617 = arith.constant 1 : i32
          %sub3A_618 = arith.subi %div3A_597, %sub3A_617 : i32
          %select_n3A_619 = arith.select %and3A_616, %sub3A_618, %div3A_597 : i32
          %broadcast_in_dim3A_620 = vector.broadcast %select_n3A_619 : i32 to vector<16xi32>
          %gather3A_621 = tpu.vector_load_idx %arg7[%broadcast_in_dim3A_620, %add3A_8] : memref<128x128xf32, #tpu.memory_space<vmem>>[vector<16xi32>, vector<16xi32>], vector<16xf32>,
          %get3A_622 = arith.index_cast %add3A_595 : i32 to index
          %get3A_623 = tpu.vector_load %arg9[%get3A_622] {strides = array<i32>} : memref<2048xf32, #tpu.memory_space<vmem>>, vector<16xf32>,
          %gt3A_624 = arith.constant 5.000000e-01 : f32
          %gt3A_625 = vector.broadcast %gt3A_624 : f32 to vector<16xf32>
          %gt3A_626 = arith.cmpf ogt, %get3A_623, %gt3A_625 : vector<16xf32>
          %broadcast_in_dim3A_627 = arith.constant -1.000000e+00 : f32
          %broadcast_in_dim3A_628 = vector.broadcast %broadcast_in_dim3A_627 : f32 to vector<16xf32>
          %abs3A_629 = math.absf %gather3A_621 : vector<16xf32>
          %select_n3A_630 = arith.select %gt3A_626, %broadcast_in_dim3A_628, %abs3A_629 : vector<16xi1>, vector<16xf32>
          %mul3A_631 = arith.constant 2048 : i32
          %mul3A_632 = arith.muli %mul3A_81, %mul3A_631 : i32
          %add3A_633 = arith.addi %mul3A_632, %add3A_595 : i32
          %swap3A_634 = arith.index_cast %add3A_633 : i32 to index
          %swap3A_635 = tpu.vector_load %arg6[%swap3A_634] {strides = array<i32>} : memref<32768xf32, #tpu.memory_space<vmem>>, vector<16xf32>,
          tpu.vector_store %arg6[%swap3A_634], %select_n3A_630 {strides = array<i32>} : memref<32768xf32, #tpu.memory_space<vmem>>, vector<16xf32>,
          %max3A_636 = arith.maximumf %max3A_593, %select_n3A_630 : vector<16xf32>
          %add3A_637 = arith.constant 192 : i32
          %add3A_638 = arith.addi %mul3A_132, %add3A_637 : i32
          %jit3A_639 = arith.constant 16 : i32
          %div3A_640 = arith.divsi %add3A_638, %jit3A_639 : i32
          %sign3A_641 = arith.constant 0 : i32
          %sign3A_642 = arith.cmpi sgt, %add3A_638, %sign3A_641 : i32
          %sign3A_643 = arith.extui %sign3A_642 : i1 to i32
          %sign3A_644 = arith.constant 0 : i32
          %sign3A_645 = arith.cmpi slt, %add3A_638, %sign3A_644 : i32
          %sign3A_646 = arith.extui %sign3A_645 : i1 to i32
          %sign3A_647 = arith.subi %sign3A_643, %sign3A_646 : i32
          %sign3A_648 = arith.constant 0 : i32
          %sign3A_649 = arith.cmpi sgt, %jit3A_639, %sign3A_648 : i32
          %sign3A_650 = arith.extui %sign3A_649 : i1 to i32
          %sign3A_651 = arith.constant 0 : i32
          %sign3A_652 = arith.cmpi slt, %jit3A_639, %sign3A_651 : i32
          %sign3A_653 = arith.extui %sign3A_652 : i1 to i32
          %sign3A_654 = arith.subi %sign3A_650, %sign3A_653 : i32
          %ne3A_655 = arith.cmpi ne, %sign3A_647, %sign3A_654 : i32
          %rem3A_656 = arith.remsi %add3A_638, %jit3A_639 : i32
          %ne3A_657 = arith.constant 0 : i32
          %ne3A_658 = arith.cmpi ne, %rem3A_656, %ne3A_657 : i32
          %and3A_659 = arith.andi %ne3A_655, %ne3A_658 : i1
          %sub3A_660 = arith.constant 1 : i32
          %sub3A_661 = arith.subi %div3A_640, %sub3A_660 : i32
          %select_n3A_662 = arith.select %and3A_659, %sub3A_661, %div3A_640 : i32
          %broadcast_in_dim3A_663 = vector.broadcast %select_n3A_662 : i32 to vector<16xi32>
          %gather3A_664 = tpu.vector_load_idx %arg7[%broadcast_in_dim3A_663, %add3A_8] : memref<128x128xf32, #tpu.memory_space<vmem>>[vector<16xi32>, vector<16xi32>], vector<16xf32>,
          %get3A_665 = arith.index_cast %add3A_638 : i32 to index
          %get3A_666 = tpu.vector_load %arg9[%get3A_665] {strides = array<i32>} : memref<2048xf32, #tpu.memory_space<vmem>>, vector<16xf32>,
          %gt3A_667 = arith.constant 5.000000e-01 : f32
          %gt3A_668 = vector.broadcast %gt3A_667 : f32 to vector<16xf32>
          %gt3A_669 = arith.cmpf ogt, %get3A_666, %gt3A_668 : vector<16xf32>
          %broadcast_in_dim3A_670 = arith.constant -1.000000e+00 : f32
          %broadcast_in_dim3A_671 = vector.broadcast %broadcast_in_dim3A_670 : f32 to vector<16xf32>
          %abs3A_672 = math.absf %gather3A_664 : vector<16xf32>
          %select_n3A_673 = arith.select %gt3A_669, %broadcast_in_dim3A_671, %abs3A_672 : vector<16xi1>, vector<16xf32>
          %mul3A_674 = arith.constant 2048 : i32
          %mul3A_675 = arith.muli %mul3A_81, %mul3A_674 : i32
          %add3A_676 = arith.addi %mul3A_675, %add3A_638 : i32
          %swap3A_677 = arith.index_cast %add3A_676 : i32 to index
          %swap3A_678 = tpu.vector_load %arg6[%swap3A_677] {strides = array<i32>} : memref<32768xf32, #tpu.memory_space<vmem>>, vector<16xf32>,
          tpu.vector_store %arg6[%swap3A_677], %select_n3A_673 {strides = array<i32>} : memref<32768xf32, #tpu.memory_space<vmem>>, vector<16xf32>,
          %max3A_679 = arith.maximumf %max3A_636, %select_n3A_673 : vector<16xf32>
          %add3A_680 = arith.constant 208 : i32
          %add3A_681 = arith.addi %mul3A_132, %add3A_680 : i32
          %jit3A_682 = arith.constant 16 : i32
          %div3A_683 = arith.divsi %add3A_681, %jit3A_682 : i32
          %sign3A_684 = arith.constant 0 : i32
          %sign3A_685 = arith.cmpi sgt, %add3A_681, %sign3A_684 : i32
          %sign3A_686 = arith.extui %sign3A_685 : i1 to i32
          %sign3A_687 = arith.constant 0 : i32
          %sign3A_688 = arith.cmpi slt, %add3A_681, %sign3A_687 : i32
          %sign3A_689 = arith.extui %sign3A_688 : i1 to i32
          %sign3A_690 = arith.subi %sign3A_686, %sign3A_689 : i32
          %sign3A_691 = arith.constant 0 : i32
          %sign3A_692 = arith.cmpi sgt, %jit3A_682, %sign3A_691 : i32
          %sign3A_693 = arith.extui %sign3A_692 : i1 to i32
          %sign3A_694 = arith.constant 0 : i32
          %sign3A_695 = arith.cmpi slt, %jit3A_682, %sign3A_694 : i32
          %sign3A_696 = arith.extui %sign3A_695 : i1 to i32
          %sign3A_697 = arith.subi %sign3A_693, %sign3A_696 : i32
          %ne3A_698 = arith.cmpi ne, %sign3A_690, %sign3A_697 : i32
          %rem3A_699 = arith.remsi %add3A_681, %jit3A_682 : i32
          %ne3A_700 = arith.constant 0 : i32
          %ne3A_701 = arith.cmpi ne, %rem3A_699, %ne3A_700 : i32
          %and3A_702 = arith.andi %ne3A_698, %ne3A_701 : i1
          %sub3A_703 = arith.constant 1 : i32
          %sub3A_704 = arith.subi %div3A_683, %sub3A_703 : i32
          %select_n3A_705 = arith.select %and3A_702, %sub3A_704, %div3A_683 : i32
          %broadcast_in_dim3A_706 = vector.broadcast %select_n3A_705 : i32 to vector<16xi32>
          %gather3A_707 = tpu.vector_load_idx %arg7[%broadcast_in_dim3A_706, %add3A_8] : memref<128x128xf32, #tpu.memory_space<vmem>>[vector<16xi32>, vector<16xi32>], vector<16xf32>,
          %get3A_708 = arith.index_cast %add3A_681 : i32 to index
          %get3A_709 = tpu.vector_load %arg9[%get3A_708] {strides = array<i32>} : memref<2048xf32, #tpu.memory_space<vmem>>, vector<16xf32>,
          %gt3A_710 = arith.constant 5.000000e-01 : f32
          %gt3A_711 = vector.broadcast %gt3A_710 : f32 to vector<16xf32>
          %gt3A_712 = arith.cmpf ogt, %get3A_709, %gt3A_711 : vector<16xf32>
          %broadcast_in_dim3A_713 = arith.constant -1.000000e+00 : f32
          %broadcast_in_dim3A_714 = vector.broadcast %broadcast_in_dim3A_713 : f32 to vector<16xf32>
          %abs3A_715 = math.absf %gather3A_707 : vector<16xf32>
          %select_n3A_716 = arith.select %gt3A_712, %broadcast_in_dim3A_714, %abs3A_715 : vector<16xi1>, vector<16xf32>
          %mul3A_717 = arith.constant 2048 : i32
          %mul3A_718 = arith.muli %mul3A_81, %mul3A_717 : i32
          %add3A_719 = arith.addi %mul3A_718, %add3A_681 : i32
          %swap3A_720 = arith.index_cast %add3A_719 : i32 to index
          %swap3A_721 = tpu.vector_load %arg6[%swap3A_720] {strides = array<i32>} : memref<32768xf32, #tpu.memory_space<vmem>>, vector<16xf32>,
          tpu.vector_store %arg6[%swap3A_720], %select_n3A_716 {strides = array<i32>} : memref<32768xf32, #tpu.memory_space<vmem>>, vector<16xf32>,
          %max3A_722 = arith.maximumf %max3A_679, %select_n3A_716 : vector<16xf32>
          %add3A_723 = arith.constant 224 : i32
          %add3A_724 = arith.addi %mul3A_132, %add3A_723 : i32
          %jit3A_725 = arith.constant 16 : i32
          %div3A_726 = arith.divsi %add3A_724, %jit3A_725 : i32
          %sign3A_727 = arith.constant 0 : i32
          %sign3A_728 = arith.cmpi sgt, %add3A_724, %sign3A_727 : i32
          %sign3A_729 = arith.extui %sign3A_728 : i1 to i32
          %sign3A_730 = arith.constant 0 : i32
          %sign3A_731 = arith.cmpi slt, %add3A_724, %sign3A_730 : i32
          %sign3A_732 = arith.extui %sign3A_731 : i1 to i32
          %sign3A_733 = arith.subi %sign3A_729, %sign3A_732 : i32
          %sign3A_734 = arith.constant 0 : i32
          %sign3A_735 = arith.cmpi sgt, %jit3A_725, %sign3A_734 : i32
          %sign3A_736 = arith.extui %sign3A_735 : i1 to i32
          %sign3A_737 = arith.constant 0 : i32
          %sign3A_738 = arith.cmpi slt, %jit3A_725, %sign3A_737 : i32
          %sign3A_739 = arith.extui %sign3A_738 : i1 to i32
          %sign3A_740 = arith.subi %sign3A_736, %sign3A_739 : i32
          %ne3A_741 = arith.cmpi ne, %sign3A_733, %sign3A_740 : i32
          %rem3A_742 = arith.remsi %add3A_724, %jit3A_725 : i32
          %ne3A_743 = arith.constant 0 : i32
          %ne3A_744 = arith.cmpi ne, %rem3A_742, %ne3A_743 : i32
          %and3A_745 = arith.andi %ne3A_741, %ne3A_744 : i1
          %sub3A_746 = arith.constant 1 : i32
          %sub3A_747 = arith.subi %div3A_726, %sub3A_746 : i32
          %select_n3A_748 = arith.select %and3A_745, %sub3A_747, %div3A_726 : i32
          %broadcast_in_dim3A_749 = vector.broadcast %select_n3A_748 : i32 to vector<16xi32>
          %gather3A_750 = tpu.vector_load_idx %arg7[%broadcast_in_dim3A_749, %add3A_8] : memref<128x128xf32, #tpu.memory_space<vmem>>[vector<16xi32>, vector<16xi32>], vector<16xf32>,
          %get3A_751 = arith.index_cast %add3A_724 : i32 to index
          %get3A_752 = tpu.vector_load %arg9[%get3A_751] {strides = array<i32>} : memref<2048xf32, #tpu.memory_space<vmem>>, vector<16xf32>,
          %gt3A_753 = arith.constant 5.000000e-01 : f32
          %gt3A_754 = vector.broadcast %gt3A_753 : f32 to vector<16xf32>
          %gt3A_755 = arith.cmpf ogt, %get3A_752, %gt3A_754 : vector<16xf32>
          %broadcast_in_dim3A_756 = arith.constant -1.000000e+00 : f32
          %broadcast_in_dim3A_757 = vector.broadcast %broadcast_in_dim3A_756 : f32 to vector<16xf32>
          %abs3A_758 = math.absf %gather3A_750 : vector<16xf32>
          %select_n3A_759 = arith.select %gt3A_755, %broadcast_in_dim3A_757, %abs3A_758 : vector<16xi1>, vector<16xf32>
          %mul3A_760 = arith.constant 2048 : i32
          %mul3A_761 = arith.muli %mul3A_81, %mul3A_760 : i32
          %add3A_762 = arith.addi %mul3A_761, %add3A_724 : i32
          %swap3A_763 = arith.index_cast %add3A_762 : i32 to index
          %swap3A_764 = tpu.vector_load %arg6[%swap3A_763] {strides = array<i32>} : memref<32768xf32, #tpu.memory_space<vmem>>, vector<16xf32>,
          tpu.vector_store %arg6[%swap3A_763], %select_n3A_759 {strides = array<i32>} : memref<32768xf32, #tpu.memory_space<vmem>>, vector<16xf32>,
          %max3A_765 = arith.maximumf %max3A_722, %select_n3A_759 : vector<16xf32>
          %add3A_766 = arith.constant 240 : i32
          %add3A_767 = arith.addi %mul3A_132, %add3A_766 : i32
          %jit3A_768 = arith.constant 16 : i32
          %div3A_769 = arith.divsi %add3A_767, %jit3A_768 : i32
          %sign3A_770 = arith.constant 0 : i32
          %sign3A_771 = arith.cmpi sgt, %add3A_767, %sign3A_770 : i32
          %sign3A_772 = arith.extui %sign3A_771 : i1 to i32
          %sign3A_773 = arith.constant 0 : i32
          %sign3A_774 = arith.cmpi slt, %add3A_767, %sign3A_773 : i32
          %sign3A_775 = arith.extui %sign3A_774 : i1 to i32
          %sign3A_776 = arith.subi %sign3A_772, %sign3A_775 : i32
          %sign3A_777 = arith.constant 0 : i32
          %sign3A_778 = arith.cmpi sgt, %jit3A_768, %sign3A_777 : i32
          %sign3A_779 = arith.extui %sign3A_778 : i1 to i32
          %sign3A_780 = arith.constant 0 : i32
          %sign3A_781 = arith.cmpi slt, %jit3A_768, %sign3A_780 : i32
          %sign3A_782 = arith.extui %sign3A_781 : i1 to i32
          %sign3A_783 = arith.subi %sign3A_779, %sign3A_782 : i32
          %ne3A_784 = arith.cmpi ne, %sign3A_776, %sign3A_783 : i32
          %rem3A_785 = arith.remsi %add3A_767, %jit3A_768 : i32
          %ne3A_786 = arith.constant 0 : i32
          %ne3A_787 = arith.cmpi ne, %rem3A_785, %ne3A_786 : i32
          %and3A_788 = arith.andi %ne3A_784, %ne3A_787 : i1
          %sub3A_789 = arith.constant 1 : i32
          %sub3A_790 = arith.subi %div3A_769, %sub3A_789 : i32
          %select_n3A_791 = arith.select %and3A_788, %sub3A_790, %div3A_769 : i32
          %broadcast_in_dim3A_792 = vector.broadcast %select_n3A_791 : i32 to vector<16xi32>
          %gather3A_793 = tpu.vector_load_idx %arg7[%broadcast_in_dim3A_792, %add3A_8] : memref<128x128xf32, #tpu.memory_space<vmem>>[vector<16xi32>, vector<16xi32>], vector<16xf32>,
          %get3A_794 = arith.index_cast %add3A_767 : i32 to index
          %get3A_795 = tpu.vector_load %arg9[%get3A_794] {strides = array<i32>} : memref<2048xf32, #tpu.memory_space<vmem>>, vector<16xf32>,
          %gt3A_796 = arith.constant 5.000000e-01 : f32
          %gt3A_797 = vector.broadcast %gt3A_796 : f32 to vector<16xf32>
          %gt3A_798 = arith.cmpf ogt, %get3A_795, %gt3A_797 : vector<16xf32>
          %broadcast_in_dim3A_799 = arith.constant -1.000000e+00 : f32
          %broadcast_in_dim3A_800 = vector.broadcast %broadcast_in_dim3A_799 : f32 to vector<16xf32>
          %abs3A_801 = math.absf %gather3A_793 : vector<16xf32>
          %select_n3A_802 = arith.select %gt3A_798, %broadcast_in_dim3A_800, %abs3A_801 : vector<16xi1>, vector<16xf32>
          %mul3A_803 = arith.constant 2048 : i32
          %mul3A_804 = arith.muli %mul3A_81, %mul3A_803 : i32
          %add3A_805 = arith.addi %mul3A_804, %add3A_767 : i32
          %swap3A_806 = arith.index_cast %add3A_805 : i32 to index
          %swap3A_807 = tpu.vector_load %arg6[%swap3A_806] {strides = array<i32>} : memref<32768xf32, #tpu.memory_space<vmem>>, vector<16xf32>,
          tpu.vector_store %arg6[%swap3A_806], %select_n3A_802 {strides = array<i32>} : memref<32768xf32, #tpu.memory_space<vmem>>, vector<16xf32>,
          %max3A_808 = arith.maximumf %max3A_765, %select_n3A_802 : vector<16xf32>
          %mul3A_809 = arith.constant 8 : i32
          %mul3A_810 = arith.muli %mul3A_81, %mul3A_809 : i32
          %add3A_811 = arith.addi %mul3A_810, %scan3A_130 : i32
          %broadcast_in_dim3A_812 = vector.broadcast %add3A_811 : i32 to vector<16xi32>
          %reduce_max3A = arith.constant true
          %reduce_max3A_813 = vector.broadcast %reduce_max3A : i1 to vector<16xi1>
          %reduce_max3A_814 = tpu.scan <max>, %max3A_808 masked %reduce_max3A_813 : vector<16xf32>, vector<16xi1> -> vector<16xf32>
          %reduce_max3A_815 = vector.extract %reduce_max3A_814[15] : f32 from vector<16xf32>
          %broadcast_in_dim3A_816 = vector.broadcast %reduce_max3A_815 : f32 to vector<16xf32>
          tpu.vector_store_idx %arg11[%broadcast_in_dim3A_812], %broadcast_in_dim3A_816 masked %eq3A_2 : memref<128xf32, #tpu.memory_space<vmem>>[vector<16xi32>], vector<16xf32>, vector<16xi1>
        }
        %scan3A_100 = arith.constant 8 : i32
        %lt3A = arith.constant 7 : i32
        %lt3A_101 = arith.cmpi slt, %scan3A_79, %lt3A : i32
        %convert_element_type3A = arith.extui %lt3A_101 : i1 to i32
        %cond3A = arith.constant 0 : i32
        %cond3A_102 = arith.cmpi ne, %convert_element_type3A, %cond3A : i32
        scf.if %cond3A_102 {
          %add3A_130 = arith.constant 2 : i32
          %add3A_131 = arith.addi %mul3A_81, %add3A_130 : i32
          %mul3A_132 = arith.constant 128 : i32
          %mul3A_133 = arith.muli %add3A_131, %mul3A_132 : i32
          %dma_start3A_134 = arith.constant 0 : i32
          %dma_start3A_135 = tpu.memref_slice %arg2[%add3A_17, %mul3A_133, %dma_start3A_134] : memref<128x2048x128xf32, #tpu.memory_space<hbm>> -> memref<1x128x128xf32, #tpu.memory_space<hbm>>
          %dma_start3A_136 = tpu.memref_squeeze %dma_start3A_135 : memref<1x128x128xf32, #tpu.memory_space<hbm>> -> memref<128x128xf32, #tpu.memory_space<hbm>>
          %dma_start3A_137 = arith.constant 0 : i32
          %dma_start3A_138 = tpu.memref_slice %arg2[%add3A_17, %mul3A_133, %dma_start3A_137] : memref<128x2048x128xf32, #tpu.memory_space<hbm>> -> memref<1x128x128xf32, #tpu.memory_space<hbm>>
          %dma_start3A_139 = tpu.memref_squeeze %dma_start3A_138 : memref<1x128x128xf32, #tpu.memory_space<hbm>> -> memref<128x128xf32, #tpu.memory_space<hbm>>
          tpu.enqueue_dma source(%dma_start3A_139 : memref<128x128xf32, #tpu.memory_space<hbm>>) target(%arg7 : memref<128x128xf32, #tpu.memory_space<vmem>>) target_semaphore(%arg18 : memref<!tpu.dma_semaphore, #tpu.memory_space<semaphore_mem>>)
          %mul3A_140 = arith.constant 2048 : i32
          %mul3A_141 = arith.muli %add3A_131, %mul3A_140 : i32
          %dma_start3A_142 = tpu.memref_slice %arg3[%add3A_17, %mul3A_141] : memref<128x32768xf32, #tpu.memory_space<hbm>> -> memref<1x2048xf32, #tpu.memory_space<hbm>>
          %dma_start3A_143 = tpu.memref_squeeze %dma_start3A_142 : memref<1x2048xf32, #tpu.memory_space<hbm>> -> memref<2048xf32, #tpu.memory_space<hbm>>
          %dma_start3A_144 = tpu.memref_slice %arg3[%add3A_17, %mul3A_141] : memref<128x32768xf32, #tpu.memory_space<hbm>> -> memref<1x2048xf32, #tpu.memory_space<hbm>>
          %dma_start3A_145 = tpu.memref_squeeze %dma_start3A_144 : memref<1x2048xf32, #tpu.memory_space<hbm>> -> memref<2048xf32, #tpu.memory_space<hbm>>
          tpu.enqueue_dma source(%dma_start3A_145 : memref<2048xf32, #tpu.memory_space<hbm>>) target(%arg9 : memref<2048xf32, #tpu.memory_space<vmem>>) target_semaphore(%arg20 : memref<!tpu.dma_semaphore, #tpu.memory_space<semaphore_mem>>)
        } else {
        }
        %dma_wait3A_103 = arith.constant 0 : i32
        %dma_wait3A_104 = arith.constant 0 : i32
        %dma_wait3A_105 = tpu.memref_slice %arg2[%add3A_17, %dma_wait3A_103, %dma_wait3A_104] : memref<128x2048x128xf32, #tpu.memory_space<hbm>> -> memref<1x128x128xf32, #tpu.memory_space<hbm>>
        %dma_wait3A_106 = tpu.memref_squeeze %dma_wait3A_105 : memref<1x128x128xf32, #tpu.memory_space<hbm>> -> memref<128x128xf32, #tpu.memory_space<hbm>>
        %dma_wait3A_107 = arith.constant 0 : i32
        %dma_wait3A_108 = arith.constant 0 : i32
        %dma_wait3A_109 = tpu.memref_slice %arg2[%add3A_17, %dma_wait3A_107, %dma_wait3A_108] : memref<128x2048x128xf32, #tpu.memory_space<hbm>> -> memref<1x128x128xf32, #tpu.memory_space<hbm>>
        %dma_wait3A_110 = tpu.memref_squeeze %dma_wait3A_109 : memref<1x128x128xf32, #tpu.memory_space<hbm>> -> memref<128x128xf32, #tpu.memory_space<hbm>>
        tpu.wait_dma2 semaphore(%arg19 : memref<!tpu.dma_semaphore, #tpu.memory_space<semaphore_mem>>) src(%dma_wait3A_110 : memref<128x128xf32, #tpu.memory_space<hbm>>) dst(%arg8 : memref<128x128xf32, #tpu.memory_space<vmem>>)
        %dma_wait3A_111 = arith.constant 0 : i32
        %dma_wait3A_112 = tpu.memref_slice %arg3[%add3A_17, %dma_wait3A_111] : memref<128x32768xf32, #tpu.memory_space<hbm>> -> memref<1x2048xf32, #tpu.memory_space<hbm>>
        %dma_wait3A_113 = tpu.memref_squeeze %dma_wait3A_112 : memref<1x2048xf32, #tpu.memory_space<hbm>> -> memref<2048xf32, #tpu.memory_space<hbm>>
        %dma_wait3A_114 = arith.constant 0 : i32
        %dma_wait3A_115 = tpu.memref_slice %arg3[%add3A_17, %dma_wait3A_114] : memref<128x32768xf32, #tpu.memory_space<hbm>> -> memref<1x2048xf32, #tpu.memory_space<hbm>>
        %dma_wait3A_116 = tpu.memref_squeeze %dma_wait3A_115 : memref<1x2048xf32, #tpu.memory_space<hbm>> -> memref<2048xf32, #tpu.memory_space<hbm>>
        tpu.wait_dma2 semaphore(%arg21 : memref<!tpu.dma_semaphore, #tpu.memory_space<semaphore_mem>>) src(%dma_wait3A_116 : memref<2048xf32, #tpu.memory_space<hbm>>) dst(%arg10 : memref<2048xf32, #tpu.memory_space<vmem>>)
        %add3A_117 = arith.constant 1 : i32
        %add3A_118 = arith.addi %mul3A_81, %add3A_117 : i32
        %scan3A_119 = arith.constant 0 : i32
        %scan3A_120 = arith.constant 0 : i32
        %scan3A_121 = arith.constant 8 : i32
        %scan3A_122 = arith.addi %scan3A_120, %scan3A_121 : i32
        %scan3A_123 = arith.constant 1 : i32
        scf.for %scan3A_130 = %scan3A_120 to %scan3A_122 step %scan3A_123  : i32 {
          %mul3A_131 = arith.constant 256 : i32
          %mul3A_132 = arith.muli %scan3A_130, %mul3A_131 : i32
          %broadcast_in_dim3A = arith.constant -3.000000e+00 : f32
          %broadcast_in_dim3A_133 = vector.broadcast %broadcast_in_dim3A : f32 to vector<16xf32>
          %add3A_134 = arith.constant 0 : i32
          %add3A_135 = arith.addi %mul3A_132, %add3A_134 : i32
          %jit3A = arith.constant 16 : i32
          %div3A = arith.divsi %add3A_135, %jit3A : i32
          %sign3A = arith.constant 0 : i32
          %sign3A_136 = arith.cmpi sgt, %add3A_135, %sign3A : i32
          %sign3A_137 = arith.extui %sign3A_136 : i1 to i32
          %sign3A_138 = arith.constant 0 : i32
          %sign3A_139 = arith.cmpi slt, %add3A_135, %sign3A_138 : i32
          %sign3A_140 = arith.extui %sign3A_139 : i1 to i32
          %sign3A_141 = arith.subi %sign3A_137, %sign3A_140 : i32
          %sign3A_142 = arith.constant 0 : i32
          %sign3A_143 = arith.cmpi sgt, %jit3A, %sign3A_142 : i32
          %sign3A_144 = arith.extui %sign3A_143 : i1 to i32
          %sign3A_145 = arith.constant 0 : i32
          %sign3A_146 = arith.cmpi slt, %jit3A, %sign3A_145 : i32
          %sign3A_147 = arith.extui %sign3A_146 : i1 to i32
          %sign3A_148 = arith.subi %sign3A_144, %sign3A_147 : i32
          %ne3A = arith.cmpi ne, %sign3A_141, %sign3A_148 : i32
          %rem3A = arith.remsi %add3A_135, %jit3A : i32
          %ne3A_149 = arith.constant 0 : i32
          %ne3A_150 = arith.cmpi ne, %rem3A, %ne3A_149 : i32
          %and3A_151 = arith.andi %ne3A, %ne3A_150 : i1
          %sub3A = arith.constant 1 : i32
          %sub3A_152 = arith.subi %div3A, %sub3A : i32
          %select_n3A = arith.select %and3A_151, %sub3A_152, %div3A : i32
          %broadcast_in_dim3A_153 = vector.broadcast %select_n3A : i32 to vector<16xi32>
          %gather3A = tpu.vector_load_idx %arg8[%broadcast_in_dim3A_153, %add3A_8] : memref<128x128xf32, #tpu.memory_space<vmem>>[vector<16xi32>, vector<16xi32>], vector<16xf32>,
          %get3A = arith.index_cast %add3A_135 : i32 to index
          %get3A_154 = tpu.vector_load %arg10[%get3A] {strides = array<i32>} : memref<2048xf32, #tpu.memory_space<vmem>>, vector<16xf32>,
          %gt3A = arith.constant 5.000000e-01 : f32
          %gt3A_155 = vector.broadcast %gt3A : f32 to vector<16xf32>
          %gt3A_156 = arith.cmpf ogt, %get3A_154, %gt3A_155 : vector<16xf32>
          %broadcast_in_dim3A_157 = arith.constant -1.000000e+00 : f32
          %broadcast_in_dim3A_158 = vector.broadcast %broadcast_in_dim3A_157 : f32 to vector<16xf32>
          %abs3A = math.absf %gather3A : vector<16xf32>
          %select_n3A_159 = arith.select %gt3A_156, %broadcast_in_dim3A_158, %abs3A : vector<16xi1>, vector<16xf32>
          %mul3A_160 = arith.constant 2048 : i32
          %mul3A_161 = arith.muli %add3A_118, %mul3A_160 : i32
          %add3A_162 = arith.addi %mul3A_161, %add3A_135 : i32
          %swap3A = arith.index_cast %add3A_162 : i32 to index
          %swap3A_163 = tpu.vector_load %arg6[%swap3A] {strides = array<i32>} : memref<32768xf32, #tpu.memory_space<vmem>>, vector<16xf32>,
          tpu.vector_store %arg6[%swap3A], %select_n3A_159 {strides = array<i32>} : memref<32768xf32, #tpu.memory_space<vmem>>, vector<16xf32>,
          %max3A = arith.maximumf %broadcast_in_dim3A_133, %select_n3A_159 : vector<16xf32>
          %add3A_164 = arith.constant 16 : i32
          %add3A_165 = arith.addi %mul3A_132, %add3A_164 : i32
          %jit3A_166 = arith.constant 16 : i32
          %div3A_167 = arith.divsi %add3A_165, %jit3A_166 : i32
          %sign3A_168 = arith.constant 0 : i32
          %sign3A_169 = arith.cmpi sgt, %add3A_165, %sign3A_168 : i32
          %sign3A_170 = arith.extui %sign3A_169 : i1 to i32
          %sign3A_171 = arith.constant 0 : i32
          %sign3A_172 = arith.cmpi slt, %add3A_165, %sign3A_171 : i32
          %sign3A_173 = arith.extui %sign3A_172 : i1 to i32
          %sign3A_174 = arith.subi %sign3A_170, %sign3A_173 : i32
          %sign3A_175 = arith.constant 0 : i32
          %sign3A_176 = arith.cmpi sgt, %jit3A_166, %sign3A_175 : i32
          %sign3A_177 = arith.extui %sign3A_176 : i1 to i32
          %sign3A_178 = arith.constant 0 : i32
          %sign3A_179 = arith.cmpi slt, %jit3A_166, %sign3A_178 : i32
          %sign3A_180 = arith.extui %sign3A_179 : i1 to i32
          %sign3A_181 = arith.subi %sign3A_177, %sign3A_180 : i32
          %ne3A_182 = arith.cmpi ne, %sign3A_174, %sign3A_181 : i32
          %rem3A_183 = arith.remsi %add3A_165, %jit3A_166 : i32
          %ne3A_184 = arith.constant 0 : i32
          %ne3A_185 = arith.cmpi ne, %rem3A_183, %ne3A_184 : i32
          %and3A_186 = arith.andi %ne3A_182, %ne3A_185 : i1
          %sub3A_187 = arith.constant 1 : i32
          %sub3A_188 = arith.subi %div3A_167, %sub3A_187 : i32
          %select_n3A_189 = arith.select %and3A_186, %sub3A_188, %div3A_167 : i32
          %broadcast_in_dim3A_190 = vector.broadcast %select_n3A_189 : i32 to vector<16xi32>
          %gather3A_191 = tpu.vector_load_idx %arg8[%broadcast_in_dim3A_190, %add3A_8] : memref<128x128xf32, #tpu.memory_space<vmem>>[vector<16xi32>, vector<16xi32>], vector<16xf32>,
          %get3A_192 = arith.index_cast %add3A_165 : i32 to index
          %get3A_193 = tpu.vector_load %arg10[%get3A_192] {strides = array<i32>} : memref<2048xf32, #tpu.memory_space<vmem>>, vector<16xf32>,
          %gt3A_194 = arith.constant 5.000000e-01 : f32
          %gt3A_195 = vector.broadcast %gt3A_194 : f32 to vector<16xf32>
          %gt3A_196 = arith.cmpf ogt, %get3A_193, %gt3A_195 : vector<16xf32>
          %broadcast_in_dim3A_197 = arith.constant -1.000000e+00 : f32
          %broadcast_in_dim3A_198 = vector.broadcast %broadcast_in_dim3A_197 : f32 to vector<16xf32>
          %abs3A_199 = math.absf %gather3A_191 : vector<16xf32>
          %select_n3A_200 = arith.select %gt3A_196, %broadcast_in_dim3A_198, %abs3A_199 : vector<16xi1>, vector<16xf32>
          %mul3A_201 = arith.constant 2048 : i32
          %mul3A_202 = arith.muli %add3A_118, %mul3A_201 : i32
          %add3A_203 = arith.addi %mul3A_202, %add3A_165 : i32
          %swap3A_204 = arith.index_cast %add3A_203 : i32 to index
          %swap3A_205 = tpu.vector_load %arg6[%swap3A_204] {strides = array<i32>} : memref<32768xf32, #tpu.memory_space<vmem>>, vector<16xf32>,
          tpu.vector_store %arg6[%swap3A_204], %select_n3A_200 {strides = array<i32>} : memref<32768xf32, #tpu.memory_space<vmem>>, vector<16xf32>,
          %max3A_206 = arith.maximumf %max3A, %select_n3A_200 : vector<16xf32>
          %add3A_207 = arith.constant 32 : i32
          %add3A_208 = arith.addi %mul3A_132, %add3A_207 : i32
          %jit3A_209 = arith.constant 16 : i32
          %div3A_210 = arith.divsi %add3A_208, %jit3A_209 : i32
          %sign3A_211 = arith.constant 0 : i32
          %sign3A_212 = arith.cmpi sgt, %add3A_208, %sign3A_211 : i32
          %sign3A_213 = arith.extui %sign3A_212 : i1 to i32
          %sign3A_214 = arith.constant 0 : i32
          %sign3A_215 = arith.cmpi slt, %add3A_208, %sign3A_214 : i32
          %sign3A_216 = arith.extui %sign3A_215 : i1 to i32
          %sign3A_217 = arith.subi %sign3A_213, %sign3A_216 : i32
          %sign3A_218 = arith.constant 0 : i32
          %sign3A_219 = arith.cmpi sgt, %jit3A_209, %sign3A_218 : i32
          %sign3A_220 = arith.extui %sign3A_219 : i1 to i32
          %sign3A_221 = arith.constant 0 : i32
          %sign3A_222 = arith.cmpi slt, %jit3A_209, %sign3A_221 : i32
          %sign3A_223 = arith.extui %sign3A_222 : i1 to i32
          %sign3A_224 = arith.subi %sign3A_220, %sign3A_223 : i32
          %ne3A_225 = arith.cmpi ne, %sign3A_217, %sign3A_224 : i32
          %rem3A_226 = arith.remsi %add3A_208, %jit3A_209 : i32
          %ne3A_227 = arith.constant 0 : i32
          %ne3A_228 = arith.cmpi ne, %rem3A_226, %ne3A_227 : i32
          %and3A_229 = arith.andi %ne3A_225, %ne3A_228 : i1
          %sub3A_230 = arith.constant 1 : i32
          %sub3A_231 = arith.subi %div3A_210, %sub3A_230 : i32
          %select_n3A_232 = arith.select %and3A_229, %sub3A_231, %div3A_210 : i32
          %broadcast_in_dim3A_233 = vector.broadcast %select_n3A_232 : i32 to vector<16xi32>
          %gather3A_234 = tpu.vector_load_idx %arg8[%broadcast_in_dim3A_233, %add3A_8] : memref<128x128xf32, #tpu.memory_space<vmem>>[vector<16xi32>, vector<16xi32>], vector<16xf32>,
          %get3A_235 = arith.index_cast %add3A_208 : i32 to index
          %get3A_236 = tpu.vector_load %arg10[%get3A_235] {strides = array<i32>} : memref<2048xf32, #tpu.memory_space<vmem>>, vector<16xf32>,
          %gt3A_237 = arith.constant 5.000000e-01 : f32
          %gt3A_238 = vector.broadcast %gt3A_237 : f32 to vector<16xf32>
          %gt3A_239 = arith.cmpf ogt, %get3A_236, %gt3A_238 : vector<16xf32>
          %broadcast_in_dim3A_240 = arith.constant -1.000000e+00 : f32
          %broadcast_in_dim3A_241 = vector.broadcast %broadcast_in_dim3A_240 : f32 to vector<16xf32>
          %abs3A_242 = math.absf %gather3A_234 : vector<16xf32>
          %select_n3A_243 = arith.select %gt3A_239, %broadcast_in_dim3A_241, %abs3A_242 : vector<16xi1>, vector<16xf32>
          %mul3A_244 = arith.constant 2048 : i32
          %mul3A_245 = arith.muli %add3A_118, %mul3A_244 : i32
          %add3A_246 = arith.addi %mul3A_245, %add3A_208 : i32
          %swap3A_247 = arith.index_cast %add3A_246 : i32 to index
          %swap3A_248 = tpu.vector_load %arg6[%swap3A_247] {strides = array<i32>} : memref<32768xf32, #tpu.memory_space<vmem>>, vector<16xf32>,
          tpu.vector_store %arg6[%swap3A_247], %select_n3A_243 {strides = array<i32>} : memref<32768xf32, #tpu.memory_space<vmem>>, vector<16xf32>,
          %max3A_249 = arith.maximumf %max3A_206, %select_n3A_243 : vector<16xf32>
          %add3A_250 = arith.constant 48 : i32
          %add3A_251 = arith.addi %mul3A_132, %add3A_250 : i32
          %jit3A_252 = arith.constant 16 : i32
          %div3A_253 = arith.divsi %add3A_251, %jit3A_252 : i32
          %sign3A_254 = arith.constant 0 : i32
          %sign3A_255 = arith.cmpi sgt, %add3A_251, %sign3A_254 : i32
          %sign3A_256 = arith.extui %sign3A_255 : i1 to i32
          %sign3A_257 = arith.constant 0 : i32
          %sign3A_258 = arith.cmpi slt, %add3A_251, %sign3A_257 : i32
          %sign3A_259 = arith.extui %sign3A_258 : i1 to i32
          %sign3A_260 = arith.subi %sign3A_256, %sign3A_259 : i32
          %sign3A_261 = arith.constant 0 : i32
          %sign3A_262 = arith.cmpi sgt, %jit3A_252, %sign3A_261 : i32
          %sign3A_263 = arith.extui %sign3A_262 : i1 to i32
          %sign3A_264 = arith.constant 0 : i32
          %sign3A_265 = arith.cmpi slt, %jit3A_252, %sign3A_264 : i32
          %sign3A_266 = arith.extui %sign3A_265 : i1 to i32
          %sign3A_267 = arith.subi %sign3A_263, %sign3A_266 : i32
          %ne3A_268 = arith.cmpi ne, %sign3A_260, %sign3A_267 : i32
          %rem3A_269 = arith.remsi %add3A_251, %jit3A_252 : i32
          %ne3A_270 = arith.constant 0 : i32
          %ne3A_271 = arith.cmpi ne, %rem3A_269, %ne3A_270 : i32
          %and3A_272 = arith.andi %ne3A_268, %ne3A_271 : i1
          %sub3A_273 = arith.constant 1 : i32
          %sub3A_274 = arith.subi %div3A_253, %sub3A_273 : i32
          %select_n3A_275 = arith.select %and3A_272, %sub3A_274, %div3A_253 : i32
          %broadcast_in_dim3A_276 = vector.broadcast %select_n3A_275 : i32 to vector<16xi32>
          %gather3A_277 = tpu.vector_load_idx %arg8[%broadcast_in_dim3A_276, %add3A_8] : memref<128x128xf32, #tpu.memory_space<vmem>>[vector<16xi32>, vector<16xi32>], vector<16xf32>,
          %get3A_278 = arith.index_cast %add3A_251 : i32 to index
          %get3A_279 = tpu.vector_load %arg10[%get3A_278] {strides = array<i32>} : memref<2048xf32, #tpu.memory_space<vmem>>, vector<16xf32>,
          %gt3A_280 = arith.constant 5.000000e-01 : f32
          %gt3A_281 = vector.broadcast %gt3A_280 : f32 to vector<16xf32>
          %gt3A_282 = arith.cmpf ogt, %get3A_279, %gt3A_281 : vector<16xf32>
          %broadcast_in_dim3A_283 = arith.constant -1.000000e+00 : f32
          %broadcast_in_dim3A_284 = vector.broadcast %broadcast_in_dim3A_283 : f32 to vector<16xf32>
          %abs3A_285 = math.absf %gather3A_277 : vector<16xf32>
          %select_n3A_286 = arith.select %gt3A_282, %broadcast_in_dim3A_284, %abs3A_285 : vector<16xi1>, vector<16xf32>
          %mul3A_287 = arith.constant 2048 : i32
          %mul3A_288 = arith.muli %add3A_118, %mul3A_287 : i32
          %add3A_289 = arith.addi %mul3A_288, %add3A_251 : i32
          %swap3A_290 = arith.index_cast %add3A_289 : i32 to index
          %swap3A_291 = tpu.vector_load %arg6[%swap3A_290] {strides = array<i32>} : memref<32768xf32, #tpu.memory_space<vmem>>, vector<16xf32>,
          tpu.vector_store %arg6[%swap3A_290], %select_n3A_286 {strides = array<i32>} : memref<32768xf32, #tpu.memory_space<vmem>>, vector<16xf32>,
          %max3A_292 = arith.maximumf %max3A_249, %select_n3A_286 : vector<16xf32>
          %add3A_293 = arith.constant 64 : i32
          %add3A_294 = arith.addi %mul3A_132, %add3A_293 : i32
          %jit3A_295 = arith.constant 16 : i32
          %div3A_296 = arith.divsi %add3A_294, %jit3A_295 : i32
          %sign3A_297 = arith.constant 0 : i32
          %sign3A_298 = arith.cmpi sgt, %add3A_294, %sign3A_297 : i32
          %sign3A_299 = arith.extui %sign3A_298 : i1 to i32
          %sign3A_300 = arith.constant 0 : i32
          %sign3A_301 = arith.cmpi slt, %add3A_294, %sign3A_300 : i32
          %sign3A_302 = arith.extui %sign3A_301 : i1 to i32
          %sign3A_303 = arith.subi %sign3A_299, %sign3A_302 : i32
          %sign3A_304 = arith.constant 0 : i32
          %sign3A_305 = arith.cmpi sgt, %jit3A_295, %sign3A_304 : i32
          %sign3A_306 = arith.extui %sign3A_305 : i1 to i32
          %sign3A_307 = arith.constant 0 : i32
          %sign3A_308 = arith.cmpi slt, %jit3A_295, %sign3A_307 : i32
          %sign3A_309 = arith.extui %sign3A_308 : i1 to i32
          %sign3A_310 = arith.subi %sign3A_306, %sign3A_309 : i32
          %ne3A_311 = arith.cmpi ne, %sign3A_303, %sign3A_310 : i32
          %rem3A_312 = arith.remsi %add3A_294, %jit3A_295 : i32
          %ne3A_313 = arith.constant 0 : i32
          %ne3A_314 = arith.cmpi ne, %rem3A_312, %ne3A_313 : i32
          %and3A_315 = arith.andi %ne3A_311, %ne3A_314 : i1
          %sub3A_316 = arith.constant 1 : i32
          %sub3A_317 = arith.subi %div3A_296, %sub3A_316 : i32
          %select_n3A_318 = arith.select %and3A_315, %sub3A_317, %div3A_296 : i32
          %broadcast_in_dim3A_319 = vector.broadcast %select_n3A_318 : i32 to vector<16xi32>
          %gather3A_320 = tpu.vector_load_idx %arg8[%broadcast_in_dim3A_319, %add3A_8] : memref<128x128xf32, #tpu.memory_space<vmem>>[vector<16xi32>, vector<16xi32>], vector<16xf32>,
          %get3A_321 = arith.index_cast %add3A_294 : i32 to index
          %get3A_322 = tpu.vector_load %arg10[%get3A_321] {strides = array<i32>} : memref<2048xf32, #tpu.memory_space<vmem>>, vector<16xf32>,
          %gt3A_323 = arith.constant 5.000000e-01 : f32
          %gt3A_324 = vector.broadcast %gt3A_323 : f32 to vector<16xf32>
          %gt3A_325 = arith.cmpf ogt, %get3A_322, %gt3A_324 : vector<16xf32>
          %broadcast_in_dim3A_326 = arith.constant -1.000000e+00 : f32
          %broadcast_in_dim3A_327 = vector.broadcast %broadcast_in_dim3A_326 : f32 to vector<16xf32>
          %abs3A_328 = math.absf %gather3A_320 : vector<16xf32>
          %select_n3A_329 = arith.select %gt3A_325, %broadcast_in_dim3A_327, %abs3A_328 : vector<16xi1>, vector<16xf32>
          %mul3A_330 = arith.constant 2048 : i32
          %mul3A_331 = arith.muli %add3A_118, %mul3A_330 : i32
          %add3A_332 = arith.addi %mul3A_331, %add3A_294 : i32
          %swap3A_333 = arith.index_cast %add3A_332 : i32 to index
          %swap3A_334 = tpu.vector_load %arg6[%swap3A_333] {strides = array<i32>} : memref<32768xf32, #tpu.memory_space<vmem>>, vector<16xf32>,
          tpu.vector_store %arg6[%swap3A_333], %select_n3A_329 {strides = array<i32>} : memref<32768xf32, #tpu.memory_space<vmem>>, vector<16xf32>,
          %max3A_335 = arith.maximumf %max3A_292, %select_n3A_329 : vector<16xf32>
          %add3A_336 = arith.constant 80 : i32
          %add3A_337 = arith.addi %mul3A_132, %add3A_336 : i32
          %jit3A_338 = arith.constant 16 : i32
          %div3A_339 = arith.divsi %add3A_337, %jit3A_338 : i32
          %sign3A_340 = arith.constant 0 : i32
          %sign3A_341 = arith.cmpi sgt, %add3A_337, %sign3A_340 : i32
          %sign3A_342 = arith.extui %sign3A_341 : i1 to i32
          %sign3A_343 = arith.constant 0 : i32
          %sign3A_344 = arith.cmpi slt, %add3A_337, %sign3A_343 : i32
          %sign3A_345 = arith.extui %sign3A_344 : i1 to i32
          %sign3A_346 = arith.subi %sign3A_342, %sign3A_345 : i32
          %sign3A_347 = arith.constant 0 : i32
          %sign3A_348 = arith.cmpi sgt, %jit3A_338, %sign3A_347 : i32
          %sign3A_349 = arith.extui %sign3A_348 : i1 to i32
          %sign3A_350 = arith.constant 0 : i32
          %sign3A_351 = arith.cmpi slt, %jit3A_338, %sign3A_350 : i32
          %sign3A_352 = arith.extui %sign3A_351 : i1 to i32
          %sign3A_353 = arith.subi %sign3A_349, %sign3A_352 : i32
          %ne3A_354 = arith.cmpi ne, %sign3A_346, %sign3A_353 : i32
          %rem3A_355 = arith.remsi %add3A_337, %jit3A_338 : i32
          %ne3A_356 = arith.constant 0 : i32
          %ne3A_357 = arith.cmpi ne, %rem3A_355, %ne3A_356 : i32
          %and3A_358 = arith.andi %ne3A_354, %ne3A_357 : i1
          %sub3A_359 = arith.constant 1 : i32
          %sub3A_360 = arith.subi %div3A_339, %sub3A_359 : i32
          %select_n3A_361 = arith.select %and3A_358, %sub3A_360, %div3A_339 : i32
          %broadcast_in_dim3A_362 = vector.broadcast %select_n3A_361 : i32 to vector<16xi32>
          %gather3A_363 = tpu.vector_load_idx %arg8[%broadcast_in_dim3A_362, %add3A_8] : memref<128x128xf32, #tpu.memory_space<vmem>>[vector<16xi32>, vector<16xi32>], vector<16xf32>,
          %get3A_364 = arith.index_cast %add3A_337 : i32 to index
          %get3A_365 = tpu.vector_load %arg10[%get3A_364] {strides = array<i32>} : memref<2048xf32, #tpu.memory_space<vmem>>, vector<16xf32>,
          %gt3A_366 = arith.constant 5.000000e-01 : f32
          %gt3A_367 = vector.broadcast %gt3A_366 : f32 to vector<16xf32>
          %gt3A_368 = arith.cmpf ogt, %get3A_365, %gt3A_367 : vector<16xf32>
          %broadcast_in_dim3A_369 = arith.constant -1.000000e+00 : f32
          %broadcast_in_dim3A_370 = vector.broadcast %broadcast_in_dim3A_369 : f32 to vector<16xf32>
          %abs3A_371 = math.absf %gather3A_363 : vector<16xf32>
          %select_n3A_372 = arith.select %gt3A_368, %broadcast_in_dim3A_370, %abs3A_371 : vector<16xi1>, vector<16xf32>
          %mul3A_373 = arith.constant 2048 : i32
          %mul3A_374 = arith.muli %add3A_118, %mul3A_373 : i32
          %add3A_375 = arith.addi %mul3A_374, %add3A_337 : i32
          %swap3A_376 = arith.index_cast %add3A_375 : i32 to index
          %swap3A_377 = tpu.vector_load %arg6[%swap3A_376] {strides = array<i32>} : memref<32768xf32, #tpu.memory_space<vmem>>, vector<16xf32>,
          tpu.vector_store %arg6[%swap3A_376], %select_n3A_372 {strides = array<i32>} : memref<32768xf32, #tpu.memory_space<vmem>>, vector<16xf32>,
          %max3A_378 = arith.maximumf %max3A_335, %select_n3A_372 : vector<16xf32>
          %add3A_379 = arith.constant 96 : i32
          %add3A_380 = arith.addi %mul3A_132, %add3A_379 : i32
          %jit3A_381 = arith.constant 16 : i32
          %div3A_382 = arith.divsi %add3A_380, %jit3A_381 : i32
          %sign3A_383 = arith.constant 0 : i32
          %sign3A_384 = arith.cmpi sgt, %add3A_380, %sign3A_383 : i32
          %sign3A_385 = arith.extui %sign3A_384 : i1 to i32
          %sign3A_386 = arith.constant 0 : i32
          %sign3A_387 = arith.cmpi slt, %add3A_380, %sign3A_386 : i32
          %sign3A_388 = arith.extui %sign3A_387 : i1 to i32
          %sign3A_389 = arith.subi %sign3A_385, %sign3A_388 : i32
          %sign3A_390 = arith.constant 0 : i32
          %sign3A_391 = arith.cmpi sgt, %jit3A_381, %sign3A_390 : i32
          %sign3A_392 = arith.extui %sign3A_391 : i1 to i32
          %sign3A_393 = arith.constant 0 : i32
          %sign3A_394 = arith.cmpi slt, %jit3A_381, %sign3A_393 : i32
          %sign3A_395 = arith.extui %sign3A_394 : i1 to i32
          %sign3A_396 = arith.subi %sign3A_392, %sign3A_395 : i32
          %ne3A_397 = arith.cmpi ne, %sign3A_389, %sign3A_396 : i32
          %rem3A_398 = arith.remsi %add3A_380, %jit3A_381 : i32
          %ne3A_399 = arith.constant 0 : i32
          %ne3A_400 = arith.cmpi ne, %rem3A_398, %ne3A_399 : i32
          %and3A_401 = arith.andi %ne3A_397, %ne3A_400 : i1
          %sub3A_402 = arith.constant 1 : i32
          %sub3A_403 = arith.subi %div3A_382, %sub3A_402 : i32
          %select_n3A_404 = arith.select %and3A_401, %sub3A_403, %div3A_382 : i32
          %broadcast_in_dim3A_405 = vector.broadcast %select_n3A_404 : i32 to vector<16xi32>
          %gather3A_406 = tpu.vector_load_idx %arg8[%broadcast_in_dim3A_405, %add3A_8] : memref<128x128xf32, #tpu.memory_space<vmem>>[vector<16xi32>, vector<16xi32>], vector<16xf32>,
          %get3A_407 = arith.index_cast %add3A_380 : i32 to index
          %get3A_408 = tpu.vector_load %arg10[%get3A_407] {strides = array<i32>} : memref<2048xf32, #tpu.memory_space<vmem>>, vector<16xf32>,
          %gt3A_409 = arith.constant 5.000000e-01 : f32
          %gt3A_410 = vector.broadcast %gt3A_409 : f32 to vector<16xf32>
          %gt3A_411 = arith.cmpf ogt, %get3A_408, %gt3A_410 : vector<16xf32>
          %broadcast_in_dim3A_412 = arith.constant -1.000000e+00 : f32
          %broadcast_in_dim3A_413 = vector.broadcast %broadcast_in_dim3A_412 : f32 to vector<16xf32>
          %abs3A_414 = math.absf %gather3A_406 : vector<16xf32>
          %select_n3A_415 = arith.select %gt3A_411, %broadcast_in_dim3A_413, %abs3A_414 : vector<16xi1>, vector<16xf32>
          %mul3A_416 = arith.constant 2048 : i32
          %mul3A_417 = arith.muli %add3A_118, %mul3A_416 : i32
          %add3A_418 = arith.addi %mul3A_417, %add3A_380 : i32
          %swap3A_419 = arith.index_cast %add3A_418 : i32 to index
          %swap3A_420 = tpu.vector_load %arg6[%swap3A_419] {strides = array<i32>} : memref<32768xf32, #tpu.memory_space<vmem>>, vector<16xf32>,
          tpu.vector_store %arg6[%swap3A_419], %select_n3A_415 {strides = array<i32>} : memref<32768xf32, #tpu.memory_space<vmem>>, vector<16xf32>,
          %max3A_421 = arith.maximumf %max3A_378, %select_n3A_415 : vector<16xf32>
          %add3A_422 = arith.constant 112 : i32
          %add3A_423 = arith.addi %mul3A_132, %add3A_422 : i32
          %jit3A_424 = arith.constant 16 : i32
          %div3A_425 = arith.divsi %add3A_423, %jit3A_424 : i32
          %sign3A_426 = arith.constant 0 : i32
          %sign3A_427 = arith.cmpi sgt, %add3A_423, %sign3A_426 : i32
          %sign3A_428 = arith.extui %sign3A_427 : i1 to i32
          %sign3A_429 = arith.constant 0 : i32
          %sign3A_430 = arith.cmpi slt, %add3A_423, %sign3A_429 : i32
          %sign3A_431 = arith.extui %sign3A_430 : i1 to i32
          %sign3A_432 = arith.subi %sign3A_428, %sign3A_431 : i32
          %sign3A_433 = arith.constant 0 : i32
          %sign3A_434 = arith.cmpi sgt, %jit3A_424, %sign3A_433 : i32
          %sign3A_435 = arith.extui %sign3A_434 : i1 to i32
          %sign3A_436 = arith.constant 0 : i32
          %sign3A_437 = arith.cmpi slt, %jit3A_424, %sign3A_436 : i32
          %sign3A_438 = arith.extui %sign3A_437 : i1 to i32
          %sign3A_439 = arith.subi %sign3A_435, %sign3A_438 : i32
          %ne3A_440 = arith.cmpi ne, %sign3A_432, %sign3A_439 : i32
          %rem3A_441 = arith.remsi %add3A_423, %jit3A_424 : i32
          %ne3A_442 = arith.constant 0 : i32
          %ne3A_443 = arith.cmpi ne, %rem3A_441, %ne3A_442 : i32
          %and3A_444 = arith.andi %ne3A_440, %ne3A_443 : i1
          %sub3A_445 = arith.constant 1 : i32
          %sub3A_446 = arith.subi %div3A_425, %sub3A_445 : i32
          %select_n3A_447 = arith.select %and3A_444, %sub3A_446, %div3A_425 : i32
          %broadcast_in_dim3A_448 = vector.broadcast %select_n3A_447 : i32 to vector<16xi32>
          %gather3A_449 = tpu.vector_load_idx %arg8[%broadcast_in_dim3A_448, %add3A_8] : memref<128x128xf32, #tpu.memory_space<vmem>>[vector<16xi32>, vector<16xi32>], vector<16xf32>,
          %get3A_450 = arith.index_cast %add3A_423 : i32 to index
          %get3A_451 = tpu.vector_load %arg10[%get3A_450] {strides = array<i32>} : memref<2048xf32, #tpu.memory_space<vmem>>, vector<16xf32>,
          %gt3A_452 = arith.constant 5.000000e-01 : f32
          %gt3A_453 = vector.broadcast %gt3A_452 : f32 to vector<16xf32>
          %gt3A_454 = arith.cmpf ogt, %get3A_451, %gt3A_453 : vector<16xf32>
          %broadcast_in_dim3A_455 = arith.constant -1.000000e+00 : f32
          %broadcast_in_dim3A_456 = vector.broadcast %broadcast_in_dim3A_455 : f32 to vector<16xf32>
          %abs3A_457 = math.absf %gather3A_449 : vector<16xf32>
          %select_n3A_458 = arith.select %gt3A_454, %broadcast_in_dim3A_456, %abs3A_457 : vector<16xi1>, vector<16xf32>
          %mul3A_459 = arith.constant 2048 : i32
          %mul3A_460 = arith.muli %add3A_118, %mul3A_459 : i32
          %add3A_461 = arith.addi %mul3A_460, %add3A_423 : i32
          %swap3A_462 = arith.index_cast %add3A_461 : i32 to index
          %swap3A_463 = tpu.vector_load %arg6[%swap3A_462] {strides = array<i32>} : memref<32768xf32, #tpu.memory_space<vmem>>, vector<16xf32>,
          tpu.vector_store %arg6[%swap3A_462], %select_n3A_458 {strides = array<i32>} : memref<32768xf32, #tpu.memory_space<vmem>>, vector<16xf32>,
          %max3A_464 = arith.maximumf %max3A_421, %select_n3A_458 : vector<16xf32>
          %add3A_465 = arith.constant 128 : i32
          %add3A_466 = arith.addi %mul3A_132, %add3A_465 : i32
          %jit3A_467 = arith.constant 16 : i32
          %div3A_468 = arith.divsi %add3A_466, %jit3A_467 : i32
          %sign3A_469 = arith.constant 0 : i32
          %sign3A_470 = arith.cmpi sgt, %add3A_466, %sign3A_469 : i32
          %sign3A_471 = arith.extui %sign3A_470 : i1 to i32
          %sign3A_472 = arith.constant 0 : i32
          %sign3A_473 = arith.cmpi slt, %add3A_466, %sign3A_472 : i32
          %sign3A_474 = arith.extui %sign3A_473 : i1 to i32
          %sign3A_475 = arith.subi %sign3A_471, %sign3A_474 : i32
          %sign3A_476 = arith.constant 0 : i32
          %sign3A_477 = arith.cmpi sgt, %jit3A_467, %sign3A_476 : i32
          %sign3A_478 = arith.extui %sign3A_477 : i1 to i32
          %sign3A_479 = arith.constant 0 : i32
          %sign3A_480 = arith.cmpi slt, %jit3A_467, %sign3A_479 : i32
          %sign3A_481 = arith.extui %sign3A_480 : i1 to i32
          %sign3A_482 = arith.subi %sign3A_478, %sign3A_481 : i32
          %ne3A_483 = arith.cmpi ne, %sign3A_475, %sign3A_482 : i32
          %rem3A_484 = arith.remsi %add3A_466, %jit3A_467 : i32
          %ne3A_485 = arith.constant 0 : i32
          %ne3A_486 = arith.cmpi ne, %rem3A_484, %ne3A_485 : i32
          %and3A_487 = arith.andi %ne3A_483, %ne3A_486 : i1
          %sub3A_488 = arith.constant 1 : i32
          %sub3A_489 = arith.subi %div3A_468, %sub3A_488 : i32
          %select_n3A_490 = arith.select %and3A_487, %sub3A_489, %div3A_468 : i32
          %broadcast_in_dim3A_491 = vector.broadcast %select_n3A_490 : i32 to vector<16xi32>
          %gather3A_492 = tpu.vector_load_idx %arg8[%broadcast_in_dim3A_491, %add3A_8] : memref<128x128xf32, #tpu.memory_space<vmem>>[vector<16xi32>, vector<16xi32>], vector<16xf32>,
          %get3A_493 = arith.index_cast %add3A_466 : i32 to index
          %get3A_494 = tpu.vector_load %arg10[%get3A_493] {strides = array<i32>} : memref<2048xf32, #tpu.memory_space<vmem>>, vector<16xf32>,
          %gt3A_495 = arith.constant 5.000000e-01 : f32
          %gt3A_496 = vector.broadcast %gt3A_495 : f32 to vector<16xf32>
          %gt3A_497 = arith.cmpf ogt, %get3A_494, %gt3A_496 : vector<16xf32>
          %broadcast_in_dim3A_498 = arith.constant -1.000000e+00 : f32
          %broadcast_in_dim3A_499 = vector.broadcast %broadcast_in_dim3A_498 : f32 to vector<16xf32>
          %abs3A_500 = math.absf %gather3A_492 : vector<16xf32>
          %select_n3A_501 = arith.select %gt3A_497, %broadcast_in_dim3A_499, %abs3A_500 : vector<16xi1>, vector<16xf32>
          %mul3A_502 = arith.constant 2048 : i32
          %mul3A_503 = arith.muli %add3A_118, %mul3A_502 : i32
          %add3A_504 = arith.addi %mul3A_503, %add3A_466 : i32
          %swap3A_505 = arith.index_cast %add3A_504 : i32 to index
          %swap3A_506 = tpu.vector_load %arg6[%swap3A_505] {strides = array<i32>} : memref<32768xf32, #tpu.memory_space<vmem>>, vector<16xf32>,
          tpu.vector_store %arg6[%swap3A_505], %select_n3A_501 {strides = array<i32>} : memref<32768xf32, #tpu.memory_space<vmem>>, vector<16xf32>,
          %max3A_507 = arith.maximumf %max3A_464, %select_n3A_501 : vector<16xf32>
          %add3A_508 = arith.constant 144 : i32
          %add3A_509 = arith.addi %mul3A_132, %add3A_508 : i32
          %jit3A_510 = arith.constant 16 : i32
          %div3A_511 = arith.divsi %add3A_509, %jit3A_510 : i32
          %sign3A_512 = arith.constant 0 : i32
          %sign3A_513 = arith.cmpi sgt, %add3A_509, %sign3A_512 : i32
          %sign3A_514 = arith.extui %sign3A_513 : i1 to i32
          %sign3A_515 = arith.constant 0 : i32
          %sign3A_516 = arith.cmpi slt, %add3A_509, %sign3A_515 : i32
          %sign3A_517 = arith.extui %sign3A_516 : i1 to i32
          %sign3A_518 = arith.subi %sign3A_514, %sign3A_517 : i32
          %sign3A_519 = arith.constant 0 : i32
          %sign3A_520 = arith.cmpi sgt, %jit3A_510, %sign3A_519 : i32
          %sign3A_521 = arith.extui %sign3A_520 : i1 to i32
          %sign3A_522 = arith.constant 0 : i32
          %sign3A_523 = arith.cmpi slt, %jit3A_510, %sign3A_522 : i32
          %sign3A_524 = arith.extui %sign3A_523 : i1 to i32
          %sign3A_525 = arith.subi %sign3A_521, %sign3A_524 : i32
          %ne3A_526 = arith.cmpi ne, %sign3A_518, %sign3A_525 : i32
          %rem3A_527 = arith.remsi %add3A_509, %jit3A_510 : i32
          %ne3A_528 = arith.constant 0 : i32
          %ne3A_529 = arith.cmpi ne, %rem3A_527, %ne3A_528 : i32
          %and3A_530 = arith.andi %ne3A_526, %ne3A_529 : i1
          %sub3A_531 = arith.constant 1 : i32
          %sub3A_532 = arith.subi %div3A_511, %sub3A_531 : i32
          %select_n3A_533 = arith.select %and3A_530, %sub3A_532, %div3A_511 : i32
          %broadcast_in_dim3A_534 = vector.broadcast %select_n3A_533 : i32 to vector<16xi32>
          %gather3A_535 = tpu.vector_load_idx %arg8[%broadcast_in_dim3A_534, %add3A_8] : memref<128x128xf32, #tpu.memory_space<vmem>>[vector<16xi32>, vector<16xi32>], vector<16xf32>,
          %get3A_536 = arith.index_cast %add3A_509 : i32 to index
          %get3A_537 = tpu.vector_load %arg10[%get3A_536] {strides = array<i32>} : memref<2048xf32, #tpu.memory_space<vmem>>, vector<16xf32>,
          %gt3A_538 = arith.constant 5.000000e-01 : f32
          %gt3A_539 = vector.broadcast %gt3A_538 : f32 to vector<16xf32>
          %gt3A_540 = arith.cmpf ogt, %get3A_537, %gt3A_539 : vector<16xf32>
          %broadcast_in_dim3A_541 = arith.constant -1.000000e+00 : f32
          %broadcast_in_dim3A_542 = vector.broadcast %broadcast_in_dim3A_541 : f32 to vector<16xf32>
          %abs3A_543 = math.absf %gather3A_535 : vector<16xf32>
          %select_n3A_544 = arith.select %gt3A_540, %broadcast_in_dim3A_542, %abs3A_543 : vector<16xi1>, vector<16xf32>
          %mul3A_545 = arith.constant 2048 : i32
          %mul3A_546 = arith.muli %add3A_118, %mul3A_545 : i32
          %add3A_547 = arith.addi %mul3A_546, %add3A_509 : i32
          %swap3A_548 = arith.index_cast %add3A_547 : i32 to index
          %swap3A_549 = tpu.vector_load %arg6[%swap3A_548] {strides = array<i32>} : memref<32768xf32, #tpu.memory_space<vmem>>, vector<16xf32>,
          tpu.vector_store %arg6[%swap3A_548], %select_n3A_544 {strides = array<i32>} : memref<32768xf32, #tpu.memory_space<vmem>>, vector<16xf32>,
          %max3A_550 = arith.maximumf %max3A_507, %select_n3A_544 : vector<16xf32>
          %add3A_551 = arith.constant 160 : i32
          %add3A_552 = arith.addi %mul3A_132, %add3A_551 : i32
          %jit3A_553 = arith.constant 16 : i32
          %div3A_554 = arith.divsi %add3A_552, %jit3A_553 : i32
          %sign3A_555 = arith.constant 0 : i32
          %sign3A_556 = arith.cmpi sgt, %add3A_552, %sign3A_555 : i32
          %sign3A_557 = arith.extui %sign3A_556 : i1 to i32
          %sign3A_558 = arith.constant 0 : i32
          %sign3A_559 = arith.cmpi slt, %add3A_552, %sign3A_558 : i32
          %sign3A_560 = arith.extui %sign3A_559 : i1 to i32
          %sign3A_561 = arith.subi %sign3A_557, %sign3A_560 : i32
          %sign3A_562 = arith.constant 0 : i32
          %sign3A_563 = arith.cmpi sgt, %jit3A_553, %sign3A_562 : i32
          %sign3A_564 = arith.extui %sign3A_563 : i1 to i32
          %sign3A_565 = arith.constant 0 : i32
          %sign3A_566 = arith.cmpi slt, %jit3A_553, %sign3A_565 : i32
          %sign3A_567 = arith.extui %sign3A_566 : i1 to i32
          %sign3A_568 = arith.subi %sign3A_564, %sign3A_567 : i32
          %ne3A_569 = arith.cmpi ne, %sign3A_561, %sign3A_568 : i32
          %rem3A_570 = arith.remsi %add3A_552, %jit3A_553 : i32
          %ne3A_571 = arith.constant 0 : i32
          %ne3A_572 = arith.cmpi ne, %rem3A_570, %ne3A_571 : i32
          %and3A_573 = arith.andi %ne3A_569, %ne3A_572 : i1
          %sub3A_574 = arith.constant 1 : i32
          %sub3A_575 = arith.subi %div3A_554, %sub3A_574 : i32
          %select_n3A_576 = arith.select %and3A_573, %sub3A_575, %div3A_554 : i32
          %broadcast_in_dim3A_577 = vector.broadcast %select_n3A_576 : i32 to vector<16xi32>
          %gather3A_578 = tpu.vector_load_idx %arg8[%broadcast_in_dim3A_577, %add3A_8] : memref<128x128xf32, #tpu.memory_space<vmem>>[vector<16xi32>, vector<16xi32>], vector<16xf32>,
          %get3A_579 = arith.index_cast %add3A_552 : i32 to index
          %get3A_580 = tpu.vector_load %arg10[%get3A_579] {strides = array<i32>} : memref<2048xf32, #tpu.memory_space<vmem>>, vector<16xf32>,
          %gt3A_581 = arith.constant 5.000000e-01 : f32
          %gt3A_582 = vector.broadcast %gt3A_581 : f32 to vector<16xf32>
          %gt3A_583 = arith.cmpf ogt, %get3A_580, %gt3A_582 : vector<16xf32>
          %broadcast_in_dim3A_584 = arith.constant -1.000000e+00 : f32
          %broadcast_in_dim3A_585 = vector.broadcast %broadcast_in_dim3A_584 : f32 to vector<16xf32>
          %abs3A_586 = math.absf %gather3A_578 : vector<16xf32>
          %select_n3A_587 = arith.select %gt3A_583, %broadcast_in_dim3A_585, %abs3A_586 : vector<16xi1>, vector<16xf32>
          %mul3A_588 = arith.constant 2048 : i32
          %mul3A_589 = arith.muli %add3A_118, %mul3A_588 : i32
          %add3A_590 = arith.addi %mul3A_589, %add3A_552 : i32
          %swap3A_591 = arith.index_cast %add3A_590 : i32 to index
          %swap3A_592 = tpu.vector_load %arg6[%swap3A_591] {strides = array<i32>} : memref<32768xf32, #tpu.memory_space<vmem>>, vector<16xf32>,
          tpu.vector_store %arg6[%swap3A_591], %select_n3A_587 {strides = array<i32>} : memref<32768xf32, #tpu.memory_space<vmem>>, vector<16xf32>,
          %max3A_593 = arith.maximumf %max3A_550, %select_n3A_587 : vector<16xf32>
          %add3A_594 = arith.constant 176 : i32
          %add3A_595 = arith.addi %mul3A_132, %add3A_594 : i32
          %jit3A_596 = arith.constant 16 : i32
          %div3A_597 = arith.divsi %add3A_595, %jit3A_596 : i32
          %sign3A_598 = arith.constant 0 : i32
          %sign3A_599 = arith.cmpi sgt, %add3A_595, %sign3A_598 : i32
          %sign3A_600 = arith.extui %sign3A_599 : i1 to i32
          %sign3A_601 = arith.constant 0 : i32
          %sign3A_602 = arith.cmpi slt, %add3A_595, %sign3A_601 : i32
          %sign3A_603 = arith.extui %sign3A_602 : i1 to i32
          %sign3A_604 = arith.subi %sign3A_600, %sign3A_603 : i32
          %sign3A_605 = arith.constant 0 : i32
          %sign3A_606 = arith.cmpi sgt, %jit3A_596, %sign3A_605 : i32
          %sign3A_607 = arith.extui %sign3A_606 : i1 to i32
          %sign3A_608 = arith.constant 0 : i32
          %sign3A_609 = arith.cmpi slt, %jit3A_596, %sign3A_608 : i32
          %sign3A_610 = arith.extui %sign3A_609 : i1 to i32
          %sign3A_611 = arith.subi %sign3A_607, %sign3A_610 : i32
          %ne3A_612 = arith.cmpi ne, %sign3A_604, %sign3A_611 : i32
          %rem3A_613 = arith.remsi %add3A_595, %jit3A_596 : i32
          %ne3A_614 = arith.constant 0 : i32
          %ne3A_615 = arith.cmpi ne, %rem3A_613, %ne3A_614 : i32
          %and3A_616 = arith.andi %ne3A_612, %ne3A_615 : i1
          %sub3A_617 = arith.constant 1 : i32
          %sub3A_618 = arith.subi %div3A_597, %sub3A_617 : i32
          %select_n3A_619 = arith.select %and3A_616, %sub3A_618, %div3A_597 : i32
          %broadcast_in_dim3A_620 = vector.broadcast %select_n3A_619 : i32 to vector<16xi32>
          %gather3A_621 = tpu.vector_load_idx %arg8[%broadcast_in_dim3A_620, %add3A_8] : memref<128x128xf32, #tpu.memory_space<vmem>>[vector<16xi32>, vector<16xi32>], vector<16xf32>,
          %get3A_622 = arith.index_cast %add3A_595 : i32 to index
          %get3A_623 = tpu.vector_load %arg10[%get3A_622] {strides = array<i32>} : memref<2048xf32, #tpu.memory_space<vmem>>, vector<16xf32>,
          %gt3A_624 = arith.constant 5.000000e-01 : f32
          %gt3A_625 = vector.broadcast %gt3A_624 : f32 to vector<16xf32>
          %gt3A_626 = arith.cmpf ogt, %get3A_623, %gt3A_625 : vector<16xf32>
          %broadcast_in_dim3A_627 = arith.constant -1.000000e+00 : f32
          %broadcast_in_dim3A_628 = vector.broadcast %broadcast_in_dim3A_627 : f32 to vector<16xf32>
          %abs3A_629 = math.absf %gather3A_621 : vector<16xf32>
          %select_n3A_630 = arith.select %gt3A_626, %broadcast_in_dim3A_628, %abs3A_629 : vector<16xi1>, vector<16xf32>
          %mul3A_631 = arith.constant 2048 : i32
          %mul3A_632 = arith.muli %add3A_118, %mul3A_631 : i32
          %add3A_633 = arith.addi %mul3A_632, %add3A_595 : i32
          %swap3A_634 = arith.index_cast %add3A_633 : i32 to index
          %swap3A_635 = tpu.vector_load %arg6[%swap3A_634] {strides = array<i32>} : memref<32768xf32, #tpu.memory_space<vmem>>, vector<16xf32>,
          tpu.vector_store %arg6[%swap3A_634], %select_n3A_630 {strides = array<i32>} : memref<32768xf32, #tpu.memory_space<vmem>>, vector<16xf32>,
          %max3A_636 = arith.maximumf %max3A_593, %select_n3A_630 : vector<16xf32>
          %add3A_637 = arith.constant 192 : i32
          %add3A_638 = arith.addi %mul3A_132, %add3A_637 : i32
          %jit3A_639 = arith.constant 16 : i32
          %div3A_640 = arith.divsi %add3A_638, %jit3A_639 : i32
          %sign3A_641 = arith.constant 0 : i32
          %sign3A_642 = arith.cmpi sgt, %add3A_638, %sign3A_641 : i32
          %sign3A_643 = arith.extui %sign3A_642 : i1 to i32
          %sign3A_644 = arith.constant 0 : i32
          %sign3A_645 = arith.cmpi slt, %add3A_638, %sign3A_644 : i32
          %sign3A_646 = arith.extui %sign3A_645 : i1 to i32
          %sign3A_647 = arith.subi %sign3A_643, %sign3A_646 : i32
          %sign3A_648 = arith.constant 0 : i32
          %sign3A_649 = arith.cmpi sgt, %jit3A_639, %sign3A_648 : i32
          %sign3A_650 = arith.extui %sign3A_649 : i1 to i32
          %sign3A_651 = arith.constant 0 : i32
          %sign3A_652 = arith.cmpi slt, %jit3A_639, %sign3A_651 : i32
          %sign3A_653 = arith.extui %sign3A_652 : i1 to i32
          %sign3A_654 = arith.subi %sign3A_650, %sign3A_653 : i32
          %ne3A_655 = arith.cmpi ne, %sign3A_647, %sign3A_654 : i32
          %rem3A_656 = arith.remsi %add3A_638, %jit3A_639 : i32
          %ne3A_657 = arith.constant 0 : i32
          %ne3A_658 = arith.cmpi ne, %rem3A_656, %ne3A_657 : i32
          %and3A_659 = arith.andi %ne3A_655, %ne3A_658 : i1
          %sub3A_660 = arith.constant 1 : i32
          %sub3A_661 = arith.subi %div3A_640, %sub3A_660 : i32
          %select_n3A_662 = arith.select %and3A_659, %sub3A_661, %div3A_640 : i32
          %broadcast_in_dim3A_663 = vector.broadcast %select_n3A_662 : i32 to vector<16xi32>
          %gather3A_664 = tpu.vector_load_idx %arg8[%broadcast_in_dim3A_663, %add3A_8] : memref<128x128xf32, #tpu.memory_space<vmem>>[vector<16xi32>, vector<16xi32>], vector<16xf32>,
          %get3A_665 = arith.index_cast %add3A_638 : i32 to index
          %get3A_666 = tpu.vector_load %arg10[%get3A_665] {strides = array<i32>} : memref<2048xf32, #tpu.memory_space<vmem>>, vector<16xf32>,
          %gt3A_667 = arith.constant 5.000000e-01 : f32
          %gt3A_668 = vector.broadcast %gt3A_667 : f32 to vector<16xf32>
          %gt3A_669 = arith.cmpf ogt, %get3A_666, %gt3A_668 : vector<16xf32>
          %broadcast_in_dim3A_670 = arith.constant -1.000000e+00 : f32
          %broadcast_in_dim3A_671 = vector.broadcast %broadcast_in_dim3A_670 : f32 to vector<16xf32>
          %abs3A_672 = math.absf %gather3A_664 : vector<16xf32>
          %select_n3A_673 = arith.select %gt3A_669, %broadcast_in_dim3A_671, %abs3A_672 : vector<16xi1>, vector<16xf32>
          %mul3A_674 = arith.constant 2048 : i32
          %mul3A_675 = arith.muli %add3A_118, %mul3A_674 : i32
          %add3A_676 = arith.addi %mul3A_675, %add3A_638 : i32
          %swap3A_677 = arith.index_cast %add3A_676 : i32 to index
          %swap3A_678 = tpu.vector_load %arg6[%swap3A_677] {strides = array<i32>} : memref<32768xf32, #tpu.memory_space<vmem>>, vector<16xf32>,
          tpu.vector_store %arg6[%swap3A_677], %select_n3A_673 {strides = array<i32>} : memref<32768xf32, #tpu.memory_space<vmem>>, vector<16xf32>,
          %max3A_679 = arith.maximumf %max3A_636, %select_n3A_673 : vector<16xf32>
          %add3A_680 = arith.constant 208 : i32
          %add3A_681 = arith.addi %mul3A_132, %add3A_680 : i32
          %jit3A_682 = arith.constant 16 : i32
          %div3A_683 = arith.divsi %add3A_681, %jit3A_682 : i32
          %sign3A_684 = arith.constant 0 : i32
          %sign3A_685 = arith.cmpi sgt, %add3A_681, %sign3A_684 : i32
          %sign3A_686 = arith.extui %sign3A_685 : i1 to i32
          %sign3A_687 = arith.constant 0 : i32
          %sign3A_688 = arith.cmpi slt, %add3A_681, %sign3A_687 : i32
          %sign3A_689 = arith.extui %sign3A_688 : i1 to i32
          %sign3A_690 = arith.subi %sign3A_686, %sign3A_689 : i32
          %sign3A_691 = arith.constant 0 : i32
          %sign3A_692 = arith.cmpi sgt, %jit3A_682, %sign3A_691 : i32
          %sign3A_693 = arith.extui %sign3A_692 : i1 to i32
          %sign3A_694 = arith.constant 0 : i32
          %sign3A_695 = arith.cmpi slt, %jit3A_682, %sign3A_694 : i32
          %sign3A_696 = arith.extui %sign3A_695 : i1 to i32
          %sign3A_697 = arith.subi %sign3A_693, %sign3A_696 : i32
          %ne3A_698 = arith.cmpi ne, %sign3A_690, %sign3A_697 : i32
          %rem3A_699 = arith.remsi %add3A_681, %jit3A_682 : i32
          %ne3A_700 = arith.constant 0 : i32
          %ne3A_701 = arith.cmpi ne, %rem3A_699, %ne3A_700 : i32
          %and3A_702 = arith.andi %ne3A_698, %ne3A_701 : i1
          %sub3A_703 = arith.constant 1 : i32
          %sub3A_704 = arith.subi %div3A_683, %sub3A_703 : i32
          %select_n3A_705 = arith.select %and3A_702, %sub3A_704, %div3A_683 : i32
          %broadcast_in_dim3A_706 = vector.broadcast %select_n3A_705 : i32 to vector<16xi32>
          %gather3A_707 = tpu.vector_load_idx %arg8[%broadcast_in_dim3A_706, %add3A_8] : memref<128x128xf32, #tpu.memory_space<vmem>>[vector<16xi32>, vector<16xi32>], vector<16xf32>,
          %get3A_708 = arith.index_cast %add3A_681 : i32 to index
          %get3A_709 = tpu.vector_load %arg10[%get3A_708] {strides = array<i32>} : memref<2048xf32, #tpu.memory_space<vmem>>, vector<16xf32>,
          %gt3A_710 = arith.constant 5.000000e-01 : f32
          %gt3A_711 = vector.broadcast %gt3A_710 : f32 to vector<16xf32>
          %gt3A_712 = arith.cmpf ogt, %get3A_709, %gt3A_711 : vector<16xf32>
          %broadcast_in_dim3A_713 = arith.constant -1.000000e+00 : f32
          %broadcast_in_dim3A_714 = vector.broadcast %broadcast_in_dim3A_713 : f32 to vector<16xf32>
          %abs3A_715 = math.absf %gather3A_707 : vector<16xf32>
          %select_n3A_716 = arith.select %gt3A_712, %broadcast_in_dim3A_714, %abs3A_715 : vector<16xi1>, vector<16xf32>
          %mul3A_717 = arith.constant 2048 : i32
          %mul3A_718 = arith.muli %add3A_118, %mul3A_717 : i32
          %add3A_719 = arith.addi %mul3A_718, %add3A_681 : i32
          %swap3A_720 = arith.index_cast %add3A_719 : i32 to index
          %swap3A_721 = tpu.vector_load %arg6[%swap3A_720] {strides = array<i32>} : memref<32768xf32, #tpu.memory_space<vmem>>, vector<16xf32>,
          tpu.vector_store %arg6[%swap3A_720], %select_n3A_716 {strides = array<i32>} : memref<32768xf32, #tpu.memory_space<vmem>>, vector<16xf32>,
          %max3A_722 = arith.maximumf %max3A_679, %select_n3A_716 : vector<16xf32>
          %add3A_723 = arith.constant 224 : i32
          %add3A_724 = arith.addi %mul3A_132, %add3A_723 : i32
          %jit3A_725 = arith.constant 16 : i32
          %div3A_726 = arith.divsi %add3A_724, %jit3A_725 : i32
          %sign3A_727 = arith.constant 0 : i32
          %sign3A_728 = arith.cmpi sgt, %add3A_724, %sign3A_727 : i32
          %sign3A_729 = arith.extui %sign3A_728 : i1 to i32
          %sign3A_730 = arith.constant 0 : i32
          %sign3A_731 = arith.cmpi slt, %add3A_724, %sign3A_730 : i32
          %sign3A_732 = arith.extui %sign3A_731 : i1 to i32
          %sign3A_733 = arith.subi %sign3A_729, %sign3A_732 : i32
          %sign3A_734 = arith.constant 0 : i32
          %sign3A_735 = arith.cmpi sgt, %jit3A_725, %sign3A_734 : i32
          %sign3A_736 = arith.extui %sign3A_735 : i1 to i32
          %sign3A_737 = arith.constant 0 : i32
          %sign3A_738 = arith.cmpi slt, %jit3A_725, %sign3A_737 : i32
          %sign3A_739 = arith.extui %sign3A_738 : i1 to i32
          %sign3A_740 = arith.subi %sign3A_736, %sign3A_739 : i32
          %ne3A_741 = arith.cmpi ne, %sign3A_733, %sign3A_740 : i32
          %rem3A_742 = arith.remsi %add3A_724, %jit3A_725 : i32
          %ne3A_743 = arith.constant 0 : i32
          %ne3A_744 = arith.cmpi ne, %rem3A_742, %ne3A_743 : i32
          %and3A_745 = arith.andi %ne3A_741, %ne3A_744 : i1
          %sub3A_746 = arith.constant 1 : i32
          %sub3A_747 = arith.subi %div3A_726, %sub3A_746 : i32
          %select_n3A_748 = arith.select %and3A_745, %sub3A_747, %div3A_726 : i32
          %broadcast_in_dim3A_749 = vector.broadcast %select_n3A_748 : i32 to vector<16xi32>
          %gather3A_750 = tpu.vector_load_idx %arg8[%broadcast_in_dim3A_749, %add3A_8] : memref<128x128xf32, #tpu.memory_space<vmem>>[vector<16xi32>, vector<16xi32>], vector<16xf32>,
          %get3A_751 = arith.index_cast %add3A_724 : i32 to index
          %get3A_752 = tpu.vector_load %arg10[%get3A_751] {strides = array<i32>} : memref<2048xf32, #tpu.memory_space<vmem>>, vector<16xf32>,
          %gt3A_753 = arith.constant 5.000000e-01 : f32
          %gt3A_754 = vector.broadcast %gt3A_753 : f32 to vector<16xf32>
          %gt3A_755 = arith.cmpf ogt, %get3A_752, %gt3A_754 : vector<16xf32>
          %broadcast_in_dim3A_756 = arith.constant -1.000000e+00 : f32
          %broadcast_in_dim3A_757 = vector.broadcast %broadcast_in_dim3A_756 : f32 to vector<16xf32>
          %abs3A_758 = math.absf %gather3A_750 : vector<16xf32>
          %select_n3A_759 = arith.select %gt3A_755, %broadcast_in_dim3A_757, %abs3A_758 : vector<16xi1>, vector<16xf32>
          %mul3A_760 = arith.constant 2048 : i32
          %mul3A_761 = arith.muli %add3A_118, %mul3A_760 : i32
          %add3A_762 = arith.addi %mul3A_761, %add3A_724 : i32
          %swap3A_763 = arith.index_cast %add3A_762 : i32 to index
          %swap3A_764 = tpu.vector_load %arg6[%swap3A_763] {strides = array<i32>} : memref<32768xf32, #tpu.memory_space<vmem>>, vector<16xf32>,
          tpu.vector_store %arg6[%swap3A_763], %select_n3A_759 {strides = array<i32>} : memref<32768xf32, #tpu.memory_space<vmem>>, vector<16xf32>,
          %max3A_765 = arith.maximumf %max3A_722, %select_n3A_759 : vector<16xf32>
          %add3A_766 = arith.constant 240 : i32
          %add3A_767 = arith.addi %mul3A_132, %add3A_766 : i32
          %jit3A_768 = arith.constant 16 : i32
          %div3A_769 = arith.divsi %add3A_767, %jit3A_768 : i32
          %sign3A_770 = arith.constant 0 : i32
          %sign3A_771 = arith.cmpi sgt, %add3A_767, %sign3A_770 : i32
          %sign3A_772 = arith.extui %sign3A_771 : i1 to i32
          %sign3A_773 = arith.constant 0 : i32
          %sign3A_774 = arith.cmpi slt, %add3A_767, %sign3A_773 : i32
          %sign3A_775 = arith.extui %sign3A_774 : i1 to i32
          %sign3A_776 = arith.subi %sign3A_772, %sign3A_775 : i32
          %sign3A_777 = arith.constant 0 : i32
          %sign3A_778 = arith.cmpi sgt, %jit3A_768, %sign3A_777 : i32
          %sign3A_779 = arith.extui %sign3A_778 : i1 to i32
          %sign3A_780 = arith.constant 0 : i32
          %sign3A_781 = arith.cmpi slt, %jit3A_768, %sign3A_780 : i32
          %sign3A_782 = arith.extui %sign3A_781 : i1 to i32
          %sign3A_783 = arith.subi %sign3A_779, %sign3A_782 : i32
          %ne3A_784 = arith.cmpi ne, %sign3A_776, %sign3A_783 : i32
          %rem3A_785 = arith.remsi %add3A_767, %jit3A_768 : i32
          %ne3A_786 = arith.constant 0 : i32
          %ne3A_787 = arith.cmpi ne, %rem3A_785, %ne3A_786 : i32
          %and3A_788 = arith.andi %ne3A_784, %ne3A_787 : i1
          %sub3A_789 = arith.constant 1 : i32
          %sub3A_790 = arith.subi %div3A_769, %sub3A_789 : i32
          %select_n3A_791 = arith.select %and3A_788, %sub3A_790, %div3A_769 : i32
          %broadcast_in_dim3A_792 = vector.broadcast %select_n3A_791 : i32 to vector<16xi32>
          %gather3A_793 = tpu.vector_load_idx %arg8[%broadcast_in_dim3A_792, %add3A_8] : memref<128x128xf32, #tpu.memory_space<vmem>>[vector<16xi32>, vector<16xi32>], vector<16xf32>,
          %get3A_794 = arith.index_cast %add3A_767 : i32 to index
          %get3A_795 = tpu.vector_load %arg10[%get3A_794] {strides = array<i32>} : memref<2048xf32, #tpu.memory_space<vmem>>, vector<16xf32>,
          %gt3A_796 = arith.constant 5.000000e-01 : f32
          %gt3A_797 = vector.broadcast %gt3A_796 : f32 to vector<16xf32>
          %gt3A_798 = arith.cmpf ogt, %get3A_795, %gt3A_797 : vector<16xf32>
          %broadcast_in_dim3A_799 = arith.constant -1.000000e+00 : f32
          %broadcast_in_dim3A_800 = vector.broadcast %broadcast_in_dim3A_799 : f32 to vector<16xf32>
          %abs3A_801 = math.absf %gather3A_793 : vector<16xf32>
          %select_n3A_802 = arith.select %gt3A_798, %broadcast_in_dim3A_800, %abs3A_801 : vector<16xi1>, vector<16xf32>
          %mul3A_803 = arith.constant 2048 : i32
          %mul3A_804 = arith.muli %add3A_118, %mul3A_803 : i32
          %add3A_805 = arith.addi %mul3A_804, %add3A_767 : i32
          %swap3A_806 = arith.index_cast %add3A_805 : i32 to index
          %swap3A_807 = tpu.vector_load %arg6[%swap3A_806] {strides = array<i32>} : memref<32768xf32, #tpu.memory_space<vmem>>, vector<16xf32>,
          tpu.vector_store %arg6[%swap3A_806], %select_n3A_802 {strides = array<i32>} : memref<32768xf32, #tpu.memory_space<vmem>>, vector<16xf32>,
          %max3A_808 = arith.maximumf %max3A_765, %select_n3A_802 : vector<16xf32>
          %mul3A_809 = arith.constant 8 : i32
          %mul3A_810 = arith.muli %add3A_118, %mul3A_809 : i32
          %add3A_811 = arith.addi %mul3A_810, %scan3A_130 : i32
          %broadcast_in_dim3A_812 = vector.broadcast %add3A_811 : i32 to vector<16xi32>
          %reduce_max3A = arith.constant true
          %reduce_max3A_813 = vector.broadcast %reduce_max3A : i1 to vector<16xi1>
          %reduce_max3A_814 = tpu.scan <max>, %max3A_808 masked %reduce_max3A_813 : vector<16xf32>, vector<16xi1> -> vector<16xf32>
          %reduce_max3A_815 = vector.extract %reduce_max3A_814[15] : f32 from vector<16xf32>
          %broadcast_in_dim3A_816 = vector.broadcast %reduce_max3A_815 : f32 to vector<16xf32>
          tpu.vector_store_idx %arg11[%broadcast_in_dim3A_812], %broadcast_in_dim3A_816 masked %eq3A_2 : memref<128xf32, #tpu.memory_space<vmem>>[vector<16xi32>], vector<16xf32>, vector<16xi1>
        }
        %scan3A_124 = arith.constant 8 : i32
        %lt3A_125 = arith.constant 7 : i32
        %lt3A_126 = arith.cmpi slt, %scan3A_79, %lt3A_125 : i32
        %convert_element_type3A_127 = arith.extui %lt3A_126 : i1 to i32
        %cond3A_128 = arith.constant 0 : i32
        %cond3A_129 = arith.cmpi ne, %convert_element_type3A_127, %cond3A_128 : i32
        scf.if %cond3A_129 {
          %add3A_130 = arith.constant 3 : i32
          %add3A_131 = arith.addi %mul3A_81, %add3A_130 : i32
          %mul3A_132 = arith.constant 128 : i32
          %mul3A_133 = arith.muli %add3A_131, %mul3A_132 : i32
          %dma_start3A_134 = arith.constant 0 : i32
          %dma_start3A_135 = tpu.memref_slice %arg2[%add3A_17, %mul3A_133, %dma_start3A_134] : memref<128x2048x128xf32, #tpu.memory_space<hbm>> -> memref<1x128x128xf32, #tpu.memory_space<hbm>>
          %dma_start3A_136 = tpu.memref_squeeze %dma_start3A_135 : memref<1x128x128xf32, #tpu.memory_space<hbm>> -> memref<128x128xf32, #tpu.memory_space<hbm>>
          %dma_start3A_137 = arith.constant 0 : i32
          %dma_start3A_138 = tpu.memref_slice %arg2[%add3A_17, %mul3A_133, %dma_start3A_137] : memref<128x2048x128xf32, #tpu.memory_space<hbm>> -> memref<1x128x128xf32, #tpu.memory_space<hbm>>
          %dma_start3A_139 = tpu.memref_squeeze %dma_start3A_138 : memref<1x128x128xf32, #tpu.memory_space<hbm>> -> memref<128x128xf32, #tpu.memory_space<hbm>>
          tpu.enqueue_dma source(%dma_start3A_139 : memref<128x128xf32, #tpu.memory_space<hbm>>) target(%arg8 : memref<128x128xf32, #tpu.memory_space<vmem>>) target_semaphore(%arg19 : memref<!tpu.dma_semaphore, #tpu.memory_space<semaphore_mem>>)
          %mul3A_140 = arith.constant 2048 : i32
          %mul3A_141 = arith.muli %add3A_131, %mul3A_140 : i32
          %dma_start3A_142 = tpu.memref_slice %arg3[%add3A_17, %mul3A_141] : memref<128x32768xf32, #tpu.memory_space<hbm>> -> memref<1x2048xf32, #tpu.memory_space<hbm>>
          %dma_start3A_143 = tpu.memref_squeeze %dma_start3A_142 : memref<1x2048xf32, #tpu.memory_space<hbm>> -> memref<2048xf32, #tpu.memory_space<hbm>>
          %dma_start3A_144 = tpu.memref_slice %arg3[%add3A_17, %mul3A_141] : memref<128x32768xf32, #tpu.memory_space<hbm>> -> memref<1x2048xf32, #tpu.memory_space<hbm>>
          %dma_start3A_145 = tpu.memref_squeeze %dma_start3A_144 : memref<1x2048xf32, #tpu.memory_space<hbm>> -> memref<2048xf32, #tpu.memory_space<hbm>>
          tpu.enqueue_dma source(%dma_start3A_145 : memref<2048xf32, #tpu.memory_space<hbm>>) target(%arg10 : memref<2048xf32, #tpu.memory_space<vmem>>) target_semaphore(%arg21 : memref<!tpu.dma_semaphore, #tpu.memory_space<semaphore_mem>>)
        } else {
        }
      }
      %scan3A_50 = arith.constant 8 : i32
      %scan3A_51 = arith.constant 0 : i32
      %scan3A_52 = arith.constant 0 : i32
      %scan3A_53 = arith.constant 128 : i32
      %scan3A_54 = arith.addi %scan3A_52, %scan3A_53 : i32
      %scan3A_55 = arith.constant 1 : i32
      scf.for %scan3A_79 = %scan3A_52 to %scan3A_54 step %scan3A_55  : i32 {
        %get3A = arith.constant 0 : index
        %get3A_80 = tpu.vector_load %arg11[%get3A] {strides = array<i32>} : memref<128xf32, #tpu.memory_space<vmem>>, vector<16xf32>,
        %get3A_81 = arith.constant 16 : index
        %get3A_82 = tpu.vector_load %arg11[%get3A_81] {strides = array<i32>} : memref<128xf32, #tpu.memory_space<vmem>>, vector<16xf32>,
        %max3A = arith.maximumf %get3A_80, %get3A_82 : vector<16xf32>
        %get3A_83 = arith.constant 32 : index
        %get3A_84 = tpu.vector_load %arg11[%get3A_83] {strides = array<i32>} : memref<128xf32, #tpu.memory_space<vmem>>, vector<16xf32>,
        %max3A_85 = arith.maximumf %max3A, %get3A_84 : vector<16xf32>
        %get3A_86 = arith.constant 48 : index
        %get3A_87 = tpu.vector_load %arg11[%get3A_86] {strides = array<i32>} : memref<128xf32, #tpu.memory_space<vmem>>, vector<16xf32>,
        %max3A_88 = arith.maximumf %max3A_85, %get3A_87 : vector<16xf32>
        %get3A_89 = arith.constant 64 : index
        %get3A_90 = tpu.vector_load %arg11[%get3A_89] {strides = array<i32>} : memref<128xf32, #tpu.memory_space<vmem>>, vector<16xf32>,
        %max3A_91 = arith.maximumf %max3A_88, %get3A_90 : vector<16xf32>
        %get3A_92 = arith.constant 80 : index
        %get3A_93 = tpu.vector_load %arg11[%get3A_92] {strides = array<i32>} : memref<128xf32, #tpu.memory_space<vmem>>, vector<16xf32>,
        %max3A_94 = arith.maximumf %max3A_91, %get3A_93 : vector<16xf32>
        %get3A_95 = arith.constant 96 : index
        %get3A_96 = tpu.vector_load %arg11[%get3A_95] {strides = array<i32>} : memref<128xf32, #tpu.memory_space<vmem>>, vector<16xf32>,
        %max3A_97 = arith.maximumf %max3A_94, %get3A_96 : vector<16xf32>
        %get3A_98 = arith.constant 112 : index
        %get3A_99 = tpu.vector_load %arg11[%get3A_98] {strides = array<i32>} : memref<128xf32, #tpu.memory_space<vmem>>, vector<16xf32>,
        %max3A_100 = arith.maximumf %max3A_97, %get3A_99 : vector<16xf32>
        %reduce_max3A = arith.constant true
        %reduce_max3A_101 = vector.broadcast %reduce_max3A : i1 to vector<16xi1>
        %reduce_max3A_102 = tpu.scan <max>, %max3A_100 masked %reduce_max3A_101 : vector<16xf32>, vector<16xi1> -> vector<16xf32>
        %reduce_max3A_103 = vector.extract %reduce_max3A_102[15] : f32 from vector<16xf32>
        %get3A_104 = arith.constant 0 : index
        %get3A_105 = tpu.vector_load %arg11[%get3A_104] {strides = array<i32>} : memref<128xf32, #tpu.memory_space<vmem>>, vector<16xf32>,
        %eq3A_106 = vector.broadcast %reduce_max3A_103 : f32 to vector<16xf32>
        %eq3A_107 = arith.cmpf oeq, %get3A_105, %eq3A_106 : vector<16xf32>
        %add3A_108 = arith.constant 0 : i32
        %add3A_109 = vector.broadcast %add3A_108 : i32 to vector<16xi32>
        %add3A_110 = arith.addi %add3A_109, %iota3A : vector<16xi32>
        %jit3A = arith.constant 1073741824 : i32
        %broadcast_in_dim3A = vector.broadcast %jit3A : i32 to vector<16xi32>
        %select_n3A = arith.select %eq3A_107, %add3A_110, %broadcast_in_dim3A : vector<16xi1>, vector<16xi32>
        %reduce_min3A = arith.constant true
        %reduce_min3A_111 = vector.broadcast %reduce_min3A : i1 to vector<16xi1>
        %reduce_min3A_112 = arith.constant -2147483648 : i32
        %reduce_min3A_113 = vector.broadcast %reduce_min3A_112 : i32 to vector<16xi32>
        %reduce_min3A_114 = arith.xori %select_n3A, %reduce_min3A_113 : vector<16xi32>
        %reduce_min3A_115 = tpu.scan <min>, %reduce_min3A_114 masked %reduce_min3A_111 : vector<16xi32>, vector<16xi1> -> vector<16xi32>
        %reduce_min3A_116 = arith.xori %reduce_min3A_115, %reduce_min3A_113 : vector<16xi32>
        %reduce_min3A_117 = vector.extract %reduce_min3A_116[15] : i32 from vector<16xi32>
        %min3A = arith.constant 1073741824 : i32
        %min3A_118 = arith.minsi %min3A, %reduce_min3A_117 : i32
        %get3A_119 = arith.constant 16 : index
        %get3A_120 = tpu.vector_load %arg11[%get3A_119] {strides = array<i32>} : memref<128xf32, #tpu.memory_space<vmem>>, vector<16xf32>,
        %eq3A_121 = vector.broadcast %reduce_max3A_103 : f32 to vector<16xf32>
        %eq3A_122 = arith.cmpf oeq, %get3A_120, %eq3A_121 : vector<16xf32>
        %add3A_123 = arith.constant 16 : i32
        %add3A_124 = vector.broadcast %add3A_123 : i32 to vector<16xi32>
        %add3A_125 = arith.addi %add3A_124, %iota3A : vector<16xi32>
        %jit3A_126 = arith.constant 1073741824 : i32
        %broadcast_in_dim3A_127 = vector.broadcast %jit3A_126 : i32 to vector<16xi32>
        %select_n3A_128 = arith.select %eq3A_122, %add3A_125, %broadcast_in_dim3A_127 : vector<16xi1>, vector<16xi32>
        %reduce_min3A_129 = arith.constant true
        %reduce_min3A_130 = vector.broadcast %reduce_min3A_129 : i1 to vector<16xi1>
        %reduce_min3A_131 = arith.constant -2147483648 : i32
        %reduce_min3A_132 = vector.broadcast %reduce_min3A_131 : i32 to vector<16xi32>
        %reduce_min3A_133 = arith.xori %select_n3A_128, %reduce_min3A_132 : vector<16xi32>
        %reduce_min3A_134 = tpu.scan <min>, %reduce_min3A_133 masked %reduce_min3A_130 : vector<16xi32>, vector<16xi1> -> vector<16xi32>
        %reduce_min3A_135 = arith.xori %reduce_min3A_134, %reduce_min3A_132 : vector<16xi32>
        %reduce_min3A_136 = vector.extract %reduce_min3A_135[15] : i32 from vector<16xi32>
        %min3A_137 = arith.minsi %min3A_118, %reduce_min3A_136 : i32
        %get3A_138 = arith.constant 32 : index
        %get3A_139 = tpu.vector_load %arg11[%get3A_138] {strides = array<i32>} : memref<128xf32, #tpu.memory_space<vmem>>, vector<16xf32>,
        %eq3A_140 = vector.broadcast %reduce_max3A_103 : f32 to vector<16xf32>
        %eq3A_141 = arith.cmpf oeq, %get3A_139, %eq3A_140 : vector<16xf32>
        %add3A_142 = arith.constant 32 : i32
        %add3A_143 = vector.broadcast %add3A_142 : i32 to vector<16xi32>
        %add3A_144 = arith.addi %add3A_143, %iota3A : vector<16xi32>
        %jit3A_145 = arith.constant 1073741824 : i32
        %broadcast_in_dim3A_146 = vector.broadcast %jit3A_145 : i32 to vector<16xi32>
        %select_n3A_147 = arith.select %eq3A_141, %add3A_144, %broadcast_in_dim3A_146 : vector<16xi1>, vector<16xi32>
        %reduce_min3A_148 = arith.constant true
        %reduce_min3A_149 = vector.broadcast %reduce_min3A_148 : i1 to vector<16xi1>
        %reduce_min3A_150 = arith.constant -2147483648 : i32
        %reduce_min3A_151 = vector.broadcast %reduce_min3A_150 : i32 to vector<16xi32>
        %reduce_min3A_152 = arith.xori %select_n3A_147, %reduce_min3A_151 : vector<16xi32>
        %reduce_min3A_153 = tpu.scan <min>, %reduce_min3A_152 masked %reduce_min3A_149 : vector<16xi32>, vector<16xi1> -> vector<16xi32>
        %reduce_min3A_154 = arith.xori %reduce_min3A_153, %reduce_min3A_151 : vector<16xi32>
        %reduce_min3A_155 = vector.extract %reduce_min3A_154[15] : i32 from vector<16xi32>
        %min3A_156 = arith.minsi %min3A_137, %reduce_min3A_155 : i32
        %get3A_157 = arith.constant 48 : index
        %get3A_158 = tpu.vector_load %arg11[%get3A_157] {strides = array<i32>} : memref<128xf32, #tpu.memory_space<vmem>>, vector<16xf32>,
        %eq3A_159 = vector.broadcast %reduce_max3A_103 : f32 to vector<16xf32>
        %eq3A_160 = arith.cmpf oeq, %get3A_158, %eq3A_159 : vector<16xf32>
        %add3A_161 = arith.constant 48 : i32
        %add3A_162 = vector.broadcast %add3A_161 : i32 to vector<16xi32>
        %add3A_163 = arith.addi %add3A_162, %iota3A : vector<16xi32>
        %jit3A_164 = arith.constant 1073741824 : i32
        %broadcast_in_dim3A_165 = vector.broadcast %jit3A_164 : i32 to vector<16xi32>
        %select_n3A_166 = arith.select %eq3A_160, %add3A_163, %broadcast_in_dim3A_165 : vector<16xi1>, vector<16xi32>
        %reduce_min3A_167 = arith.constant true
        %reduce_min3A_168 = vector.broadcast %reduce_min3A_167 : i1 to vector<16xi1>
        %reduce_min3A_169 = arith.constant -2147483648 : i32
        %reduce_min3A_170 = vector.broadcast %reduce_min3A_169 : i32 to vector<16xi32>
        %reduce_min3A_171 = arith.xori %select_n3A_166, %reduce_min3A_170 : vector<16xi32>
        %reduce_min3A_172 = tpu.scan <min>, %reduce_min3A_171 masked %reduce_min3A_168 : vector<16xi32>, vector<16xi1> -> vector<16xi32>
        %reduce_min3A_173 = arith.xori %reduce_min3A_172, %reduce_min3A_170 : vector<16xi32>
        %reduce_min3A_174 = vector.extract %reduce_min3A_173[15] : i32 from vector<16xi32>
        %min3A_175 = arith.minsi %min3A_156, %reduce_min3A_174 : i32
        %get3A_176 = arith.constant 64 : index
        %get3A_177 = tpu.vector_load %arg11[%get3A_176] {strides = array<i32>} : memref<128xf32, #tpu.memory_space<vmem>>, vector<16xf32>,
        %eq3A_178 = vector.broadcast %reduce_max3A_103 : f32 to vector<16xf32>
        %eq3A_179 = arith.cmpf oeq, %get3A_177, %eq3A_178 : vector<16xf32>
        %add3A_180 = arith.constant 64 : i32
        %add3A_181 = vector.broadcast %add3A_180 : i32 to vector<16xi32>
        %add3A_182 = arith.addi %add3A_181, %iota3A : vector<16xi32>
        %jit3A_183 = arith.constant 1073741824 : i32
        %broadcast_in_dim3A_184 = vector.broadcast %jit3A_183 : i32 to vector<16xi32>
        %select_n3A_185 = arith.select %eq3A_179, %add3A_182, %broadcast_in_dim3A_184 : vector<16xi1>, vector<16xi32>
        %reduce_min3A_186 = arith.constant true
        %reduce_min3A_187 = vector.broadcast %reduce_min3A_186 : i1 to vector<16xi1>
        %reduce_min3A_188 = arith.constant -2147483648 : i32
        %reduce_min3A_189 = vector.broadcast %reduce_min3A_188 : i32 to vector<16xi32>
        %reduce_min3A_190 = arith.xori %select_n3A_185, %reduce_min3A_189 : vector<16xi32>
        %reduce_min3A_191 = tpu.scan <min>, %reduce_min3A_190 masked %reduce_min3A_187 : vector<16xi32>, vector<16xi1> -> vector<16xi32>
        %reduce_min3A_192 = arith.xori %reduce_min3A_191, %reduce_min3A_189 : vector<16xi32>
        %reduce_min3A_193 = vector.extract %reduce_min3A_192[15] : i32 from vector<16xi32>
        %min3A_194 = arith.minsi %min3A_175, %reduce_min3A_193 : i32
        %get3A_195 = arith.constant 80 : index
        %get3A_196 = tpu.vector_load %arg11[%get3A_195] {strides = array<i32>} : memref<128xf32, #tpu.memory_space<vmem>>, vector<16xf32>,
        %eq3A_197 = vector.broadcast %reduce_max3A_103 : f32 to vector<16xf32>
        %eq3A_198 = arith.cmpf oeq, %get3A_196, %eq3A_197 : vector<16xf32>
        %add3A_199 = arith.constant 80 : i32
        %add3A_200 = vector.broadcast %add3A_199 : i32 to vector<16xi32>
        %add3A_201 = arith.addi %add3A_200, %iota3A : vector<16xi32>
        %jit3A_202 = arith.constant 1073741824 : i32
        %broadcast_in_dim3A_203 = vector.broadcast %jit3A_202 : i32 to vector<16xi32>
        %select_n3A_204 = arith.select %eq3A_198, %add3A_201, %broadcast_in_dim3A_203 : vector<16xi1>, vector<16xi32>
        %reduce_min3A_205 = arith.constant true
        %reduce_min3A_206 = vector.broadcast %reduce_min3A_205 : i1 to vector<16xi1>
        %reduce_min3A_207 = arith.constant -2147483648 : i32
        %reduce_min3A_208 = vector.broadcast %reduce_min3A_207 : i32 to vector<16xi32>
        %reduce_min3A_209 = arith.xori %select_n3A_204, %reduce_min3A_208 : vector<16xi32>
        %reduce_min3A_210 = tpu.scan <min>, %reduce_min3A_209 masked %reduce_min3A_206 : vector<16xi32>, vector<16xi1> -> vector<16xi32>
        %reduce_min3A_211 = arith.xori %reduce_min3A_210, %reduce_min3A_208 : vector<16xi32>
        %reduce_min3A_212 = vector.extract %reduce_min3A_211[15] : i32 from vector<16xi32>
        %min3A_213 = arith.minsi %min3A_194, %reduce_min3A_212 : i32
        %get3A_214 = arith.constant 96 : index
        %get3A_215 = tpu.vector_load %arg11[%get3A_214] {strides = array<i32>} : memref<128xf32, #tpu.memory_space<vmem>>, vector<16xf32>,
        %eq3A_216 = vector.broadcast %reduce_max3A_103 : f32 to vector<16xf32>
        %eq3A_217 = arith.cmpf oeq, %get3A_215, %eq3A_216 : vector<16xf32>
        %add3A_218 = arith.constant 96 : i32
        %add3A_219 = vector.broadcast %add3A_218 : i32 to vector<16xi32>
        %add3A_220 = arith.addi %add3A_219, %iota3A : vector<16xi32>
        %jit3A_221 = arith.constant 1073741824 : i32
        %broadcast_in_dim3A_222 = vector.broadcast %jit3A_221 : i32 to vector<16xi32>
        %select_n3A_223 = arith.select %eq3A_217, %add3A_220, %broadcast_in_dim3A_222 : vector<16xi1>, vector<16xi32>
        %reduce_min3A_224 = arith.constant true
        %reduce_min3A_225 = vector.broadcast %reduce_min3A_224 : i1 to vector<16xi1>
        %reduce_min3A_226 = arith.constant -2147483648 : i32
        %reduce_min3A_227 = vector.broadcast %reduce_min3A_226 : i32 to vector<16xi32>
        %reduce_min3A_228 = arith.xori %select_n3A_223, %reduce_min3A_227 : vector<16xi32>
        %reduce_min3A_229 = tpu.scan <min>, %reduce_min3A_228 masked %reduce_min3A_225 : vector<16xi32>, vector<16xi1> -> vector<16xi32>
        %reduce_min3A_230 = arith.xori %reduce_min3A_229, %reduce_min3A_227 : vector<16xi32>
        %reduce_min3A_231 = vector.extract %reduce_min3A_230[15] : i32 from vector<16xi32>
        %min3A_232 = arith.minsi %min3A_213, %reduce_min3A_231 : i32
        %get3A_233 = arith.constant 112 : index
        %get3A_234 = tpu.vector_load %arg11[%get3A_233] {strides = array<i32>} : memref<128xf32, #tpu.memory_space<vmem>>, vector<16xf32>,
        %eq3A_235 = vector.broadcast %reduce_max3A_103 : f32 to vector<16xf32>
        %eq3A_236 = arith.cmpf oeq, %get3A_234, %eq3A_235 : vector<16xf32>
        %add3A_237 = arith.constant 112 : i32
        %add3A_238 = vector.broadcast %add3A_237 : i32 to vector<16xi32>
        %add3A_239 = arith.addi %add3A_238, %iota3A : vector<16xi32>
        %jit3A_240 = arith.constant 1073741824 : i32
        %broadcast_in_dim3A_241 = vector.broadcast %jit3A_240 : i32 to vector<16xi32>
        %select_n3A_242 = arith.select %eq3A_236, %add3A_239, %broadcast_in_dim3A_241 : vector<16xi1>, vector<16xi32>
        %reduce_min3A_243 = arith.constant true
        %reduce_min3A_244 = vector.broadcast %reduce_min3A_243 : i1 to vector<16xi1>
        %reduce_min3A_245 = arith.constant -2147483648 : i32
        %reduce_min3A_246 = vector.broadcast %reduce_min3A_245 : i32 to vector<16xi32>
        %reduce_min3A_247 = arith.xori %select_n3A_242, %reduce_min3A_246 : vector<16xi32>
        %reduce_min3A_248 = tpu.scan <min>, %reduce_min3A_247 masked %reduce_min3A_244 : vector<16xi32>, vector<16xi1> -> vector<16xi32>
        %reduce_min3A_249 = arith.xori %reduce_min3A_248, %reduce_min3A_246 : vector<16xi32>
        %reduce_min3A_250 = vector.extract %reduce_min3A_249[15] : i32 from vector<16xi32>
        %min3A_251 = arith.minsi %min3A_232, %reduce_min3A_250 : i32
        %mul3A_252 = arith.constant 256 : i32
        %mul3A_253 = arith.muli %min3A_251, %mul3A_252 : i32
        %add3A_254 = arith.constant 0 : i32
        %add3A_255 = arith.addi %mul3A_253, %add3A_254 : i32
        %get3A_256 = arith.index_cast %add3A_255 : i32 to index
        %get3A_257 = tpu.vector_load %arg6[%get3A_256] {strides = array<i32>} : memref<32768xf32, #tpu.memory_space<vmem>>, vector<16xf32>,
        %eq3A_258 = vector.broadcast %reduce_max3A_103 : f32 to vector<16xf32>
        %eq3A_259 = arith.cmpf oeq, %get3A_257, %eq3A_258 : vector<16xf32>
        %add3A_260 = arith.constant 0 : i32
        %add3A_261 = arith.addi %mul3A_253, %add3A_260 : i32
        %add3A_262 = vector.broadcast %add3A_261 : i32 to vector<16xi32>
        %add3A_263 = arith.addi %add3A_262, %iota3A : vector<16xi32>
        %jit3A_264 = arith.constant 1073741824 : i32
        %broadcast_in_dim3A_265 = vector.broadcast %jit3A_264 : i32 to vector<16xi32>
        %select_n3A_266 = arith.select %eq3A_259, %add3A_263, %broadcast_in_dim3A_265 : vector<16xi1>, vector<16xi32>
        %reduce_min3A_267 = arith.constant true
        %reduce_min3A_268 = vector.broadcast %reduce_min3A_267 : i1 to vector<16xi1>
        %reduce_min3A_269 = arith.constant -2147483648 : i32
        %reduce_min3A_270 = vector.broadcast %reduce_min3A_269 : i32 to vector<16xi32>
        %reduce_min3A_271 = arith.xori %select_n3A_266, %reduce_min3A_270 : vector<16xi32>
        %reduce_min3A_272 = tpu.scan <min>, %reduce_min3A_271 masked %reduce_min3A_268 : vector<16xi32>, vector<16xi1> -> vector<16xi32>
        %reduce_min3A_273 = arith.xori %reduce_min3A_272, %reduce_min3A_270 : vector<16xi32>
        %reduce_min3A_274 = vector.extract %reduce_min3A_273[15] : i32 from vector<16xi32>
        %min3A_275 = arith.constant 1073741824 : i32
        %min3A_276 = arith.minsi %min3A_275, %reduce_min3A_274 : i32
        %add3A_277 = arith.constant 16 : i32
        %add3A_278 = arith.addi %mul3A_253, %add3A_277 : i32
        %get3A_279 = arith.index_cast %add3A_278 : i32 to index
        %get3A_280 = tpu.vector_load %arg6[%get3A_279] {strides = array<i32>} : memref<32768xf32, #tpu.memory_space<vmem>>, vector<16xf32>,
        %eq3A_281 = vector.broadcast %reduce_max3A_103 : f32 to vector<16xf32>
        %eq3A_282 = arith.cmpf oeq, %get3A_280, %eq3A_281 : vector<16xf32>
        %add3A_283 = arith.constant 16 : i32
        %add3A_284 = arith.addi %mul3A_253, %add3A_283 : i32
        %add3A_285 = vector.broadcast %add3A_284 : i32 to vector<16xi32>
        %add3A_286 = arith.addi %add3A_285, %iota3A : vector<16xi32>
        %jit3A_287 = arith.constant 1073741824 : i32
        %broadcast_in_dim3A_288 = vector.broadcast %jit3A_287 : i32 to vector<16xi32>
        %select_n3A_289 = arith.select %eq3A_282, %add3A_286, %broadcast_in_dim3A_288 : vector<16xi1>, vector<16xi32>
        %reduce_min3A_290 = arith.constant true
        %reduce_min3A_291 = vector.broadcast %reduce_min3A_290 : i1 to vector<16xi1>
        %reduce_min3A_292 = arith.constant -2147483648 : i32
        %reduce_min3A_293 = vector.broadcast %reduce_min3A_292 : i32 to vector<16xi32>
        %reduce_min3A_294 = arith.xori %select_n3A_289, %reduce_min3A_293 : vector<16xi32>
        %reduce_min3A_295 = tpu.scan <min>, %reduce_min3A_294 masked %reduce_min3A_291 : vector<16xi32>, vector<16xi1> -> vector<16xi32>
        %reduce_min3A_296 = arith.xori %reduce_min3A_295, %reduce_min3A_293 : vector<16xi32>
        %reduce_min3A_297 = vector.extract %reduce_min3A_296[15] : i32 from vector<16xi32>
        %min3A_298 = arith.minsi %min3A_276, %reduce_min3A_297 : i32
        %add3A_299 = arith.constant 32 : i32
        %add3A_300 = arith.addi %mul3A_253, %add3A_299 : i32
        %get3A_301 = arith.index_cast %add3A_300 : i32 to index
        %get3A_302 = tpu.vector_load %arg6[%get3A_301] {strides = array<i32>} : memref<32768xf32, #tpu.memory_space<vmem>>, vector<16xf32>,
        %eq3A_303 = vector.broadcast %reduce_max3A_103 : f32 to vector<16xf32>
        %eq3A_304 = arith.cmpf oeq, %get3A_302, %eq3A_303 : vector<16xf32>
        %add3A_305 = arith.constant 32 : i32
        %add3A_306 = arith.addi %mul3A_253, %add3A_305 : i32
        %add3A_307 = vector.broadcast %add3A_306 : i32 to vector<16xi32>
        %add3A_308 = arith.addi %add3A_307, %iota3A : vector<16xi32>
        %jit3A_309 = arith.constant 1073741824 : i32
        %broadcast_in_dim3A_310 = vector.broadcast %jit3A_309 : i32 to vector<16xi32>
        %select_n3A_311 = arith.select %eq3A_304, %add3A_308, %broadcast_in_dim3A_310 : vector<16xi1>, vector<16xi32>
        %reduce_min3A_312 = arith.constant true
        %reduce_min3A_313 = vector.broadcast %reduce_min3A_312 : i1 to vector<16xi1>
        %reduce_min3A_314 = arith.constant -2147483648 : i32
        %reduce_min3A_315 = vector.broadcast %reduce_min3A_314 : i32 to vector<16xi32>
        %reduce_min3A_316 = arith.xori %select_n3A_311, %reduce_min3A_315 : vector<16xi32>
        %reduce_min3A_317 = tpu.scan <min>, %reduce_min3A_316 masked %reduce_min3A_313 : vector<16xi32>, vector<16xi1> -> vector<16xi32>
        %reduce_min3A_318 = arith.xori %reduce_min3A_317, %reduce_min3A_315 : vector<16xi32>
        %reduce_min3A_319 = vector.extract %reduce_min3A_318[15] : i32 from vector<16xi32>
        %min3A_320 = arith.minsi %min3A_298, %reduce_min3A_319 : i32
        %add3A_321 = arith.constant 48 : i32
        %add3A_322 = arith.addi %mul3A_253, %add3A_321 : i32
        %get3A_323 = arith.index_cast %add3A_322 : i32 to index
        %get3A_324 = tpu.vector_load %arg6[%get3A_323] {strides = array<i32>} : memref<32768xf32, #tpu.memory_space<vmem>>, vector<16xf32>,
        %eq3A_325 = vector.broadcast %reduce_max3A_103 : f32 to vector<16xf32>
        %eq3A_326 = arith.cmpf oeq, %get3A_324, %eq3A_325 : vector<16xf32>
        %add3A_327 = arith.constant 48 : i32
        %add3A_328 = arith.addi %mul3A_253, %add3A_327 : i32
        %add3A_329 = vector.broadcast %add3A_328 : i32 to vector<16xi32>
        %add3A_330 = arith.addi %add3A_329, %iota3A : vector<16xi32>
        %jit3A_331 = arith.constant 1073741824 : i32
        %broadcast_in_dim3A_332 = vector.broadcast %jit3A_331 : i32 to vector<16xi32>
        %select_n3A_333 = arith.select %eq3A_326, %add3A_330, %broadcast_in_dim3A_332 : vector<16xi1>, vector<16xi32>
        %reduce_min3A_334 = arith.constant true
        %reduce_min3A_335 = vector.broadcast %reduce_min3A_334 : i1 to vector<16xi1>
        %reduce_min3A_336 = arith.constant -2147483648 : i32
        %reduce_min3A_337 = vector.broadcast %reduce_min3A_336 : i32 to vector<16xi32>
        %reduce_min3A_338 = arith.xori %select_n3A_333, %reduce_min3A_337 : vector<16xi32>
        %reduce_min3A_339 = tpu.scan <min>, %reduce_min3A_338 masked %reduce_min3A_335 : vector<16xi32>, vector<16xi1> -> vector<16xi32>
        %reduce_min3A_340 = arith.xori %reduce_min3A_339, %reduce_min3A_337 : vector<16xi32>
        %reduce_min3A_341 = vector.extract %reduce_min3A_340[15] : i32 from vector<16xi32>
        %min3A_342 = arith.minsi %min3A_320, %reduce_min3A_341 : i32
        %add3A_343 = arith.constant 64 : i32
        %add3A_344 = arith.addi %mul3A_253, %add3A_343 : i32
        %get3A_345 = arith.index_cast %add3A_344 : i32 to index
        %get3A_346 = tpu.vector_load %arg6[%get3A_345] {strides = array<i32>} : memref<32768xf32, #tpu.memory_space<vmem>>, vector<16xf32>,
        %eq3A_347 = vector.broadcast %reduce_max3A_103 : f32 to vector<16xf32>
        %eq3A_348 = arith.cmpf oeq, %get3A_346, %eq3A_347 : vector<16xf32>
        %add3A_349 = arith.constant 64 : i32
        %add3A_350 = arith.addi %mul3A_253, %add3A_349 : i32
        %add3A_351 = vector.broadcast %add3A_350 : i32 to vector<16xi32>
        %add3A_352 = arith.addi %add3A_351, %iota3A : vector<16xi32>
        %jit3A_353 = arith.constant 1073741824 : i32
        %broadcast_in_dim3A_354 = vector.broadcast %jit3A_353 : i32 to vector<16xi32>
        %select_n3A_355 = arith.select %eq3A_348, %add3A_352, %broadcast_in_dim3A_354 : vector<16xi1>, vector<16xi32>
        %reduce_min3A_356 = arith.constant true
        %reduce_min3A_357 = vector.broadcast %reduce_min3A_356 : i1 to vector<16xi1>
        %reduce_min3A_358 = arith.constant -2147483648 : i32
        %reduce_min3A_359 = vector.broadcast %reduce_min3A_358 : i32 to vector<16xi32>
        %reduce_min3A_360 = arith.xori %select_n3A_355, %reduce_min3A_359 : vector<16xi32>
        %reduce_min3A_361 = tpu.scan <min>, %reduce_min3A_360 masked %reduce_min3A_357 : vector<16xi32>, vector<16xi1> -> vector<16xi32>
        %reduce_min3A_362 = arith.xori %reduce_min3A_361, %reduce_min3A_359 : vector<16xi32>
        %reduce_min3A_363 = vector.extract %reduce_min3A_362[15] : i32 from vector<16xi32>
        %min3A_364 = arith.minsi %min3A_342, %reduce_min3A_363 : i32
        %add3A_365 = arith.constant 80 : i32
        %add3A_366 = arith.addi %mul3A_253, %add3A_365 : i32
        %get3A_367 = arith.index_cast %add3A_366 : i32 to index
        %get3A_368 = tpu.vector_load %arg6[%get3A_367] {strides = array<i32>} : memref<32768xf32, #tpu.memory_space<vmem>>, vector<16xf32>,
        %eq3A_369 = vector.broadcast %reduce_max3A_103 : f32 to vector<16xf32>
        %eq3A_370 = arith.cmpf oeq, %get3A_368, %eq3A_369 : vector<16xf32>
        %add3A_371 = arith.constant 80 : i32
        %add3A_372 = arith.addi %mul3A_253, %add3A_371 : i32
        %add3A_373 = vector.broadcast %add3A_372 : i32 to vector<16xi32>
        %add3A_374 = arith.addi %add3A_373, %iota3A : vector<16xi32>
        %jit3A_375 = arith.constant 1073741824 : i32
        %broadcast_in_dim3A_376 = vector.broadcast %jit3A_375 : i32 to vector<16xi32>
        %select_n3A_377 = arith.select %eq3A_370, %add3A_374, %broadcast_in_dim3A_376 : vector<16xi1>, vector<16xi32>
        %reduce_min3A_378 = arith.constant true
        %reduce_min3A_379 = vector.broadcast %reduce_min3A_378 : i1 to vector<16xi1>
        %reduce_min3A_380 = arith.constant -2147483648 : i32
        %reduce_min3A_381 = vector.broadcast %reduce_min3A_380 : i32 to vector<16xi32>
        %reduce_min3A_382 = arith.xori %select_n3A_377, %reduce_min3A_381 : vector<16xi32>
        %reduce_min3A_383 = tpu.scan <min>, %reduce_min3A_382 masked %reduce_min3A_379 : vector<16xi32>, vector<16xi1> -> vector<16xi32>
        %reduce_min3A_384 = arith.xori %reduce_min3A_383, %reduce_min3A_381 : vector<16xi32>
        %reduce_min3A_385 = vector.extract %reduce_min3A_384[15] : i32 from vector<16xi32>
        %min3A_386 = arith.minsi %min3A_364, %reduce_min3A_385 : i32
        %add3A_387 = arith.constant 96 : i32
        %add3A_388 = arith.addi %mul3A_253, %add3A_387 : i32
        %get3A_389 = arith.index_cast %add3A_388 : i32 to index
        %get3A_390 = tpu.vector_load %arg6[%get3A_389] {strides = array<i32>} : memref<32768xf32, #tpu.memory_space<vmem>>, vector<16xf32>,
        %eq3A_391 = vector.broadcast %reduce_max3A_103 : f32 to vector<16xf32>
        %eq3A_392 = arith.cmpf oeq, %get3A_390, %eq3A_391 : vector<16xf32>
        %add3A_393 = arith.constant 96 : i32
        %add3A_394 = arith.addi %mul3A_253, %add3A_393 : i32
        %add3A_395 = vector.broadcast %add3A_394 : i32 to vector<16xi32>
        %add3A_396 = arith.addi %add3A_395, %iota3A : vector<16xi32>
        %jit3A_397 = arith.constant 1073741824 : i32
        %broadcast_in_dim3A_398 = vector.broadcast %jit3A_397 : i32 to vector<16xi32>
        %select_n3A_399 = arith.select %eq3A_392, %add3A_396, %broadcast_in_dim3A_398 : vector<16xi1>, vector<16xi32>
        %reduce_min3A_400 = arith.constant true
        %reduce_min3A_401 = vector.broadcast %reduce_min3A_400 : i1 to vector<16xi1>
        %reduce_min3A_402 = arith.constant -2147483648 : i32
        %reduce_min3A_403 = vector.broadcast %reduce_min3A_402 : i32 to vector<16xi32>
        %reduce_min3A_404 = arith.xori %select_n3A_399, %reduce_min3A_403 : vector<16xi32>
        %reduce_min3A_405 = tpu.scan <min>, %reduce_min3A_404 masked %reduce_min3A_401 : vector<16xi32>, vector<16xi1> -> vector<16xi32>
        %reduce_min3A_406 = arith.xori %reduce_min3A_405, %reduce_min3A_403 : vector<16xi32>
        %reduce_min3A_407 = vector.extract %reduce_min3A_406[15] : i32 from vector<16xi32>
        %min3A_408 = arith.minsi %min3A_386, %reduce_min3A_407 : i32
        %add3A_409 = arith.constant 112 : i32
        %add3A_410 = arith.addi %mul3A_253, %add3A_409 : i32
        %get3A_411 = arith.index_cast %add3A_410 : i32 to index
        %get3A_412 = tpu.vector_load %arg6[%get3A_411] {strides = array<i32>} : memref<32768xf32, #tpu.memory_space<vmem>>, vector<16xf32>,
        %eq3A_413 = vector.broadcast %reduce_max3A_103 : f32 to vector<16xf32>
        %eq3A_414 = arith.cmpf oeq, %get3A_412, %eq3A_413 : vector<16xf32>
        %add3A_415 = arith.constant 112 : i32
        %add3A_416 = arith.addi %mul3A_253, %add3A_415 : i32
        %add3A_417 = vector.broadcast %add3A_416 : i32 to vector<16xi32>
        %add3A_418 = arith.addi %add3A_417, %iota3A : vector<16xi32>
        %jit3A_419 = arith.constant 1073741824 : i32
        %broadcast_in_dim3A_420 = vector.broadcast %jit3A_419 : i32 to vector<16xi32>
        %select_n3A_421 = arith.select %eq3A_414, %add3A_418, %broadcast_in_dim3A_420 : vector<16xi1>, vector<16xi32>
        %reduce_min3A_422 = arith.constant true
        %reduce_min3A_423 = vector.broadcast %reduce_min3A_422 : i1 to vector<16xi1>
        %reduce_min3A_424 = arith.constant -2147483648 : i32
        %reduce_min3A_425 = vector.broadcast %reduce_min3A_424 : i32 to vector<16xi32>
        %reduce_min3A_426 = arith.xori %select_n3A_421, %reduce_min3A_425 : vector<16xi32>
        %reduce_min3A_427 = tpu.scan <min>, %reduce_min3A_426 masked %reduce_min3A_423 : vector<16xi32>, vector<16xi1> -> vector<16xi32>
        %reduce_min3A_428 = arith.xori %reduce_min3A_427, %reduce_min3A_425 : vector<16xi32>
        %reduce_min3A_429 = vector.extract %reduce_min3A_428[15] : i32 from vector<16xi32>
        %min3A_430 = arith.minsi %min3A_408, %reduce_min3A_429 : i32
        %add3A_431 = arith.constant 128 : i32
        %add3A_432 = arith.addi %mul3A_253, %add3A_431 : i32
        %get3A_433 = arith.index_cast %add3A_432 : i32 to index
        %get3A_434 = tpu.vector_load %arg6[%get3A_433] {strides = array<i32>} : memref<32768xf32, #tpu.memory_space<vmem>>, vector<16xf32>,
        %eq3A_435 = vector.broadcast %reduce_max3A_103 : f32 to vector<16xf32>
        %eq3A_436 = arith.cmpf oeq, %get3A_434, %eq3A_435 : vector<16xf32>
        %add3A_437 = arith.constant 128 : i32
        %add3A_438 = arith.addi %mul3A_253, %add3A_437 : i32
        %add3A_439 = vector.broadcast %add3A_438 : i32 to vector<16xi32>
        %add3A_440 = arith.addi %add3A_439, %iota3A : vector<16xi32>
        %jit3A_441 = arith.constant 1073741824 : i32
        %broadcast_in_dim3A_442 = vector.broadcast %jit3A_441 : i32 to vector<16xi32>
        %select_n3A_443 = arith.select %eq3A_436, %add3A_440, %broadcast_in_dim3A_442 : vector<16xi1>, vector<16xi32>
        %reduce_min3A_444 = arith.constant true
        %reduce_min3A_445 = vector.broadcast %reduce_min3A_444 : i1 to vector<16xi1>
        %reduce_min3A_446 = arith.constant -2147483648 : i32
        %reduce_min3A_447 = vector.broadcast %reduce_min3A_446 : i32 to vector<16xi32>
        %reduce_min3A_448 = arith.xori %select_n3A_443, %reduce_min3A_447 : vector<16xi32>
        %reduce_min3A_449 = tpu.scan <min>, %reduce_min3A_448 masked %reduce_min3A_445 : vector<16xi32>, vector<16xi1> -> vector<16xi32>
        %reduce_min3A_450 = arith.xori %reduce_min3A_449, %reduce_min3A_447 : vector<16xi32>
        %reduce_min3A_451 = vector.extract %reduce_min3A_450[15] : i32 from vector<16xi32>
        %min3A_452 = arith.minsi %min3A_430, %reduce_min3A_451 : i32
        %add3A_453 = arith.constant 144 : i32
        %add3A_454 = arith.addi %mul3A_253, %add3A_453 : i32
        %get3A_455 = arith.index_cast %add3A_454 : i32 to index
        %get3A_456 = tpu.vector_load %arg6[%get3A_455] {strides = array<i32>} : memref<32768xf32, #tpu.memory_space<vmem>>, vector<16xf32>,
        %eq3A_457 = vector.broadcast %reduce_max3A_103 : f32 to vector<16xf32>
        %eq3A_458 = arith.cmpf oeq, %get3A_456, %eq3A_457 : vector<16xf32>
        %add3A_459 = arith.constant 144 : i32
        %add3A_460 = arith.addi %mul3A_253, %add3A_459 : i32
        %add3A_461 = vector.broadcast %add3A_460 : i32 to vector<16xi32>
        %add3A_462 = arith.addi %add3A_461, %iota3A : vector<16xi32>
        %jit3A_463 = arith.constant 1073741824 : i32
        %broadcast_in_dim3A_464 = vector.broadcast %jit3A_463 : i32 to vector<16xi32>
        %select_n3A_465 = arith.select %eq3A_458, %add3A_462, %broadcast_in_dim3A_464 : vector<16xi1>, vector<16xi32>
        %reduce_min3A_466 = arith.constant true
        %reduce_min3A_467 = vector.broadcast %reduce_min3A_466 : i1 to vector<16xi1>
        %reduce_min3A_468 = arith.constant -2147483648 : i32
        %reduce_min3A_469 = vector.broadcast %reduce_min3A_468 : i32 to vector<16xi32>
        %reduce_min3A_470 = arith.xori %select_n3A_465, %reduce_min3A_469 : vector<16xi32>
        %reduce_min3A_471 = tpu.scan <min>, %reduce_min3A_470 masked %reduce_min3A_467 : vector<16xi32>, vector<16xi1> -> vector<16xi32>
        %reduce_min3A_472 = arith.xori %reduce_min3A_471, %reduce_min3A_469 : vector<16xi32>
        %reduce_min3A_473 = vector.extract %reduce_min3A_472[15] : i32 from vector<16xi32>
        %min3A_474 = arith.minsi %min3A_452, %reduce_min3A_473 : i32
        %add3A_475 = arith.constant 160 : i32
        %add3A_476 = arith.addi %mul3A_253, %add3A_475 : i32
        %get3A_477 = arith.index_cast %add3A_476 : i32 to index
        %get3A_478 = tpu.vector_load %arg6[%get3A_477] {strides = array<i32>} : memref<32768xf32, #tpu.memory_space<vmem>>, vector<16xf32>,
        %eq3A_479 = vector.broadcast %reduce_max3A_103 : f32 to vector<16xf32>
        %eq3A_480 = arith.cmpf oeq, %get3A_478, %eq3A_479 : vector<16xf32>
        %add3A_481 = arith.constant 160 : i32
        %add3A_482 = arith.addi %mul3A_253, %add3A_481 : i32
        %add3A_483 = vector.broadcast %add3A_482 : i32 to vector<16xi32>
        %add3A_484 = arith.addi %add3A_483, %iota3A : vector<16xi32>
        %jit3A_485 = arith.constant 1073741824 : i32
        %broadcast_in_dim3A_486 = vector.broadcast %jit3A_485 : i32 to vector<16xi32>
        %select_n3A_487 = arith.select %eq3A_480, %add3A_484, %broadcast_in_dim3A_486 : vector<16xi1>, vector<16xi32>
        %reduce_min3A_488 = arith.constant true
        %reduce_min3A_489 = vector.broadcast %reduce_min3A_488 : i1 to vector<16xi1>
        %reduce_min3A_490 = arith.constant -2147483648 : i32
        %reduce_min3A_491 = vector.broadcast %reduce_min3A_490 : i32 to vector<16xi32>
        %reduce_min3A_492 = arith.xori %select_n3A_487, %reduce_min3A_491 : vector<16xi32>
        %reduce_min3A_493 = tpu.scan <min>, %reduce_min3A_492 masked %reduce_min3A_489 : vector<16xi32>, vector<16xi1> -> vector<16xi32>
        %reduce_min3A_494 = arith.xori %reduce_min3A_493, %reduce_min3A_491 : vector<16xi32>
        %reduce_min3A_495 = vector.extract %reduce_min3A_494[15] : i32 from vector<16xi32>
        %min3A_496 = arith.minsi %min3A_474, %reduce_min3A_495 : i32
        %add3A_497 = arith.constant 176 : i32
        %add3A_498 = arith.addi %mul3A_253, %add3A_497 : i32
        %get3A_499 = arith.index_cast %add3A_498 : i32 to index
        %get3A_500 = tpu.vector_load %arg6[%get3A_499] {strides = array<i32>} : memref<32768xf32, #tpu.memory_space<vmem>>, vector<16xf32>,
        %eq3A_501 = vector.broadcast %reduce_max3A_103 : f32 to vector<16xf32>
        %eq3A_502 = arith.cmpf oeq, %get3A_500, %eq3A_501 : vector<16xf32>
        %add3A_503 = arith.constant 176 : i32
        %add3A_504 = arith.addi %mul3A_253, %add3A_503 : i32
        %add3A_505 = vector.broadcast %add3A_504 : i32 to vector<16xi32>
        %add3A_506 = arith.addi %add3A_505, %iota3A : vector<16xi32>
        %jit3A_507 = arith.constant 1073741824 : i32
        %broadcast_in_dim3A_508 = vector.broadcast %jit3A_507 : i32 to vector<16xi32>
        %select_n3A_509 = arith.select %eq3A_502, %add3A_506, %broadcast_in_dim3A_508 : vector<16xi1>, vector<16xi32>
        %reduce_min3A_510 = arith.constant true
        %reduce_min3A_511 = vector.broadcast %reduce_min3A_510 : i1 to vector<16xi1>
        %reduce_min3A_512 = arith.constant -2147483648 : i32
        %reduce_min3A_513 = vector.broadcast %reduce_min3A_512 : i32 to vector<16xi32>
        %reduce_min3A_514 = arith.xori %select_n3A_509, %reduce_min3A_513 : vector<16xi32>
        %reduce_min3A_515 = tpu.scan <min>, %reduce_min3A_514 masked %reduce_min3A_511 : vector<16xi32>, vector<16xi1> -> vector<16xi32>
        %reduce_min3A_516 = arith.xori %reduce_min3A_515, %reduce_min3A_513 : vector<16xi32>
        %reduce_min3A_517 = vector.extract %reduce_min3A_516[15] : i32 from vector<16xi32>
        %min3A_518 = arith.minsi %min3A_496, %reduce_min3A_517 : i32
        %add3A_519 = arith.constant 192 : i32
        %add3A_520 = arith.addi %mul3A_253, %add3A_519 : i32
        %get3A_521 = arith.index_cast %add3A_520 : i32 to index
        %get3A_522 = tpu.vector_load %arg6[%get3A_521] {strides = array<i32>} : memref<32768xf32, #tpu.memory_space<vmem>>, vector<16xf32>,
        %eq3A_523 = vector.broadcast %reduce_max3A_103 : f32 to vector<16xf32>
        %eq3A_524 = arith.cmpf oeq, %get3A_522, %eq3A_523 : vector<16xf32>
        %add3A_525 = arith.constant 192 : i32
        %add3A_526 = arith.addi %mul3A_253, %add3A_525 : i32
        %add3A_527 = vector.broadcast %add3A_526 : i32 to vector<16xi32>
        %add3A_528 = arith.addi %add3A_527, %iota3A : vector<16xi32>
        %jit3A_529 = arith.constant 1073741824 : i32
        %broadcast_in_dim3A_530 = vector.broadcast %jit3A_529 : i32 to vector<16xi32>
        %select_n3A_531 = arith.select %eq3A_524, %add3A_528, %broadcast_in_dim3A_530 : vector<16xi1>, vector<16xi32>
        %reduce_min3A_532 = arith.constant true
        %reduce_min3A_533 = vector.broadcast %reduce_min3A_532 : i1 to vector<16xi1>
        %reduce_min3A_534 = arith.constant -2147483648 : i32
        %reduce_min3A_535 = vector.broadcast %reduce_min3A_534 : i32 to vector<16xi32>
        %reduce_min3A_536 = arith.xori %select_n3A_531, %reduce_min3A_535 : vector<16xi32>
        %reduce_min3A_537 = tpu.scan <min>, %reduce_min3A_536 masked %reduce_min3A_533 : vector<16xi32>, vector<16xi1> -> vector<16xi32>
        %reduce_min3A_538 = arith.xori %reduce_min3A_537, %reduce_min3A_535 : vector<16xi32>
        %reduce_min3A_539 = vector.extract %reduce_min3A_538[15] : i32 from vector<16xi32>
        %min3A_540 = arith.minsi %min3A_518, %reduce_min3A_539 : i32
        %add3A_541 = arith.constant 208 : i32
        %add3A_542 = arith.addi %mul3A_253, %add3A_541 : i32
        %get3A_543 = arith.index_cast %add3A_542 : i32 to index
        %get3A_544 = tpu.vector_load %arg6[%get3A_543] {strides = array<i32>} : memref<32768xf32, #tpu.memory_space<vmem>>, vector<16xf32>,
        %eq3A_545 = vector.broadcast %reduce_max3A_103 : f32 to vector<16xf32>
        %eq3A_546 = arith.cmpf oeq, %get3A_544, %eq3A_545 : vector<16xf32>
        %add3A_547 = arith.constant 208 : i32
        %add3A_548 = arith.addi %mul3A_253, %add3A_547 : i32
        %add3A_549 = vector.broadcast %add3A_548 : i32 to vector<16xi32>
        %add3A_550 = arith.addi %add3A_549, %iota3A : vector<16xi32>
        %jit3A_551 = arith.constant 1073741824 : i32
        %broadcast_in_dim3A_552 = vector.broadcast %jit3A_551 : i32 to vector<16xi32>
        %select_n3A_553 = arith.select %eq3A_546, %add3A_550, %broadcast_in_dim3A_552 : vector<16xi1>, vector<16xi32>
        %reduce_min3A_554 = arith.constant true
        %reduce_min3A_555 = vector.broadcast %reduce_min3A_554 : i1 to vector<16xi1>
        %reduce_min3A_556 = arith.constant -2147483648 : i32
        %reduce_min3A_557 = vector.broadcast %reduce_min3A_556 : i32 to vector<16xi32>
        %reduce_min3A_558 = arith.xori %select_n3A_553, %reduce_min3A_557 : vector<16xi32>
        %reduce_min3A_559 = tpu.scan <min>, %reduce_min3A_558 masked %reduce_min3A_555 : vector<16xi32>, vector<16xi1> -> vector<16xi32>
        %reduce_min3A_560 = arith.xori %reduce_min3A_559, %reduce_min3A_557 : vector<16xi32>
        %reduce_min3A_561 = vector.extract %reduce_min3A_560[15] : i32 from vector<16xi32>
        %min3A_562 = arith.minsi %min3A_540, %reduce_min3A_561 : i32
        %add3A_563 = arith.constant 224 : i32
        %add3A_564 = arith.addi %mul3A_253, %add3A_563 : i32
        %get3A_565 = arith.index_cast %add3A_564 : i32 to index
        %get3A_566 = tpu.vector_load %arg6[%get3A_565] {strides = array<i32>} : memref<32768xf32, #tpu.memory_space<vmem>>, vector<16xf32>,
        %eq3A_567 = vector.broadcast %reduce_max3A_103 : f32 to vector<16xf32>
        %eq3A_568 = arith.cmpf oeq, %get3A_566, %eq3A_567 : vector<16xf32>
        %add3A_569 = arith.constant 224 : i32
        %add3A_570 = arith.addi %mul3A_253, %add3A_569 : i32
        %add3A_571 = vector.broadcast %add3A_570 : i32 to vector<16xi32>
        %add3A_572 = arith.addi %add3A_571, %iota3A : vector<16xi32>
        %jit3A_573 = arith.constant 1073741824 : i32
        %broadcast_in_dim3A_574 = vector.broadcast %jit3A_573 : i32 to vector<16xi32>
        %select_n3A_575 = arith.select %eq3A_568, %add3A_572, %broadcast_in_dim3A_574 : vector<16xi1>, vector<16xi32>
        %reduce_min3A_576 = arith.constant true
        %reduce_min3A_577 = vector.broadcast %reduce_min3A_576 : i1 to vector<16xi1>
        %reduce_min3A_578 = arith.constant -2147483648 : i32
        %reduce_min3A_579 = vector.broadcast %reduce_min3A_578 : i32 to vector<16xi32>
        %reduce_min3A_580 = arith.xori %select_n3A_575, %reduce_min3A_579 : vector<16xi32>
        %reduce_min3A_581 = tpu.scan <min>, %reduce_min3A_580 masked %reduce_min3A_577 : vector<16xi32>, vector<16xi1> -> vector<16xi32>
        %reduce_min3A_582 = arith.xori %reduce_min3A_581, %reduce_min3A_579 : vector<16xi32>
        %reduce_min3A_583 = vector.extract %reduce_min3A_582[15] : i32 from vector<16xi32>
        %min3A_584 = arith.minsi %min3A_562, %reduce_min3A_583 : i32
        %add3A_585 = arith.constant 240 : i32
        %add3A_586 = arith.addi %mul3A_253, %add3A_585 : i32
        %get3A_587 = arith.index_cast %add3A_586 : i32 to index
        %get3A_588 = tpu.vector_load %arg6[%get3A_587] {strides = array<i32>} : memref<32768xf32, #tpu.memory_space<vmem>>, vector<16xf32>,
        %eq3A_589 = vector.broadcast %reduce_max3A_103 : f32 to vector<16xf32>
        %eq3A_590 = arith.cmpf oeq, %get3A_588, %eq3A_589 : vector<16xf32>
        %add3A_591 = arith.constant 240 : i32
        %add3A_592 = arith.addi %mul3A_253, %add3A_591 : i32
        %add3A_593 = vector.broadcast %add3A_592 : i32 to vector<16xi32>
        %add3A_594 = arith.addi %add3A_593, %iota3A : vector<16xi32>
        %jit3A_595 = arith.constant 1073741824 : i32
        %broadcast_in_dim3A_596 = vector.broadcast %jit3A_595 : i32 to vector<16xi32>
        %select_n3A_597 = arith.select %eq3A_590, %add3A_594, %broadcast_in_dim3A_596 : vector<16xi1>, vector<16xi32>
        %reduce_min3A_598 = arith.constant true
        %reduce_min3A_599 = vector.broadcast %reduce_min3A_598 : i1 to vector<16xi1>
        %reduce_min3A_600 = arith.constant -2147483648 : i32
        %reduce_min3A_601 = vector.broadcast %reduce_min3A_600 : i32 to vector<16xi32>
        %reduce_min3A_602 = arith.xori %select_n3A_597, %reduce_min3A_601 : vector<16xi32>
        %reduce_min3A_603 = tpu.scan <min>, %reduce_min3A_602 masked %reduce_min3A_599 : vector<16xi32>, vector<16xi1> -> vector<16xi32>
        %reduce_min3A_604 = arith.xori %reduce_min3A_603, %reduce_min3A_601 : vector<16xi32>
        %reduce_min3A_605 = vector.extract %reduce_min3A_604[15] : i32 from vector<16xi32>
        %min3A_606 = arith.minsi %min3A_584, %reduce_min3A_605 : i32
        %swap3A = arith.index_cast %scan3A_79 : i32 to index
        %swap3A_607 = memref.load %arg17[%swap3A] : memref<128xi32, #tpu.memory_space<smem>>
        memref.store %min3A_606, %arg17[%swap3A] : memref<128xi32, #tpu.memory_space<smem>>
        %broadcast_in_dim3A_608 = vector.broadcast %scan3A_79 : i32 to vector<16xi32>
        %broadcast_in_dim3A_609 = vector.broadcast %min3A_606 : i32 to vector<16xi32>
        tpu.vector_store_idx %arg12[%broadcast_in_dim3A_608], %broadcast_in_dim3A_609 masked %eq3A_2 : memref<128xi32, #tpu.memory_space<vmem>>[vector<16xi32>], vector<16xi32>, vector<16xi1>
        %broadcast_in_dim3A_610 = vector.broadcast %scan3A_79 : i32 to vector<16xi32>
        %broadcast_in_dim3A_611 = vector.broadcast %reduce_max3A_103 : f32 to vector<16xf32>
        tpu.vector_store_idx %arg13[%broadcast_in_dim3A_610], %broadcast_in_dim3A_611 masked %eq3A_2 : memref<128xf32, #tpu.memory_space<vmem>>[vector<16xi32>], vector<16xf32>, vector<16xi1>
        %broadcast_in_dim3A_612 = vector.broadcast %min3A_606 : i32 to vector<16xi32>
        %broadcast_in_dim3A_613 = arith.constant -2.000000e+00 : f32
        %broadcast_in_dim3A_614 = vector.broadcast %broadcast_in_dim3A_613 : f32 to vector<16xf32>
        tpu.vector_store_idx %arg6[%broadcast_in_dim3A_612], %broadcast_in_dim3A_614 masked %eq3A_2 : memref<32768xf32, #tpu.memory_space<vmem>>[vector<16xi32>], vector<16xf32>, vector<16xi1>
        %get3A_615 = arith.index_cast %mul3A_253 : i32 to index
        %get3A_616 = tpu.vector_load %arg6[%get3A_615] {strides = array<i32>} : memref<32768xf32, #tpu.memory_space<vmem>>, vector<16xf32>,
        %add3A_617 = arith.constant 16 : i32
        %add3A_618 = arith.addi %mul3A_253, %add3A_617 : i32
        %get3A_619 = arith.index_cast %add3A_618 : i32 to index
        %get3A_620 = tpu.vector_load %arg6[%get3A_619] {strides = array<i32>} : memref<32768xf32, #tpu.memory_space<vmem>>, vector<16xf32>,
        %max3A_621 = arith.maximumf %get3A_616, %get3A_620 : vector<16xf32>
        %add3A_622 = arith.constant 32 : i32
        %add3A_623 = arith.addi %mul3A_253, %add3A_622 : i32
        %get3A_624 = arith.index_cast %add3A_623 : i32 to index
        %get3A_625 = tpu.vector_load %arg6[%get3A_624] {strides = array<i32>} : memref<32768xf32, #tpu.memory_space<vmem>>, vector<16xf32>,
        %max3A_626 = arith.maximumf %max3A_621, %get3A_625 : vector<16xf32>
        %add3A_627 = arith.constant 48 : i32
        %add3A_628 = arith.addi %mul3A_253, %add3A_627 : i32
        %get3A_629 = arith.index_cast %add3A_628 : i32 to index
        %get3A_630 = tpu.vector_load %arg6[%get3A_629] {strides = array<i32>} : memref<32768xf32, #tpu.memory_space<vmem>>, vector<16xf32>,
        %max3A_631 = arith.maximumf %max3A_626, %get3A_630 : vector<16xf32>
        %add3A_632 = arith.constant 64 : i32
        %add3A_633 = arith.addi %mul3A_253, %add3A_632 : i32
        %get3A_634 = arith.index_cast %add3A_633 : i32 to index
        %get3A_635 = tpu.vector_load %arg6[%get3A_634] {strides = array<i32>} : memref<32768xf32, #tpu.memory_space<vmem>>, vector<16xf32>,
        %max3A_636 = arith.maximumf %max3A_631, %get3A_635 : vector<16xf32>
        %add3A_637 = arith.constant 80 : i32
        %add3A_638 = arith.addi %mul3A_253, %add3A_637 : i32
        %get3A_639 = arith.index_cast %add3A_638 : i32 to index
        %get3A_640 = tpu.vector_load %arg6[%get3A_639] {strides = array<i32>} : memref<32768xf32, #tpu.memory_space<vmem>>, vector<16xf32>,
        %max3A_641 = arith.maximumf %max3A_636, %get3A_640 : vector<16xf32>
        %add3A_642 = arith.constant 96 : i32
        %add3A_643 = arith.addi %mul3A_253, %add3A_642 : i32
        %get3A_644 = arith.index_cast %add3A_643 : i32 to index
        %get3A_645 = tpu.vector_load %arg6[%get3A_644] {strides = array<i32>} : memref<32768xf32, #tpu.memory_space<vmem>>, vector<16xf32>,
        %max3A_646 = arith.maximumf %max3A_641, %get3A_645 : vector<16xf32>
        %add3A_647 = arith.constant 112 : i32
        %add3A_648 = arith.addi %mul3A_253, %add3A_647 : i32
        %get3A_649 = arith.index_cast %add3A_648 : i32 to index
        %get3A_650 = tpu.vector_load %arg6[%get3A_649] {strides = array<i32>} : memref<32768xf32, #tpu.memory_space<vmem>>, vector<16xf32>,
        %max3A_651 = arith.maximumf %max3A_646, %get3A_650 : vector<16xf32>
        %add3A_652 = arith.constant 128 : i32
        %add3A_653 = arith.addi %mul3A_253, %add3A_652 : i32
        %get3A_654 = arith.index_cast %add3A_653 : i32 to index
        %get3A_655 = tpu.vector_load %arg6[%get3A_654] {strides = array<i32>} : memref<32768xf32, #tpu.memory_space<vmem>>, vector<16xf32>,
        %max3A_656 = arith.maximumf %max3A_651, %get3A_655 : vector<16xf32>
        %add3A_657 = arith.constant 144 : i32
        %add3A_658 = arith.addi %mul3A_253, %add3A_657 : i32
        %get3A_659 = arith.index_cast %add3A_658 : i32 to index
        %get3A_660 = tpu.vector_load %arg6[%get3A_659] {strides = array<i32>} : memref<32768xf32, #tpu.memory_space<vmem>>, vector<16xf32>,
        %max3A_661 = arith.maximumf %max3A_656, %get3A_660 : vector<16xf32>
        %add3A_662 = arith.constant 160 : i32
        %add3A_663 = arith.addi %mul3A_253, %add3A_662 : i32
        %get3A_664 = arith.index_cast %add3A_663 : i32 to index
        %get3A_665 = tpu.vector_load %arg6[%get3A_664] {strides = array<i32>} : memref<32768xf32, #tpu.memory_space<vmem>>, vector<16xf32>,
        %max3A_666 = arith.maximumf %max3A_661, %get3A_665 : vector<16xf32>
        %add3A_667 = arith.constant 176 : i32
        %add3A_668 = arith.addi %mul3A_253, %add3A_667 : i32
        %get3A_669 = arith.index_cast %add3A_668 : i32 to index
        %get3A_670 = tpu.vector_load %arg6[%get3A_669] {strides = array<i32>} : memref<32768xf32, #tpu.memory_space<vmem>>, vector<16xf32>,
        %max3A_671 = arith.maximumf %max3A_666, %get3A_670 : vector<16xf32>
        %add3A_672 = arith.constant 192 : i32
        %add3A_673 = arith.addi %mul3A_253, %add3A_672 : i32
        %get3A_674 = arith.index_cast %add3A_673 : i32 to index
        %get3A_675 = tpu.vector_load %arg6[%get3A_674] {strides = array<i32>} : memref<32768xf32, #tpu.memory_space<vmem>>, vector<16xf32>,
        %max3A_676 = arith.maximumf %max3A_671, %get3A_675 : vector<16xf32>
        %add3A_677 = arith.constant 208 : i32
        %add3A_678 = arith.addi %mul3A_253, %add3A_677 : i32
        %get3A_679 = arith.index_cast %add3A_678 : i32 to index
        %get3A_680 = tpu.vector_load %arg6[%get3A_679] {strides = array<i32>} : memref<32768xf32, #tpu.memory_space<vmem>>, vector<16xf32>,
        %max3A_681 = arith.maximumf %max3A_676, %get3A_680 : vector<16xf32>
        %add3A_682 = arith.constant 224 : i32
        %add3A_683 = arith.addi %mul3A_253, %add3A_682 : i32
        %get3A_684 = arith.index_cast %add3A_683 : i32 to index
        %get3A_685 = tpu.vector_load %arg6[%get3A_684] {strides = array<i32>} : memref<32768xf32, #tpu.memory_space<vmem>>, vector<16xf32>,
        %max3A_686 = arith.maximumf %max3A_681, %get3A_685 : vector<16xf32>
        %add3A_687 = arith.constant 240 : i32
        %add3A_688 = arith.addi %mul3A_253, %add3A_687 : i32
        %get3A_689 = arith.index_cast %add3A_688 : i32 to index
        %get3A_690 = tpu.vector_load %arg6[%get3A_689] {strides = array<i32>} : memref<32768xf32, #tpu.memory_space<vmem>>, vector<16xf32>,
        %max3A_691 = arith.maximumf %max3A_686, %get3A_690 : vector<16xf32>
        %broadcast_in_dim3A_692 = vector.broadcast %min3A_251 : i32 to vector<16xi32>
        %reduce_max3A_693 = arith.constant true
        %reduce_max3A_694 = vector.broadcast %reduce_max3A_693 : i1 to vector<16xi1>
        %reduce_max3A_695 = tpu.scan <max>, %max3A_691 masked %reduce_max3A_694 : vector<16xf32>, vector<16xi1> -> vector<16xf32>
        %reduce_max3A_696 = vector.extract %reduce_max3A_695[15] : f32 from vector<16xf32>
        %broadcast_in_dim3A_697 = vector.broadcast %reduce_max3A_696 : f32 to vector<16xf32>
        tpu.vector_store_idx %arg11[%broadcast_in_dim3A_692], %broadcast_in_dim3A_697 masked %eq3A_2 : memref<128xf32, #tpu.memory_space<vmem>>[vector<16xi32>], vector<16xf32>, vector<16xi1>
      }
      %scan3A_56 = arith.constant 128 : i32
      %scan3A_57 = arith.constant 0 : i32
      %scan3A_58 = arith.constant 0 : i32
      %scan3A_59 = arith.constant 144 : i32
      %scan3A_60 = arith.addi %scan3A_58, %scan3A_59 : i32
      %scan3A_61 = arith.constant 1 : i32
      scf.for %scan3A_79 = %scan3A_58 to %scan3A_60 step %scan3A_61  : i32 {
        %lt3A = arith.constant 128 : i32
        %lt3A_80 = arith.cmpi slt, %scan3A_79, %lt3A : i32
        %convert_element_type3A = arith.extui %lt3A_80 : i1 to i32
        %cond3A = arith.constant 0 : i32
        %cond3A_81 = arith.cmpi ne, %convert_element_type3A, %cond3A : i32
        scf.if %cond3A_81 {
          %get3A = arith.index_cast %scan3A_79 : i32 to index
          %get3A_86 = memref.load %arg17[%get3A] : memref<128xi32, #tpu.memory_space<smem>>
          %jit3A = arith.constant 16 : i32
          %div3A = arith.divsi %get3A_86, %jit3A : i32
          %sign3A = arith.constant 0 : i32
          %sign3A_87 = arith.cmpi sgt, %get3A_86, %sign3A : i32
          %sign3A_88 = arith.extui %sign3A_87 : i1 to i32
          %sign3A_89 = arith.constant 0 : i32
          %sign3A_90 = arith.cmpi slt, %get3A_86, %sign3A_89 : i32
          %sign3A_91 = arith.extui %sign3A_90 : i1 to i32
          %sign3A_92 = arith.subi %sign3A_88, %sign3A_91 : i32
          %sign3A_93 = arith.constant 0 : i32
          %sign3A_94 = arith.cmpi sgt, %jit3A, %sign3A_93 : i32
          %sign3A_95 = arith.extui %sign3A_94 : i1 to i32
          %sign3A_96 = arith.constant 0 : i32
          %sign3A_97 = arith.cmpi slt, %jit3A, %sign3A_96 : i32
          %sign3A_98 = arith.extui %sign3A_97 : i1 to i32
          %sign3A_99 = arith.subi %sign3A_95, %sign3A_98 : i32
          %ne3A = arith.cmpi ne, %sign3A_92, %sign3A_99 : i32
          %rem3A = arith.remsi %get3A_86, %jit3A : i32
          %ne3A_100 = arith.constant 0 : i32
          %ne3A_101 = arith.cmpi ne, %rem3A, %ne3A_100 : i32
          %and3A_102 = arith.andi %ne3A, %ne3A_101 : i1
          %sub3A = arith.constant 1 : i32
          %sub3A_103 = arith.subi %div3A, %sub3A : i32
          %select_n3A = arith.select %and3A_102, %sub3A_103, %div3A : i32
          %dma_start3A_104 = arith.constant 0 : i32
          %dma_start3A_105 = tpu.memref_slice %arg15[%scan3A_79, %dma_start3A_104] : memref<128x128xf32, #tpu.memory_space<vmem>> -> memref<1x128xf32, #tpu.memory_space<vmem>>
          %dma_start3A_106 = arith.constant 0 : i32
          %dma_start3A_107 = tpu.memref_slice %arg2[%add3A_17, %select_n3A, %dma_start3A_106] : memref<128x2048x128xf32, #tpu.memory_space<hbm>> -> memref<1x1x128xf32, #tpu.memory_space<hbm>>
          %dma_start3A_108 = tpu.memref_squeeze %dma_start3A_107 : memref<1x1x128xf32, #tpu.memory_space<hbm>> -> memref<1x128xf32, #tpu.memory_space<hbm>>
          %dma_start3A_109 = arith.constant 0 : i32
          %dma_start3A_110 = tpu.memref_slice %arg15[%scan3A_79, %dma_start3A_109] : memref<128x128xf32, #tpu.memory_space<vmem>> -> memref<1x128xf32, #tpu.memory_space<vmem>>
          %dma_start3A_111 = arith.constant 0 : i32
          %dma_start3A_112 = tpu.memref_slice %arg2[%add3A_17, %select_n3A, %dma_start3A_111] : memref<128x2048x128xf32, #tpu.memory_space<hbm>> -> memref<1x1x128xf32, #tpu.memory_space<hbm>>
          %dma_start3A_113 = tpu.memref_squeeze %dma_start3A_112 : memref<1x1x128xf32, #tpu.memory_space<hbm>> -> memref<1x128xf32, #tpu.memory_space<hbm>>
          tpu.enqueue_dma source(%dma_start3A_113 : memref<1x128xf32, #tpu.memory_space<hbm>>) target(%dma_start3A_110 : memref<1x128xf32, #tpu.memory_space<vmem>>) target_semaphore(%arg22 : memref<!tpu.dma_semaphore, #tpu.memory_space<semaphore_mem>>)
        } else {
        }
        %ge3A = arith.constant 16 : i32
        %ge3A_82 = arith.cmpi sge, %scan3A_79, %ge3A : i32
        %convert_element_type3A_83 = arith.extui %ge3A_82 : i1 to i32
        %cond3A_84 = arith.constant 0 : i32
        %cond3A_85 = arith.cmpi ne, %convert_element_type3A_83, %cond3A_84 : i32
        scf.if %cond3A_85 {
          %dma_wait3A = arith.constant 0 : i32
          %dma_wait3A_86 = arith.constant 0 : i32
          %dma_wait3A_87 = tpu.memref_slice %arg15[%dma_wait3A, %dma_wait3A_86] : memref<128x128xf32, #tpu.memory_space<vmem>> -> memref<1x128xf32, #tpu.memory_space<vmem>>
          %dma_wait3A_88 = arith.constant 0 : i32
          %dma_wait3A_89 = arith.constant 0 : i32
          %dma_wait3A_90 = tpu.memref_slice %arg2[%add3A_17, %dma_wait3A_88, %dma_wait3A_89] : memref<128x2048x128xf32, #tpu.memory_space<hbm>> -> memref<1x1x128xf32, #tpu.memory_space<hbm>>
          %dma_wait3A_91 = tpu.memref_squeeze %dma_wait3A_90 : memref<1x1x128xf32, #tpu.memory_space<hbm>> -> memref<1x128xf32, #tpu.memory_space<hbm>>
          %dma_wait3A_92 = arith.constant 0 : i32
          %dma_wait3A_93 = arith.constant 0 : i32
          %dma_wait3A_94 = tpu.memref_slice %arg15[%dma_wait3A_92, %dma_wait3A_93] : memref<128x128xf32, #tpu.memory_space<vmem>> -> memref<1x128xf32, #tpu.memory_space<vmem>>
          %dma_wait3A_95 = arith.constant 0 : i32
          %dma_wait3A_96 = arith.constant 0 : i32
          %dma_wait3A_97 = tpu.memref_slice %arg2[%add3A_17, %dma_wait3A_95, %dma_wait3A_96] : memref<128x2048x128xf32, #tpu.memory_space<hbm>> -> memref<1x1x128xf32, #tpu.memory_space<hbm>>
          %dma_wait3A_98 = tpu.memref_squeeze %dma_wait3A_97 : memref<1x1x128xf32, #tpu.memory_space<hbm>> -> memref<1x128xf32, #tpu.memory_space<hbm>>
          tpu.wait_dma2 semaphore(%arg22 : memref<!tpu.dma_semaphore, #tpu.memory_space<semaphore_mem>>) src(%dma_wait3A_98 : memref<1x128xf32, #tpu.memory_space<hbm>>) dst(%dma_wait3A_94 : memref<1x128xf32, #tpu.memory_space<vmem>>)
        } else {
        }
      }
      %scan3A_62 = arith.constant 144 : i32
      %shift_right_arithmetic3A = arith.constant 3 : i32
      %shift_right_arithmetic3A_63 = vector.broadcast %shift_right_arithmetic3A : i32 to vector<16xi32>
      %shift_right_arithmetic3A_64 = arith.shrsi %iota3A, %shift_right_arithmetic3A_63 : vector<16xi32>
      %and3A = arith.constant 7 : i32
      %and3A_65 = vector.broadcast %and3A : i32 to vector<16xi32>
      %and3A_66 = arith.andi %iota3A, %and3A_65 : vector<16xi32>
      %scan3A_67 = arith.constant 0 : i32
      %scan3A_68 = arith.constant 0 : i32
      %scan3A_69 = arith.constant 64 : i32
      %scan3A_70 = arith.addi %scan3A_68, %scan3A_69 : i32
      %scan3A_71 = arith.constant 1 : i32
      scf.for %scan3A_79 = %scan3A_68 to %scan3A_70 step %scan3A_71  : i32 {
        %mul3A_80 = arith.constant 2 : i32
        %mul3A_81 = arith.muli %scan3A_79, %mul3A_80 : i32
        %add3A_82 = vector.broadcast %mul3A_81 : i32 to vector<16xi32>
        %add3A_83 = arith.addi %add3A_82, %shift_right_arithmetic3A_64 : vector<16xi32>
        %gather3A = tpu.vector_load_idx %arg12[%add3A_83] : memref<128xi32, #tpu.memory_space<vmem>>[vector<16xi32>], vector<16xi32>,
        %and3A_84 = arith.constant 15 : i32
        %and3A_85 = vector.broadcast %and3A_84 : i32 to vector<16xi32>
        %and3A_86 = arith.andi %gather3A, %and3A_85 : vector<16xi32>
        %mul3A_87 = arith.constant 8 : i32
        %mul3A_88 = vector.broadcast %mul3A_87 : i32 to vector<16xi32>
        %mul3A_89 = arith.muli %and3A_86, %mul3A_88 : vector<16xi32>
        %add3A_90 = arith.addi %mul3A_89, %and3A_66 : vector<16xi32>
        %gather3A_91 = tpu.vector_load_idx %arg15[%add3A_83, %add3A_90] : memref<128x128xf32, #tpu.memory_space<vmem>>[vector<16xi32>, vector<16xi32>], vector<16xf32>,
        %mul3A_92 = arith.constant 16 : i32
        %mul3A_93 = arith.muli %scan3A_79, %mul3A_92 : i32
        %swap3A = arith.index_cast %mul3A_93 : i32 to index
        %swap3A_94 = tpu.vector_load %arg16[%swap3A] {strides = array<i32>} : memref<1024xf32, #tpu.memory_space<vmem>>, vector<16xf32>,
        tpu.vector_store %arg16[%swap3A], %gather3A_91 {strides = array<i32>} : memref<1024xf32, #tpu.memory_space<vmem>>, vector<16xf32>,
      }
      %scan3A_72 = arith.constant 64 : i32
      "tpu.region"() ({
        %run_scoped3A = tpu.sem_alloc : memref<!tpu.dma_semaphore, #tpu.memory_space<semaphore_mem>>
        %dma_start3A_79 = arith.constant 0 : i32
        %dma_start3A_80 = tpu.memref_slice %arg4[%add3A_17, %dma_start3A_79] : memref<128x1024xf32, #tpu.memory_space<hbm>> -> memref<1x1024xf32, #tpu.memory_space<hbm>>
        %dma_start3A_81 = tpu.memref_squeeze %dma_start3A_80 : memref<1x1024xf32, #tpu.memory_space<hbm>> -> memref<1024xf32, #tpu.memory_space<hbm>>
        %dma_start3A_82 = arith.constant 0 : i32
        %dma_start3A_83 = tpu.memref_slice %arg4[%add3A_17, %dma_start3A_82] : memref<128x1024xf32, #tpu.memory_space<hbm>> -> memref<1x1024xf32, #tpu.memory_space<hbm>>
        %dma_start3A_84 = tpu.memref_squeeze %dma_start3A_83 : memref<1x1024xf32, #tpu.memory_space<hbm>> -> memref<1024xf32, #tpu.memory_space<hbm>>
        tpu.enqueue_dma source(%arg16 : memref<1024xf32, #tpu.memory_space<vmem>>) target(%dma_start3A_84 : memref<1024xf32, #tpu.memory_space<hbm>>) target_semaphore(%run_scoped3A : memref<!tpu.dma_semaphore, #tpu.memory_space<semaphore_mem>>)
        %dma_wait3A = arith.constant 0 : i32
        %dma_wait3A_85 = tpu.memref_slice %arg4[%add3A_17, %dma_wait3A] : memref<128x1024xf32, #tpu.memory_space<hbm>> -> memref<1x1024xf32, #tpu.memory_space<hbm>>
        %dma_wait3A_86 = tpu.memref_squeeze %dma_wait3A_85 : memref<1x1024xf32, #tpu.memory_space<hbm>> -> memref<1024xf32, #tpu.memory_space<hbm>>
        %dma_wait3A_87 = arith.constant 0 : i32
        %dma_wait3A_88 = tpu.memref_slice %arg4[%add3A_17, %dma_wait3A_87] : memref<128x1024xf32, #tpu.memory_space<hbm>> -> memref<1x1024xf32, #tpu.memory_space<hbm>>
        %dma_wait3A_89 = tpu.memref_squeeze %dma_wait3A_88 : memref<1x1024xf32, #tpu.memory_space<hbm>> -> memref<1024xf32, #tpu.memory_space<hbm>>
        tpu.wait_dma2 semaphore(%run_scoped3A : memref<!tpu.dma_semaphore, #tpu.memory_space<semaphore_mem>>) src(%arg16 : memref<1024xf32, #tpu.memory_space<vmem>>) dst(%dma_wait3A_89 : memref<1024xf32, #tpu.memory_space<hbm>>)
        tpu.yield
      }) : () -> ()
      %scan3A_73 = arith.constant 0 : i32
      %scan3A_74 = arith.constant 0 : i32
      %scan3A_75 = arith.constant 8 : i32
      %scan3A_76 = arith.addi %scan3A_74, %scan3A_75 : i32
      %scan3A_77 = arith.constant 1 : i32
      scf.for %scan3A_79 = %scan3A_74 to %scan3A_76 step %scan3A_77  : i32 {
        %mul3A_80 = arith.constant 16 : i32
        %mul3A_81 = arith.muli %scan3A_79, %mul3A_80 : i32
        %get3A = arith.index_cast %mul3A_81 : i32 to index
        %get3A_82 = tpu.vector_load %arg13[%get3A] {strides = array<i32>} : memref<128xf32, #tpu.memory_space<vmem>>, vector<16xf32>,
        %eq3A_83 = arith.constant -1.000000e+00 : f32
        %eq3A_84 = vector.broadcast %eq3A_83 : f32 to vector<16xf32>
        %eq3A_85 = arith.cmpf oeq, %get3A_82, %eq3A_84 : vector<16xf32>
        %broadcast_in_dim3A = arith.constant 1.000000e+00 : f32
        %broadcast_in_dim3A_86 = vector.broadcast %broadcast_in_dim3A : f32 to vector<16xf32>
        %broadcast_in_dim3A_87 = arith.constant 0.000000e+00 : f32
        %broadcast_in_dim3A_88 = vector.broadcast %broadcast_in_dim3A_87 : f32 to vector<16xf32>
        %select_n3A = arith.select %eq3A_85, %broadcast_in_dim3A_86, %broadcast_in_dim3A_88 : vector<16xi1>, vector<16xf32>
        %mul3A_89 = arith.constant 16 : i32
        %mul3A_90 = arith.muli %scan3A_79, %mul3A_89 : i32
        %swap3A = arith.index_cast %mul3A_90 : i32 to index
        %swap3A_91 = tpu.vector_load %arg14[%swap3A] {strides = array<i32>} : memref<128xf32, #tpu.memory_space<vmem>>, vector<16xf32>,
        tpu.vector_store %arg14[%swap3A], %select_n3A {strides = array<i32>} : memref<128xf32, #tpu.memory_space<vmem>>, vector<16xf32>,
      }
      %scan3A_78 = arith.constant 8 : i32
      "tpu.region"() ({
        %run_scoped3A = tpu.sem_alloc : memref<!tpu.dma_semaphore, #tpu.memory_space<semaphore_mem>>
        %dma_start3A_79 = arith.constant 0 : i32
        %dma_start3A_80 = tpu.memref_slice %arg5[%add3A_17, %dma_start3A_79] : memref<128x128xf32, #tpu.memory_space<hbm>> -> memref<1x128xf32, #tpu.memory_space<hbm>>
        %dma_start3A_81 = tpu.memref_squeeze %dma_start3A_80 : memref<1x128xf32, #tpu.memory_space<hbm>> -> memref<128xf32, #tpu.memory_space<hbm>>
        %dma_start3A_82 = arith.constant 0 : i32
        %dma_start3A_83 = tpu.memref_slice %arg5[%add3A_17, %dma_start3A_82] : memref<128x128xf32, #tpu.memory_space<hbm>> -> memref<1x128xf32, #tpu.memory_space<hbm>>
        %dma_start3A_84 = tpu.memref_squeeze %dma_start3A_83 : memref<1x128xf32, #tpu.memory_space<hbm>> -> memref<128xf32, #tpu.memory_space<hbm>>
        tpu.enqueue_dma source(%arg14 : memref<128xf32, #tpu.memory_space<vmem>>) target(%dma_start3A_84 : memref<128xf32, #tpu.memory_space<hbm>>) target_semaphore(%run_scoped3A : memref<!tpu.dma_semaphore, #tpu.memory_space<semaphore_mem>>)
        %dma_wait3A = arith.constant 0 : i32
        %dma_wait3A_85 = tpu.memref_slice %arg5[%add3A_17, %dma_wait3A] : memref<128x128xf32, #tpu.memory_space<hbm>> -> memref<1x128xf32, #tpu.memory_space<hbm>>
        %dma_wait3A_86 = tpu.memref_squeeze %dma_wait3A_85 : memref<1x128xf32, #tpu.memory_space<hbm>> -> memref<128xf32, #tpu.memory_space<hbm>>
        %dma_wait3A_87 = arith.constant 0 : i32
        %dma_wait3A_88 = tpu.memref_slice %arg5[%add3A_17, %dma_wait3A_87] : memref<128x128xf32, #tpu.memory_space<hbm>> -> memref<1x128xf32, #tpu.memory_space<hbm>>
        %dma_wait3A_89 = tpu.memref_squeeze %dma_wait3A_88 : memref<1x128xf32, #tpu.memory_space<hbm>> -> memref<128xf32, #tpu.memory_space<hbm>>
        tpu.wait_dma2 semaphore(%run_scoped3A : memref<!tpu.dma_semaphore, #tpu.memory_space<semaphore_mem>>) src(%arg14 : memref<128xf32, #tpu.memory_space<vmem>>) dst(%dma_wait3A_89 : memref<128xf32, #tpu.memory_space<hbm>>)
        tpu.yield
      }) : () -> ()
    }
    %scan3A_13 = arith.constant 4 : i32
    return
  }
}

</mosaic_0001>

<sc_bundles>
// kernel: _run.3.cloned.1.call-start
scs
__scs_entry_jumppad:
0x0: {  	(pc) =	sbr.rel $0x88, $3  }
0x1: {  	(tag) =	ssettag $0x0;
	lr =	simm.s32 $0x1  }
0x2: {  	[smem:$0x3F9F] =	sst lr;
	_ =	strace $0xD0000000  }
0x3: {  	_ = 	snop  }
0x4: {  	_ = 	snop  }
0x5: {  	_ = 	snop  }
0x6: {  	_ = 	snop  }
0x7: {  	_ = 	snop  }
__scs_overlays_trampoline_lowered:
0x8: {  	[smem:$0x3FAE] =	sst s0  }
0x9: {  	[smem:$0x3FAF] =	sst s1  }
0xa: {  	[smem:$0x3FB0] =	sst s2  }
0xb: {  	[smem:$0x3FB1] =	sst s3  }
0xc: {  	[smem:$0x3FB2] =	sst s4  }
0xd: {  	[smem:$0x3FB3] =	sst s5  }
0xe: {  	[smem:$0x3FB4] =	sst s6  }
0xf: {  	[smem:$0x3FB5] =	sst s7  }
0x10: {  	[smem:$0x3FB6] =	sst s8  }
0x11: {  	[smem:$0x3FB7] =	sst s9;
	s0 =	simm.s32 @!p0 $0x0  }
0x12: {  	s1 =	sld [smem:$0x3F9D];
	s0 =	simm.s32 @p0 $0x1  }
0x13: {  	[smem:$0x3FB8] =	sst s0;
	s0 =	simm.s32 @!p1 $0x0  }
0x14: {  	s2 =	sld [smem:$0x3F9C];
	s0 =	simm.s32 @p1 $0x1  }
0x15: {  	[smem:$0x3FB9] =	sst s0;
	s0 =	simm.s32 @!p2 $0x0  }
0x16: {  	s3 =	sld [smem:$0x3FDB];
	s0 =	simm.s32 @p2 $0x1  }
0x17: {  	s4 =	simm.s32 $0x1BF5;
	[smem:$0x3FBB] =	sst s0  }
0x18: {  	s0 =	sld [smem:$0x3F9E];
	_ =	swait.ge [sflag:s4], $0x0  }
0x19: {  	s7 =	sld [smem:$0x3F9F]  }
0x1a: {  	s8 =	sadd.s32 $0xFFFFE003, lr  }
0x1b: {  	s9 =	sadd.s32 $0xFFFFFEF7, lr;
	s5 =	simm.s32 $0xFFFFFFFF;
	p2 =	slt.u32 s8, $0xFFFFF086  }
0x1c: {  	p1 =	slt.u32 s9, $0xF7A;
	s5 =	simm.s32 @!p2 $0x0  }
0x1d: {  	s5 =	simm.s32 @p1 $0x1;
	p0 =	seq.s32 s7, s2  }
0x1e: {  	s7 =	smul.u32 @!p0 $0xF7A, s2;
	p2 =	seq.s32 @!p0 s5, $0x0  }
0x1f: {  	s9 =	smul.u32 $0xF7A, s1;
	s8 =	simm.s32 @!p0 $0x1BF5;
	p2 =	por !p2, p0  }
0x20: {  	[sflag:s8] =	ssyncset.s32 @!p0 $0xFFFFF086;
	s6 =	sadd.s32 @!p0 s3, s7;
	s7 =	simm.s32 @!p0 $0x108  }
0x21: {  	s3 =	sadd.s32 s3, s9;
	s6 =	sadd.s32 @!p0 $0x88, s6;
	s7 =	simm.s32 @p2 $0x1082  }
0x22: {  	[simem:s7], [sflag:s8] =	dma.local @!p0 [hbm:s6], $0xF7A  }
0x23: {  	s9 =	sor.u32 $0xD0000000, s2;
	s6 =	simm.s32 $0x108;
	_ =	swait.ge @!p0 [sflag:s8], $0x0  }
0x24: {  	s3 =	sadd.s32 $0x88, s3;
	s6 =	simm.s32 @!p1 $0x1082;
	[sflag:s4] =	ssyncset.s32 $0xFFFFF086  }
0x25: {  	[simem:s6], [sflag:s4] =	dma.local [hbm:s3], $0xF7A  }
0x26: {  	[smem:$0x3F9F] =	sst s1;
	(tag) =	ssettag s2;
	_ =	strace s9  }
0x27: {  	s1 =	sld [smem:$0x3FAF]  }
0x28: {  	s2 =	sld [smem:$0x3FB0]  }
0x29: {  	s4 =	sld [smem:$0x3FB2]  }
0x2a: {  	p0 =	seq.s32 s5, $0x0;
	s5 =	sld [smem:$0x3FB3]  }
0x2b: {  	s6 =	sld [smem:$0x3FB4]  }
0x2c: {  	s7 =	sld [smem:$0x3FB5]  }
0x2d: {  	s3 =	simm.s32 $0x108;
	s8 =	sld [smem:$0x3FB6]  }
0x2e: {  	s3 =	simm.s32 @!p0 $0x1082;
	s9 =	sld [smem:$0x3FB7]  }
0x2f: {  	lr =	sadd.s32 s0, s3;
	s0 =	sld [smem:$0x3FAE]  }
0x30: {  	s3 =	sld [smem:$0x3FB1]  }
0x31: {  	[smem:$0x3FBA] =	sst s10  }
0x32: {  	s10 =	sld [smem:$0x3FB8];
	_ =	sdelay $0x3  }
0x33: {  	p0 =	seq.s32 s10, $0x1;
	s10 =	sld [smem:$0x3FBA];
	_ =	sdelay $0x3  }
0x34: {  	[smem:$0x3FBA] =	sst s10  }
0x35: {  	s10 =	sld [smem:$0x3FB9];
	_ =	sdelay $0x3  }
0x36: {  	p1 =	seq.s32 s10, $0x1;
	s10 =	sld [smem:$0x3FBA];
	_ =	sdelay $0x3  }
0x37: {  	[smem:$0x3FBA] =	sst s10  }
0x38: {  	s10 =	sld [smem:$0x3FBB]  }
0x39: {  	_ = 	snop;
	(pc) =	sbr.ind lr, $3  }
0x3a: {  	_ = 	snop  }
0x3b: {  	_ = 	snop  }
0x3c: {  	p2 =	seq.s32 s10, $0x1;
	s10 =	sld [smem:$0x3FBA]  }
0x3d: {  	_ =	shalt  }
0x3e: {  	_ =	shalt  }
0x3f: {  	_ =	shalt  }
0x40: {  	_ =	shalt  }
0x41: {  	_ =	shalt  }
0x42: {  	_ =	shalt  }
0x43: {  	_ =	shalt  }
0x44: {  	_ =	shalt  }
0x45: {  	_ =	shalt  }
0x46: {  	_ =	shalt  }
0x47: {  	_ =	shalt  }
0x48: {  	_ =	shalt  }
0x49: {  	_ =	shalt  }
0x4a: {  	_ =	shalt  }
0x4b: {  	_ =	shalt  }
0x4c: {  	_ =	shalt  }
0x4d: {  	_ =	shalt  }
0x4e: {  	_ =	shalt  }
0x4f: {  	_ =	shalt  }
0x50: {  	_ =	shalt  }
0x51: {  	_ =	shalt  }
0x52: {  	_ =	shalt  }
0x53: {  	_ =	shalt  }
0x54: {  	_ =	shalt  }
0x55: {  	_ =	shalt  }
0x56: {  	_ =	shalt  }
0x57: {  	_ =	shalt  }
0x58: {  	_ =	shalt  }
0x59: {  	_ =	shalt  }
0x5a: {  	_ =	shalt  }
0x5b: {  	_ =	shalt  }
0x5c: {  	_ =	shalt  }
0x5d: {  	_ =	shalt  }
0x5e: {  	_ =	shalt  }
0x5f: {  	_ =	shalt  }
0x60: {  	_ =	shalt  }
0x61: {  	_ =	shalt  }
0x62: {  	_ =	shalt  }
0x63: {  	_ =	shalt  }
0x64: {  	_ =	shalt  }
0x65: {  	_ =	shalt  }
0x66: {  	_ =	shalt  }
0x67: {  	_ =	shalt  }
0x68: {  	_ =	shalt  }
0x69: {  	_ =	shalt  }
0x6a: {  	_ =	shalt  }
0x6b: {  	_ =	shalt  }
0x6c: {  	_ =	shalt  }
0x6d: {  	_ =	shalt  }
0x6e: {  	_ =	shalt  }
0x6f: {  	_ =	shalt  }
0x70: {  	_ =	shalt  }
0x71: {  	_ =	shalt  }
0x72: {  	_ =	shalt  }
0x73: {  	_ =	shalt  }
0x74: {  	_ =	shalt  }
0x75: {  	_ =	shalt  }
0x76: {  	_ =	shalt  }
0x77: {  	_ =	shalt  }
0x78: {  	_ =	shalt  }
0x79: {  	_ =	shalt  }
0x7a: {  	_ =	shalt  }
0x7b: {  	_ =	shalt  }
0x7c: {  	_ =	shalt  }
0x7d: {  	_ =	shalt  }
0x7e: {  	_ =	shalt  }
0x7f: {  	_ =	shalt  }
0x80: {  	_ =	shalt  }
0x81: {  	_ =	shalt  }
0x82: {  	_ =	shalt  }
0x83: {  	_ =	shalt  }
0x84: {  	_ =	shalt  }
0x85: {  	_ =	shalt  }
0x86: {  	_ =	shalt  }
0x87: {  	_ =	shalt  }
.Lfunc_end0:
.L_simem_size_0:
called_computation_lowered:
.L_overlay_start_0:
0x88: {  	s2 =	sld [smem:$0x3FD9]  }
0x89: {  	s3 =	sld [smem:$0x3FFE];
	_ =	sdelay $0x1  }
0x8a: {  	s1 =	srdreg.scid  }
0x8b: {  	s0 =	sand.u32 $0x1, s1  }
0x8c: {  	s15 =	sshll.u32 s0, $0xA;
	s2 =	sadd.s32 s3, s2  }
0x8d: {  	s2 =	sadd.s32 s2, s15  }
0x8e: {  	[smem:$0x3FC6] =	sst s2  }
0x8f: {  	_ = 	snop  }
0x90: {  	s2 =	sld [smem:$0x3FD0];
	_ =	sdelay $0x1  }
0x91: {  	s16 =	sld [smem:$0x3FC9]  }
0x92: {  	s5 =	simm.s32 $0xA;
	s6 =	simm.s32 $0x10;
	s4 =	sld [smem:$0x3FC8]  }
0x93: {  	[smem:s6], [sflag:s5] =	dma.local [hbm:s2], $0x1  }
0x94: {  	_ =	swait.eq [sflag:s5], $0x1  }
0x95: {  	[sflag:s5] =	ssyncset.done $0x0  }
0x96: {  	s17 =	sld [smem:$0x10];
	[sflag:s5] =	ssyncadd.s32 $0xFFFFFFFF  }
0x97: {  	s18 =	sld [smem:$0x11];
	(tm) =	ssettm $0x1  }
0x98: {  	s19 =	sld [smem:$0x3FFB];
	_ =	sdelay $0x3  }
0x99: {  	_ =	strace s19  }
0x9a: {  	s6 =	sld [smem:$0x3FFC];
	_ =	sdelay $0x3  }
0x9b: {  	_ =	strace s6  }
0x9c: {  	s6 =	sld [smem:$0x3FFD];
	_ =	sdelay $0x3  }
0x9d: {  	_ =	strace s6  }
0x9e: {  	_ =	strace $0x8FFFFFFF  }
0x9f: {  	s20 =	sld [smem:$0x3FDB];
	_ =	sdelay $0x1  }
0xa0: {  	s7 =	simm.s32 $_scs_section_size  }
0xa1: {  	s8 =	simm.s32 $_size__tile_overlayer_lowered;
	s9 =	simm.s32 $_tile_overlayer_lowered  }
0xa2: {  	s23 =	simm.s32 $0x1BFF;
	s22 =	sshll.u32 s9, $0x1;
	s6 =	sadd.s32 s7, s20  }
0xa3: {  	s10 =	simm.s32 $0x0;
	s21 =	sshll.u32 s8, $0x1;
	s8 =	sadd.s32 s22, s6  }
0xa4: {  	[timem:s10], [sflag:s23] =	dma.local [hbm:s8], s21  }
0xa5: {  	_ =	swait.ge [sflag:s23], s21  }
0xa6: {  	s7 =	ssub.s32 $0x0, s21;
	[sflag:s23] =	ssyncset.done $0x0  }
0xa7: {  	[sflag:s23] =	ssyncadd.s32 s7;
	_ =	sdelay $0x1  }
0xa8: {  	s24 =	simm.s32 $0x1B8B  }
0xa9: {  	_ =	swait.ge [sflag:s24], $0x1  }
0xaa: {  	[sflag:s24] =	ssyncset.done $0x0  }
0xab: {  	s25 =	simm.s32 $0x1B8E;
	[sflag:s24] =	ssyncadd.s32 $0xFFFFFFFF  }
0xac: {  	s26 =	simm.s32 $execute0_lowered;
	[smem:$0x3FD2] =	sst s25  }
0xad: {  	s7 =	sshll.u32 s26, $0x1;
	_ =	strace $0x80000046;
	[dreg:$0x1] =	wrdreg $0xFFFFFFFF  }
0xae: {  	s28 =	simm.s32 $_size_execute0_lowered;
	s6 =	sadd.s32 s6, s7;
	[dreg:$0x0] =	wrdreg $0x0  }
0xaf: {  	s7 =	sshll.u32 s28, $0x1;
	[dreg:$0x2] =	wrdreg s6  }
0xb0: {  	[dreg:$0x3] =	wrdreg s7  }
0xb1: {  	[dreg:$0x4] =	wrdreg $0xC0  }
0xb2: {  	_ =	task [dreg:s10], $0x5FFFF  }
0xb3: {  	[dreg:$0x1] =	wrdreg $0xFFFFFFFF  }
0xb4: {  	[dreg:$0x0] =	wrdreg $0x60  }
0xb5: {  	[dreg:$0x2] =	wrdreg s16  }
0xb6: {  	[dreg:$0x3] =	wrdreg s4  }
0xb7: {  	[dreg:$0x4] =	wrdreg s17  }
0xb8: {  	[dreg:$0x5] =	wrdreg s18  }
0xb9: {  	[dreg:$0x6] =	wrdreg $0x9  }
0xba: {  	_ =	task.clear_ibuf [dreg:s10], $0x7FFFF;
	_ =	strace $0x90000046  }
0xbb: {  	s29 =	simm.s32 $0x9;
	_ =	strace $0x80000048  }
0xbc: {  	_ =	swait.ge [sflag:s29], $0x1  }
0xbd: {  	[sflag:s29] =	ssyncadd.s32 $0xFFFFFFFF  }
0xbe: {  	_ =	strace $0x90000048  }
0xbf: {  	_ =	sfence  }
0xc0: {  	s30 =	sld [smem:$0x0];
	_ =	sdelay $0x2  }
0xc1: {  	s31 =	sshll.u32 s1, $0xD;
	s1 =	sshrl.u32 s1, $0x2  }
0xc2: {  	s3 =	sand.u32 $0x4000, s31;
	s1 =	sadd.s32 s1, s30  }
0xc3: {  	s0 =	sor.u32 s3, s0;
	s1 =	sshll.u32 s1, $0x11  }
0xc4: {  	s0 =	sor.u32 s1, s0  }
0xc5: {  	s0 =	sadd.s32 $0x8F2B, s0  }
0xc6: {  	[sflag:s0] =	ssyncadd.remote.s32 $0x1  }
0xc7: {  	_ =	sfence.sel $0xFFFF  }
0xc8: {  	[dreg:$0x0] =	wrdreg $0xFFFFFFFF;
	(pc) =	sbr.abs _section_cstart, $3  }
0xc9: {  	[dreg:$0x1] =	wrdreg $0xFFFFFFFF  }
0xca: {  	_ =	task.clear_ibuf [dreg:s10], $0x2FFFF;
	_ =	strace $0x9FFFFFFF  }
0xcb: {  	(tm) =	ssettm $0x7FFFFFFF  }
tec
execute0_lowered:
.L_overlay_start_1:
0x0: {  	(tag) =	ssettag $0x1  }
0x1: {  	s3 =	rddreg [dreg:$0x0]  }
0x2: {  	s4 =	rddreg [dreg:$0x1];
	s0 =	srdreg.scid  }
0x3: {  	s1 =	simm.s32 $0x0;
	s5 =	stileid.u32;
	s14 =	simm.s32 $0x8000  }
0x4: {  	s17 =	simm.s32 $0xC000;
	s21 =	simm.s32 $0x11000;
	s31 =	simm.s32 $0x11100  }
0x5: {  	s0 =	sand.u32 $0x1, s0;
	[smem:$0x7FF] =	sst s1;
	s24 =	sshll.u32 s5, $0x12  }
0x6: {  	s25 =	sadd.s32 $0x800, s3;
	_ =	strace $0x80000047;
	[dreg:$0x7] =	wrdreg s24  }
0x7: {  	s23 =	sshll.u32 s5, $0x3;
	s26 =	sadd.s32 $0x800, s4;
	[dreg:$0x8] =	wrdreg s25  }
0x8: {  	s28 =	sshll.u32 s5, $0xD;
	s29 =	sshll.u32 s5, $0xA;
	[dreg:$0x9] =	wrdreg s26  }
0x9: {  	v0 =	vlaneseq.u32;
	s4 =	simm.s32 $0x400;
	s22 =	ssub.s32 $0x2, s0;
	[dreg:$0xa] =	wrdreg s28  }
0xa: {  	v10 =	vimm.f32 $-2.000000000e+00;
	v11 =	vimm.f32 $0.0e+00;
	v6 =	vmul.u32 $0x8, v0;
	s0 =	sshll.u32 s0, $0x2;
	[dreg:$0xb] =	wrdreg s29;
	s2 =	sshrl.u32 s22, $0x1  }
0xb: {  	v1 =	vor.u32 $0x80000010, v0;
	v2 =	vor.u32 $0x80000020, v0;
	v4 =	vor.u32 $0x80000030, v0;
	[dreg:$0x5] =	wrdreg s31;
	s0 =	sor.u32 s0, s23;
	s1 =	ssub.s32 s22, s2  }
0xc: {  	v3 =	vor.u32 $0x80000000, v0;
	v5 =	vor.u32 $0x80000040, v0;
	v7 =	vor.u32 $0x80000050, v0;
	s24 =	simm.s32 $0x11080;
	[dreg:$0x6] =	wrdreg s0;
	s30 =	smax.u32 s1, $0x1  }
0xd: {  	v8 =	vor.u32 $0x80000060, v0;
	v9 =	vor.u32 $0x80000070, v0;
	s26 =	simm.s32 $0x11200;
	v6 =	vor.u32 $0x2, v6;
	s1 =	simm.s32 $0x0;
	[dreg:$0xc] =	wrdreg s30  }
.LBB2_1:
0xe: {  	[dreg:$0xd] =	wrdreg s1;
	s1 =	simm.s32 $0x0  }
.LBB2_2:
0xf: {  	s0 =	rddreg [dreg:$0x6]  }
0x10: {  	[dreg:$0xe] =	wrdreg s1  }
0x11: {  	s2 =	rddreg [dreg:$0x0]  }
0x12: {  	s22 =	rddreg [dreg:$0x7]  }
0x13: {  	s10 =	simm.s32 $0x0;
	s23 =	rddreg [dreg:$0x1];
	s0 =	sadd.s32 s0, s1  }
0x14: {  	s16 =	simm.s32 $0x80;
	s1 =	sshll.u32 s0, $0xF;
	s20 =	sshll.u32 s0, $0x7  }
0x15: {  	s25 =	rddreg [dreg:$0x8];
	s2 =	sadd.s32 s2, s1;
	s3 =	sand.u32 $0x380, s20  }
0x16: {  	[tilespmem:s14], [sflag:$0x1] =	stream.linear.gather [hbm4b:s2+s10], $0x4000, $0x38;
	[tilespmem:$0x15600] =	vst v63  }
0x17: {  	s5 =	simm.s32 $0x10000;
	s28 =	rddreg [dreg:$0x9];
	s2 =	sor.u32 s22, s3  }
0x18: {  	s30 =	simm.s32 $0x10800;
	[dreg:$0x11] =	wrdreg s2;
	s2 =	sshrl.u32 s2, $0x3  }
0x19: {  	s29 =	simm.s32 $0x8;
	[dreg:$0xf] =	wrdreg s3;
	s3 =	sadd.s32 s23, s2  }
0x1a: {  	[tilespmem:s5], [sflag:$0x3] =	stream.strided.gather [hbm4b:s3+s16], $0x800, s4, s16, $0x38;
	[tilespmem:$0x15600] =	vst v63  }
0x1b: {  	s31 =	simm.s32 $0x8F0;
	s0 =	sshll.u32 s0, $0x12;
	s1 =	sadd.s32 s1, s25  }
0x1c: {  	[tilespmem:s17], [sflag:$0x2] =	stream.linear.gather [hbm4b:s1+s10], $0x4000, $0x38;
	[tilespmem:$0x15600] =	vst v63  }
0x1d: {  	s7 =	simm.s32 $0x0;
	[dreg:$0x10] =	wrdreg s0;
	s1 =	sadd.s32 s2, s28  }
0x1e: {  	[tilespmem:s30], [sflag:$0x4] =	stream.strided.gather [hbm4b:s1+s16], $0x800, s4, s16, $0x38;
	[tilespmem:$0x15600] =	vst v63  }
.LBB2_3:
0x1f: {  	s1 =	simm.s32 $0x1  }
0x20: {  	s0 =	simm.s32 $0x0;
	_ =	swait.ge [sflag:s1], $0x4000  }
0x21: {  	v12 =	vor.u32 s0, v6;
	[sflag:s1] =	ssyncset.done $0x0  }
0x22: {  	s15 =	simm.s32 $0x3;
	[sflag:s1] =	ssyncadd.s32 $0xFFFFC000  }
0x23: {  	_ =	swait.ge [sflag:s15], $0x800  }
0x24: {  	[sflag:s15] =	ssyncset.done $0x0  }
0x25: {  	[sflag:s15] =	ssyncadd.s32 $0xFFFFF800  }
0x26: {  	s18 =	simm.s32 $0x10080;
	v12 =	vld.idx.msk [tilespmem:v12+s14+$0x0], $0xffff  }
0x27: {  	v13 =	vld [tilespmem:s18+$0xFFFFFF80];
	_ =	sdelay $0x1  }
0x28: {  	s19 =	simm.s32 $0x80  }
0x29: {  	v14 =	vor.u32 s19, v6;
	_ =	sdelay $0x1  }
0x2a: {  	vm0 =	vgt.f32 v13, $5.000000000e-01;
	v12 =	vand.u32 $0x7FFFFFFF, v12  }
0x2b: {  	v12 =	vsel vm0, $0xBF800000, v12  }
0x2c: {  	[tilespmem:s16+$0xFFFFFF80] =	vst v12  }
0x2d: {  	v13 =	vld.idx.msk [tilespmem:v14+s14+$0x0], $0xffff  }
0x2e: {  	v14 =	vld [tilespmem:s18+$0xFFFFFF90];
	_ =	sdelay $0x1  }
0x2f: {  	s20 =	simm.s32 $0x100  }
0x30: {  	v15 =	vor.u32 s20, v6;
	_ =	sdelay $0x1  }
0x31: {  	vm13 =	vgt.f32 v14, $5.000000000e-01;
	v13 =	vand.u32 $0x7FFFFFFF, v13  }
0x32: {  	v13 =	vsel vm13, $0xBF800000, v13  }
0x33: {  	[tilespmem:s16+$0xFFFFFF90] =	vst v13  }
0x34: {  	v14 =	vld.idx.msk [tilespmem:v15+s14+$0x0], $0xffff  }
0x35: {  	v15 =	vld [tilespmem:s18+$0xFFFFFFA0];
	_ =	sdelay $0x1  }
0x36: {  	s22 =	simm.s32 $0x180  }
0x37: {  	v16 =	vor.u32 s22, v6;
	_ =	sdelay $0x1  }
0x38: {  	vm14 =	vgt.f32 v15, $5.000000000e-01;
	v14 =	vand.u32 $0x7FFFFFFF, v14  }
0x39: {  	v14 =	vsel vm14, $0xBF800000, v14  }
0x3a: {  	[tilespmem:s16+$0xFFFFFFA0] =	vst v14  }
0x3b: {  	v15 =	vld.idx.msk [tilespmem:v16+s14+$0x0], $0xffff  }
0x3c: {  	v41 =	vld [tilespmem:s18+$0xFFFFFFB0];
	_ =	sdelay $0x1  }
0x3d: {  	s23 =	simm.s32 $0x200  }
0x3e: {  	v17 =	vor.u32 s23, v6;
	_ =	sdelay $0x1  }
0x3f: {  	vm15 =	vgt.f32 v41, $5.000000000e-01;
	v15 =	vand.u32 $0x7FFFFFFF, v15  }
0x40: {  	v15 =	vsel vm15, $0xBF800000, v15  }
0x41: {  	[tilespmem:s16+$0xFFFFFFB0] =	vst v15  }
0x42: {  	v42 =	vld.idx.msk [tilespmem:v17+s14+$0x0], $0xffff  }
0x43: {  	v43 =	vld [tilespmem:s18+$0xFFFFFFC0];
	_ =	sdelay $0x1  }
0x44: {  	s25 =	simm.s32 $0x280  }
0x45: {  	v18 =	vor.u32 s25, v6;
	_ =	sdelay $0x1  }
0x46: {  	vm4 =	vgt.f32 v43, $5.000000000e-01;
	v16 =	vand.u32 $0x7FFFFFFF, v42  }
0x47: {  	v16 =	vsel vm4, $0xBF800000, v16  }
0x48: {  	[tilespmem:s16+$0xFFFFFFC0] =	vst v16  }
0x49: {  	v44 =	vld.idx.msk [tilespmem:v18+s14+$0x0], $0xffff  }
0x4a: {  	v45 =	vld [tilespmem:s18+$0xFFFFFFD0];
	_ =	sdelay $0x1  }
0x4b: {  	s2 =	simm.s32 $0x300  }
0x4c: {  	v19 =	vor.u32 s2, v6;
	_ =	sdelay $0x1  }
0x4d: {  	vm5 =	vgt.f32 v45, $5.000000000e-01;
	v17 =	vand.u32 $0x7FFFFFFF, v44  }
0x4e: {  	v17 =	vsel vm5, $0xBF800000, v17  }
0x4f: {  	[tilespmem:s16+$0xFFFFFFD0] =	vst v17  }
0x50: {  	v46 =	vld.idx.msk [tilespmem:v19+s14+$0x0], $0xffff  }
0x51: {  	v47 =	vld [tilespmem:s18+$0xFFFFFFE0];
	_ =	sdelay $0x1  }
0x52: {  	s3 =	simm.s32 $0x380  }
0x53: {  	v20 =	vor.u32 s3, v6;
	_ =	sdelay $0x1  }
0x54: {  	vm6 =	vgt.f32 v47, $5.000000000e-01;
	v18 =	vand.u32 $0x7FFFFFFF, v46  }
0x55: {  	v18 =	vsel vm6, $0xBF800000, v18  }
0x56: {  	[tilespmem:s16+$0xFFFFFFE0] =	vst v18  }
0x57: {  	v48 =	vld.idx.msk [tilespmem:v20+s14+$0x0], $0xffff  }
0x58: {  	v49 =	vld [tilespmem:s18+$0xFFFFFFF0];
	_ =	sdelay $0x1  }
0x59: {  	s4 =	simm.s32 $0x400  }
0x5a: {  	v21 =	vor.u32 s4, v6;
	_ =	sdelay $0x1  }
0x5b: {  	vm7 =	vgt.f32 v49, $5.000000000e-01;
	v19 =	vand.u32 $0x7FFFFFFF, v48  }
0x5c: {  	v19 =	vsel vm7, $0xBF800000, v19  }
0x5d: {  	[tilespmem:s16+$0xFFFFFFF0] =	vst v19  }
0x5e: {  	v50 =	vld.idx.msk [tilespmem:v21+s14+$0x0], $0xffff  }
0x5f: {  	v51 =	vld [tilespmem:s18+$0x0];
	_ =	sdelay $0x1  }
0x60: {  	s5 =	simm.s32 $0x480  }
0x61: {  	v22 =	vor.u32 s5, v6;
	_ =	sdelay $0x1  }
0x62: {  	vm8 =	vgt.f32 v51, $5.000000000e-01;
	v20 =	vand.u32 $0x7FFFFFFF, v50  }
0x63: {  	v20 =	vsel vm8, $0xBF800000, v20  }
0x64: {  	[tilespmem:s16+$0x0] =	vst v20  }
0x65: {  	v52 =	vld.idx.msk [tilespmem:v22+s14+$0x0], $0xffff  }
0x66: {  	v53 =	vld [tilespmem:s18+$0x10];
	_ =	sdelay $0x1  }
0x67: {  	s6 =	simm.s32 $0x500  }
0x68: {  	v23 =	vor.u32 s6, v6;
	_ =	sdelay $0x1  }
0x69: {  	vm9 =	vgt.f32 v53, $5.000000000e-01;
	v21 =	vand.u32 $0x7FFFFFFF, v52  }
0x6a: {  	v21 =	vsel vm9, $0xBF800000, v21  }
0x6b: {  	[tilespmem:s16+$0x10] =	vst v21  }
0x6c: {  	v54 =	vld.idx.msk [tilespmem:v23+s14+$0x0], $0xffff  }
0x6d: {  	v55 =	vld [tilespmem:s18+$0x20];
	_ =	sdelay $0x1  }
0x6e: {  	s8 =	simm.s32 $0x580  }
0x6f: {  	v24 =	vor.u32 s8, v6;
	_ =	sdelay $0x1  }
0x70: {  	vm10 =	vgt.f32 v55, $5.000000000e-01;
	v22 =	vand.u32 $0x7FFFFFFF, v54  }
0x71: {  	v22 =	vsel vm10, $0xBF800000, v22  }
0x72: {  	[tilespmem:s16+$0x20] =	vst v22  }
0x73: {  	v56 =	vld.idx.msk [tilespmem:v24+s14+$0x0], $0xffff  }
0x74: {  	v57 =	vld [tilespmem:s18+$0x30];
	_ =	sdelay $0x1  }
0x75: {  	s9 =	simm.s32 $0x600  }
0x76: {  	v25 =	vor.u32 s9, v6;
	_ =	sdelay $0x1  }
0x77: {  	vm11 =	vgt.f32 v57, $5.000000000e-01;
	v23 =	vand.u32 $0x7FFFFFFF, v56  }
0x78: {  	v23 =	vsel vm11, $0xBF800000, v23  }
0x79: {  	[tilespmem:s16+$0x30] =	vst v23  }
0x7a: {  	v58 =	vld.idx.msk [tilespmem:v25+s14+$0x0], $0xffff  }
0x7b: {  	v59 =	vld [tilespmem:s18+$0x40];
	_ =	sdelay $0x1  }
0x7c: {  	s11 =	simm.s32 $0x680  }
0x7d: {  	v26 =	vor.u32 s11, v6;
	_ =	sdelay $0x1  }
0x7e: {  	vm12 =	vgt.f32 v59, $5.000000000e-01;
	v24 =	vand.u32 $0x7FFFFFFF, v58  }
0x7f: {  	v24 =	vsel vm12, $0xBF800000, v24  }
0x80: {  	[tilespmem:s16+$0x40] =	vst v24  }
0x81: {  	v60 =	vld.idx.msk [tilespmem:v26+s14+$0x0], $0xffff  }
0x82: {  	v61 =	vld [tilespmem:s18+$0x50];
	_ =	sdelay $0x1  }
0x83: {  	s12 =	simm.s32 $0x700  }
0x84: {  	v27 =	vor.u32 s12, v6;
	_ =	sdelay $0x1  }
0x85: {  	vm13 =	vgt.f32 v61, $5.000000000e-01;
	v25 =	vand.u32 $0x7FFFFFFF, v60  }
0x86: {  	v25 =	vsel vm13, $0xBF800000, v25  }
0x87: {  	[tilespmem:s16+$0x50] =	vst v25  }
0x88: {  	v62 =	vld.idx.msk [tilespmem:v27+s14+$0x0], $0xffff  }
0x89: {  	v63 =	vld [tilespmem:s18+$0x60]  }
0x8a: {  	v12 =	vmax.f32 v12, $-3.000000000e+00  }
0x8b: {  	s13 =	simm.s32 $0x780;
	v12 =	vmax.f32 v12, v13  }
0x8c: {  	v13 =	vor.u32 s13, v6;
	v12 =	vmax.f32 v12, v14  }
0x8d: {  	v12 =	vmax.f32 v12, v15  }
0x8e: {  	v12 =	vmax.f32 v12, v16;
	vm14 =	vgt.f32 v63, $5.000000000e-01;
	v14 =	vand.u32 $0x7FFFFFFF, v62  }
0x8f: {  	v12 =	vmax.f32 v12, v17;
	v14 =	vsel vm14, $0xBF800000, v14  }
0x90: {  	v12 =	vmax.f32 v12, v18;
	[tilespmem:s16+$0x60] =	vst v14  }
0x91: {  	v12 =	vmax.f32 v12, v19;
	v13 =	vld.idx.msk [tilespmem:v13+s14+$0x0], $0xffff  }
0x92: {  	v12 =	vmax.f32 v12, v20;
	v15 =	vld [tilespmem:s18+$0x70]  }
0x93: {  	v12 =	vmax.f32 v12, v21  }
0x94: {  	v12 =	vmax.f32 v12, v22  }
0x95: {  	v12 =	vmax.f32 v12, v23  }
0x96: {  	v12 =	vmax.f32 v12, v24  }
0x97: {  	v12 =	vmax.f32 v12, v25;
	vm15 =	vgt.f32 v15, $5.000000000e-01;
	v13 =	vand.u32 $0x7FFFFFFF, v13  }
0x98: {  	v12 =	vmax.f32 v12, v14;
	v13 =	vsel vm15, $0xBF800000, v13  }
0x99: {  	v12 =	vmax.f32 v12, v13  }
0x9a: {  	(xrf0) =	vmax.scan.msk.f32 $0xffff, v12  }
0x9b: {  	s28 =	simm.s32 $0xC80  }
0x9c: {  	s30 =	simm.s32 $0xE80;
	s12 =	simm.s32 $0x2F;
	s11 =	simm.s32 $0xF80  }
0x9d: {  	s8 =	sadd.s32 $0x100, s16;
	s9 =	simm.s32 $0x10180;
	s4 =	simm.s32 $0x880  }
0x9e: {  	s23 =	simm.s32 $0x900;
	s22 =	simm.s32 $0x980;
	s15 =	simm.s32 $0x800;
	[tilespmem:s16+$0x70] =	vst v13;
	v13 =	vmov s10  }
0x9f: {  	s20 =	simm.s32 $0xA00;
	s19 =	simm.s32 $0xA80;
	s2 =	simm.s32 $0xB80;
	v12 =	vor.u32 s15, v6  }
0xa0: {  	s25 =	simm.s32 $0xC00;
	s5 =	simm.s32 $0xD80;
	s3 =	smov.u32 s10;
	v14, _, _ =	vpop (xrf0)  }
0xa1: {  	s1 =	simm.s32 $0xB00;
	s13 =	simm.s32 $0xE00;
	s18 =	simm.s32 $0xD00;
	v14 =	vbroadcast v14, $0xF  }
.LBB2_4:
0xa2: {  	s15 =	sadd.s32 $0xFFFFFF80, s11  }
0xa3: {  	[tilespmem:v13+s21+$0x0] =	vst.idx.msk $0x1, v14;
	s3 =	sadd.s32 $0x1, s3;
	s6 =	smov.u32 s12;
	s0 =	sadd.s32 $0x10, s12  }
0xa4: {  	p0 =	sne.s32 s12, $0x7F;
	v12 =	vld.idx.msk [tilespmem:v12+s14+$0x0], $0xffff  }
0xa5: {  	v13 =	vld [tilespmem:s9+$0xFFFFFF80];
	_ =	sdelay $0x2  }
0xa6: {  	v14 =	vor.u32 s4, v6;
	_ =	sdelay $0x1  }
0xa7: {  	v12 =	vand.u32 $0x7FFFFFFF, v12;
	vm0 =	vgt.f32 v13, $5.000000000e-01  }
0xa8: {  	v12 =	vsel vm0, $0xBF800000, v12  }
0xa9: {  	[tilespmem:s8+$0xFFFFFF80] =	vst v12  }
0xaa: {  	v13 =	vld.idx.msk [tilespmem:v14+s14+$0x0], $0xffff  }
0xab: {  	v14 =	vld [tilespmem:s9+$0xFFFFFF90];
	_ =	sdelay $0x2  }
0xac: {  	v15 =	vor.u32 s23, v6;
	_ =	sdelay $0x1  }
0xad: {  	v13 =	vand.u32 $0x7FFFFFFF, v13;
	vm0 =	vgt.f32 v14, $5.000000000e-01  }
0xae: {  	v13 =	vsel vm0, $0xBF800000, v13  }
0xaf: {  	[tilespmem:s8+$0xFFFFFF90] =	vst v13  }
0xb0: {  	v14 =	vld.idx.msk [tilespmem:v15+s14+$0x0], $0xffff  }
0xb1: {  	v15 =	vld [tilespmem:s9+$0xFFFFFFA0];
	_ =	sdelay $0x2  }
0xb2: {  	v16 =	vor.u32 s22, v6;
	_ =	sdelay $0x1  }
0xb3: {  	v14 =	vand.u32 $0x7FFFFFFF, v14;
	vm0 =	vgt.f32 v15, $5.000000000e-01  }
0xb4: {  	v14 =	vsel vm0, $0xBF800000, v14  }
0xb5: {  	[tilespmem:s8+$0xFFFFFFA0] =	vst v14  }
0xb6: {  	v15 =	vld.idx.msk [tilespmem:v16+s14+$0x0], $0xffff  }
0xb7: {  	v16 =	vld [tilespmem:s9+$0xFFFFFFB0];
	_ =	sdelay $0x2  }
0xb8: {  	v17 =	vor.u32 s20, v6;
	_ =	sdelay $0x1  }
0xb9: {  	v15 =	vand.u32 $0x7FFFFFFF, v15;
	vm0 =	vgt.f32 v16, $5.000000000e-01  }
0xba: {  	v15 =	vsel vm0, $0xBF800000, v15  }
0xbb: {  	[tilespmem:s8+$0xFFFFFFB0] =	vst v15  }
0xbc: {  	v16 =	vld.idx.msk [tilespmem:v17+s14+$0x0], $0xffff  }
0xbd: {  	v17 =	vld [tilespmem:s9+$0xFFFFFFC0];
	_ =	sdelay $0x2  }
0xbe: {  	v18 =	vor.u32 s19, v6;
	_ =	sdelay $0x1  }
0xbf: {  	v16 =	vand.u32 $0x7FFFFFFF, v16;
	vm0 =	vgt.f32 v17, $5.000000000e-01  }
0xc0: {  	v16 =	vsel vm0, $0xBF800000, v16  }
0xc1: {  	[tilespmem:s8+$0xFFFFFFC0] =	vst v16  }
0xc2: {  	v17 =	vld.idx.msk [tilespmem:v18+s14+$0x0], $0xffff  }
0xc3: {  	v18 =	vld [tilespmem:s9+$0xFFFFFFD0];
	_ =	sdelay $0x2  }
0xc4: {  	v19 =	vor.u32 s1, v6;
	_ =	sdelay $0x1  }
0xc5: {  	v17 =	vand.u32 $0x7FFFFFFF, v17;
	vm0 =	vgt.f32 v18, $5.000000000e-01  }
0xc6: {  	v17 =	vsel vm0, $0xBF800000, v17  }
0xc7: {  	[tilespmem:s8+$0xFFFFFFD0] =	vst v17  }
0xc8: {  	v18 =	vld.idx.msk [tilespmem:v19+s14+$0x0], $0xffff  }
0xc9: {  	v19 =	vld [tilespmem:s9+$0xFFFFFFE0];
	_ =	sdelay $0x2  }
0xca: {  	v20 =	vor.u32 s2, v6;
	_ =	sdelay $0x1  }
0xcb: {  	v18 =	vand.u32 $0x7FFFFFFF, v18;
	vm0 =	vgt.f32 v19, $5.000000000e-01  }
0xcc: {  	v18 =	vsel vm0, $0xBF800000, v18  }
0xcd: {  	[tilespmem:s8+$0xFFFFFFE0] =	vst v18  }
0xce: {  	v19 =	vld.idx.msk [tilespmem:v20+s14+$0x0], $0xffff  }
0xcf: {  	v20 =	vld [tilespmem:s9+$0xFFFFFFF0];
	_ =	sdelay $0x2  }
0xd0: {  	v21 =	vor.u32 s25, v6;
	_ =	sdelay $0x1  }
0xd1: {  	v19 =	vand.u32 $0x7FFFFFFF, v19;
	vm0 =	vgt.f32 v20, $5.000000000e-01  }
0xd2: {  	v19 =	vsel vm0, $0xBF800000, v19  }
0xd3: {  	[tilespmem:s8+$0xFFFFFFF0] =	vst v19  }
0xd4: {  	v20 =	vld.idx.msk [tilespmem:v21+s14+$0x0], $0xffff  }
0xd5: {  	v21 =	vld [tilespmem:s9+$0x0];
	_ =	sdelay $0x2  }
0xd6: {  	v22 =	vor.u32 s28, v6;
	_ =	sdelay $0x1  }
0xd7: {  	v20 =	vand.u32 $0x7FFFFFFF, v20;
	vm0 =	vgt.f32 v21, $5.000000000e-01  }
0xd8: {  	v20 =	vsel vm0, $0xBF800000, v20  }
0xd9: {  	[tilespmem:s8+$0x0] =	vst v20  }
0xda: {  	v21 =	vld.idx.msk [tilespmem:v22+s14+$0x0], $0xffff  }
0xdb: {  	v22 =	vld [tilespmem:s9+$0x10];
	_ =	sdelay $0x2  }
0xdc: {  	v23 =	vor.u32 s18, v6;
	_ =	sdelay $0x1  }
0xdd: {  	v21 =	vand.u32 $0x7FFFFFFF, v21;
	vm0 =	vgt.f32 v22, $5.000000000e-01  }
0xde: {  	v21 =	vsel vm0, $0xBF800000, v21  }
0xdf: {  	[tilespmem:s8+$0x10] =	vst v21  }
0xe0: {  	v22 =	vld.idx.msk [tilespmem:v23+s14+$0x0], $0xffff  }
0xe1: {  	v23 =	vld [tilespmem:s9+$0x20];
	_ =	sdelay $0x2  }
0xe2: {  	v24 =	vor.u32 s5, v6;
	_ =	sdelay $0x1  }
0xe3: {  	v22 =	vand.u32 $0x7FFFFFFF, v22;
	vm0 =	vgt.f32 v23, $5.000000000e-01  }
0xe4: {  	v22 =	vsel vm0, $0xBF800000, v22  }
0xe5: {  	[tilespmem:s8+$0x20] =	vst v22  }
0xe6: {  	v23 =	vld.idx.msk [tilespmem:v24+s14+$0x0], $0xffff  }
0xe7: {  	v24 =	vld [tilespmem:s9+$0x30];
	_ =	sdelay $0x2  }
0xe8: {  	v25 =	vor.u32 s13, v6;
	_ =	sdelay $0x1  }
0xe9: {  	v23 =	vand.u32 $0x7FFFFFFF, v23;
	vm0 =	vgt.f32 v24, $5.000000000e-01  }
0xea: {  	v23 =	vsel vm0, $0xBF800000, v23  }
0xeb: {  	[tilespmem:s8+$0x30] =	vst v23  }
0xec: {  	v24 =	vld.idx.msk [tilespmem:v25+s14+$0x0], $0xffff  }
0xed: {  	v25 =	vld [tilespmem:s9+$0x40];
	_ =	sdelay $0x2  }
0xee: {  	v26 =	vor.u32 s30, v6;
	_ =	sdelay $0x1  }
0xef: {  	v24 =	vand.u32 $0x7FFFFFFF, v24;
	vm0 =	vgt.f32 v25, $5.000000000e-01  }
0xf0: {  	v24 =	vsel vm0, $0xBF800000, v24  }
0xf1: {  	[tilespmem:s8+$0x40] =	vst v24  }
0xf2: {  	v25 =	vld.idx.msk [tilespmem:v26+s14+$0x0], $0xffff  }
0xf3: {  	v26 =	vld [tilespmem:s9+$0x50];
	_ =	sdelay $0x2  }
0xf4: {  	v27 =	vor.u32 s15, v6;
	_ =	sdelay $0x1  }
0xf5: {  	v25 =	vand.u32 $0x7FFFFFFF, v25;
	vm0 =	vgt.f32 v26, $5.000000000e-01  }
0xf6: {  	v25 =	vsel vm0, $0xBF800000, v25  }
0xf7: {  	[tilespmem:s8+$0x50] =	vst v25  }
0xf8: {  	v26 =	vld.idx.msk [tilespmem:v27+s14+$0x0], $0xffff  }
0xf9: {  	v27 =	vld [tilespmem:s9+$0x60]  }
0xfa: {  	v12 =	vmax.f32 v12, $-3.000000000e+00  }
0xfb: {  	v12 =	vmax.f32 v12, v13  }
0xfc: {  	v13 =	vor.u32 s11, v6;
	v12 =	vmax.f32 v12, v14  }
0xfd: {  	v12 =	vmax.f32 v12, v15  }
0xfe: {  	v12 =	vmax.f32 v12, v16;
	v14 =	vand.u32 $0x7FFFFFFF, v26;
	vm0 =	vgt.f32 v27, $5.000000000e-01  }
0xff: {  	v12 =	vmax.f32 v12, v17;
	v14 =	vsel vm0, $0xBF800000, v14  }
0x100: {  	v12 =	vmax.f32 v12, v18;
	[tilespmem:s8+$0x60] =	vst v14  }
0x101: {  	v12 =	vmax.f32 v12, v19;
	v13 =	vld.idx.msk [tilespmem:v13+s14+$0x0], $0xffff  }
0x102: {  	v12 =	vmax.f32 v12, v20;
	v15 =	vld [tilespmem:s9+$0x70]  }
0x103: {  	v12 =	vmax.f32 v12, v21  }
0x104: {  	v12 =	vmax.f32 v12, v22  }
0x105: {  	v12 =	vmax.f32 v12, v23  }
0x106: {  	v12 =	vmax.f32 v12, v24  }
0x107: {  	v12 =	vmax.f32 v12, v25;
	v13 =	vand.u32 $0x7FFFFFFF, v13;
	vm0 =	vgt.f32 v15, $5.000000000e-01  }
0x108: {  	v12 =	vmax.f32 v12, v14;
	v13 =	vsel vm0, $0xBF800000, v13  }
0x109: {  	[tilespmem:s8+$0x70] =	vst v13;
	v12 =	vmax.f32 v12, v13  }
0x10a: {  	(xrf0) =	vmax.scan.msk.f32 $0xffff, v12;
	_ =	sdelay $0x1  }
0x10b: {  	s12 =	smov.u32 s0  }
0x10c: {  	s11 =	sshll.u32 s6, $0x7;
	s9 =	sadd.s32 $0x100, s9;
	s8 =	sadd.s32 $0x100, s8  }
.Ltmp0:
0x10d: {  	s1 =	sadd.s32 $0xFFFFF880, s11;
	s4 =	sadd.s32 $0xFFFFF900, s11;
	v13 =	vmov s3;
	(pc) =	sbr.rel @p0 .LBB2_4-.Ltmp0, $4  }
0x10e: {  	s23 =	sadd.s32 $0xFFFFF980, s11;
	s22 =	sadd.s32 $0xFFFFFA00, s11;
	s20 =	sadd.s32 $0xFFFFFA80, s11;
	v12 =	vor.u32 s1, v6  }
0x10f: {  	s19 =	sadd.s32 $0xFFFFFB00, s11;
	s2 =	sadd.s32 $0xFFFFFC00, s11;
	s1 =	sadd.s32 $0xFFFFFB80, s11;
	v14, _, _ =	vpop (xrf0)  }
0x110: {  	s25 =	sadd.s32 $0xFFFFFC80, s11;
	s28 =	sadd.s32 $0xFFFFFD00, s11;
	s18 =	sadd.s32 $0xFFFFFD80, s11;
	v14 =	vbroadcast v14, $0xF  }
0x111: {  	s5 =	sadd.s32 $0xFFFFFE00, s11;
	s13 =	sadd.s32 $0xFFFFFE80, s11;
	s30 =	sadd.s32 $0xFFFFFF00, s11  }
0x112: {  	_ =	sdelay $0x3  }
0x113: {  	[tilespmem:v13+s21+$0x0] =	vst.idx.msk $0x1, v14  }
0x114: {  	v12 =	vld.idx.msk [tilespmem:v12+s14+$0x0], $0xffff  }
0x115: {  	v13 =	vld [tilespmem:s9+$0xFFFFFF80];
	_ =	sdelay $0x2  }
0x116: {  	v14 =	vor.u32 s4, v6;
	_ =	sdelay $0x1  }
0x117: {  	vm0 =	vgt.f32 v13, $5.000000000e-01;
	v12 =	vand.u32 $0x7FFFFFFF, v12  }
0x118: {  	v12 =	vsel vm0, $0xBF800000, v12  }
0x119: {  	[tilespmem:s8+$0xFFFFFF80] =	vst v12  }
0x11a: {  	v13 =	vld.idx.msk [tilespmem:v14+s14+$0x0], $0xffff  }
0x11b: {  	v14 =	vld [tilespmem:s9+$0xFFFFFF90];
	_ =	sdelay $0x2  }
0x11c: {  	v15 =	vor.u32 s23, v6;
	_ =	sdelay $0x1  }
0x11d: {  	vm9 =	vgt.f32 v14, $5.000000000e-01;
	v13 =	vand.u32 $0x7FFFFFFF, v13  }
0x11e: {  	v13 =	vsel vm9, $0xBF800000, v13  }
0x11f: {  	[tilespmem:s8+$0xFFFFFF90] =	vst v13  }
0x120: {  	v14 =	vld.idx.msk [tilespmem:v15+s14+$0x0], $0xffff  }
0x121: {  	v15 =	vld [tilespmem:s9+$0xFFFFFFA0];
	_ =	sdelay $0x2  }
0x122: {  	v16 =	vor.u32 s22, v6;
	_ =	sdelay $0x1  }
0x123: {  	vm10 =	vgt.f32 v15, $5.000000000e-01;
	v14 =	vand.u32 $0x7FFFFFFF, v14  }
0x124: {  	v14 =	vsel vm10, $0xBF800000, v14  }
0x125: {  	[tilespmem:s8+$0xFFFFFFA0] =	vst v14  }
0x126: {  	v15 =	vld.idx.msk [tilespmem:v16+s14+$0x0], $0xffff  }
0x127: {  	v41 =	vld [tilespmem:s9+$0xFFFFFFB0];
	_ =	sdelay $0x2  }
0x128: {  	v17 =	vor.u32 s20, v6;
	_ =	sdelay $0x1  }
0x129: {  	vm11 =	vgt.f32 v41, $5.000000000e-01;
	v15 =	vand.u32 $0x7FFFFFFF, v15  }
0x12a: {  	v15 =	vsel vm11, $0xBF800000, v15  }
0x12b: {  	[tilespmem:s8+$0xFFFFFFB0] =	vst v15  }
0x12c: {  	v42 =	vld.idx.msk [tilespmem:v17+s14+$0x0], $0xffff  }
0x12d: {  	v43 =	vld [tilespmem:s9+$0xFFFFFFC0];
	_ =	sdelay $0x2  }
0x12e: {  	v18 =	vor.u32 s19, v6;
	_ =	sdelay $0x1  }
0x12f: {  	vm12 =	vgt.f32 v43, $5.000000000e-01;
	v16 =	vand.u32 $0x7FFFFFFF, v42  }
0x130: {  	v16 =	vsel vm12, $0xBF800000, v16  }
0x131: {  	[tilespmem:s8+$0xFFFFFFC0] =	vst v16  }
0x132: {  	v44 =	vld.idx.msk [tilespmem:v18+s14+$0x0], $0xffff  }
0x133: {  	v45 =	vld [tilespmem:s9+$0xFFFFFFD0];
	_ =	sdelay $0x2  }
0x134: {  	v19 =	vor.u32 s1, v6;
	_ =	sdelay $0x1  }
0x135: {  	vm13 =	vgt.f32 v45, $5.000000000e-01;
	v17 =	vand.u32 $0x7FFFFFFF, v44  }
0x136: {  	v17 =	vsel vm13, $0xBF800000, v17  }
0x137: {  	[tilespmem:s8+$0xFFFFFFD0] =	vst v17  }
0x138: {  	v46 =	vld.idx.msk [tilespmem:v19+s14+$0x0], $0xffff  }
0x139: {  	v47 =	vld [tilespmem:s9+$0xFFFFFFE0];
	_ =	sdelay $0x2  }
0x13a: {  	v20 =	vor.u32 s2, v6;
	_ =	sdelay $0x1  }
0x13b: {  	vm14 =	vgt.f32 v47, $5.000000000e-01;
	v18 =	vand.u32 $0x7FFFFFFF, v46  }
0x13c: {  	v18 =	vsel vm14, $0xBF800000, v18  }
0x13d: {  	[tilespmem:s8+$0xFFFFFFE0] =	vst v18  }
0x13e: {  	v48 =	vld.idx.msk [tilespmem:v20+s14+$0x0], $0xffff  }
0x13f: {  	v49 =	vld [tilespmem:s9+$0xFFFFFFF0];
	_ =	sdelay $0x2  }
0x140: {  	v21 =	vor.u32 s25, v6;
	_ =	sdelay $0x1  }
0x141: {  	vm15 =	vgt.f32 v49, $5.000000000e-01;
	v19 =	vand.u32 $0x7FFFFFFF, v48  }
0x142: {  	v19 =	vsel vm15, $0xBF800000, v19  }
0x143: {  	[tilespmem:s8+$0xFFFFFFF0] =	vst v19  }
0x144: {  	v50 =	vld.idx.msk [tilespmem:v21+s14+$0x0], $0xffff  }
0x145: {  	v51 =	vld [tilespmem:s9+$0x0];
	_ =	sdelay $0x2  }
0x146: {  	v22 =	vor.u32 s28, v6;
	_ =	sdelay $0x1  }
0x147: {  	vm4 =	vgt.f32 v51, $5.000000000e-01;
	v20 =	vand.u32 $0x7FFFFFFF, v50  }
0x148: {  	v20 =	vsel vm4, $0xBF800000, v20  }
0x149: {  	[tilespmem:s8+$0x0] =	vst v20  }
0x14a: {  	v52 =	vld.idx.msk [tilespmem:v22+s14+$0x0], $0xffff  }
0x14b: {  	v53 =	vld [tilespmem:s9+$0x10];
	_ =	sdelay $0x2  }
0x14c: {  	v23 =	vor.u32 s18, v6;
	_ =	sdelay $0x1  }
0x14d: {  	vm5 =	vgt.f32 v53, $5.000000000e-01;
	v21 =	vand.u32 $0x7FFFFFFF, v52  }
0x14e: {  	v21 =	vsel vm5, $0xBF800000, v21  }
0x14f: {  	[tilespmem:s8+$0x10] =	vst v21  }
0x150: {  	v54 =	vld.idx.msk [tilespmem:v23+s14+$0x0], $0xffff  }
0x151: {  	v55 =	vld [tilespmem:s9+$0x20];
	_ =	sdelay $0x2  }
0x152: {  	v24 =	vor.u32 s5, v6;
	_ =	sdelay $0x1  }
0x153: {  	vm6 =	vgt.f32 v55, $5.000000000e-01;
	v22 =	vand.u32 $0x7FFFFFFF, v54  }
0x154: {  	v22 =	vsel vm6, $0xBF800000, v22  }
0x155: {  	[tilespmem:s8+$0x20] =	vst v22  }
0x156: {  	v56 =	vld.idx.msk [tilespmem:v24+s14+$0x0], $0xffff  }
0x157: {  	v57 =	vld [tilespmem:s9+$0x30];
	_ =	sdelay $0x2  }
0x158: {  	v25 =	vor.u32 s13, v6;
	_ =	sdelay $0x1  }
0x159: {  	vm7 =	vgt.f32 v57, $5.000000000e-01;
	v23 =	vand.u32 $0x7FFFFFFF, v56  }
0x15a: {  	v23 =	vsel vm7, $0xBF800000, v23  }
0x15b: {  	[tilespmem:s8+$0x30] =	vst v23  }
0x15c: {  	v58 =	vld.idx.msk [tilespmem:v25+s14+$0x0], $0xffff  }
0x15d: {  	v59 =	vld [tilespmem:s9+$0x40];
	_ =	sdelay $0x2  }
0x15e: {  	v26 =	vor.u32 s30, v6;
	_ =	sdelay $0x1  }
0x15f: {  	vm8 =	vgt.f32 v59, $5.000000000e-01;
	v24 =	vand.u32 $0x7FFFFFFF, v58  }
0x160: {  	v24 =	vsel vm8, $0xBF800000, v24  }
0x161: {  	[tilespmem:s8+$0x40] =	vst v24  }
0x162: {  	v60 =	vld.idx.msk [tilespmem:v26+s14+$0x0], $0xffff  }
0x163: {  	v61 =	vld [tilespmem:s9+$0x50];
	_ =	sdelay $0x1  }
0x164: {  	s0 =	sadd.s32 $0xFFFFFF80, s11  }
0x165: {  	v27 =	vor.u32 s0, v6;
	_ =	sdelay $0x1  }
0x166: {  	vm9 =	vgt.f32 v61, $5.000000000e-01;
	v25 =	vand.u32 $0x7FFFFFFF, v60  }
0x167: {  	v25 =	vsel vm9, $0xBF800000, v25  }
0x168: {  	[tilespmem:s8+$0x50] =	vst v25  }
0x169: {  	v62 =	vld.idx.msk [tilespmem:v27+s14+$0x0], $0xffff  }
0x16a: {  	v63 =	vld [tilespmem:s9+$0x60]  }
0x16b: {  	v12 =	vmax.f32 v12, $-3.000000000e+00  }
0x16c: {  	v12 =	vmax.f32 v12, v13  }
0x16d: {  	v13 =	vor.u32 s11, v6;
	v12 =	vmax.f32 v12, v14  }
0x16e: {  	v12 =	vmax.f32 v12, v15  }
0x16f: {  	v12 =	vmax.f32 v12, v16;
	vm10 =	vgt.f32 v63, $5.000000000e-01;
	v14 =	vand.u32 $0x7FFFFFFF, v62  }
0x170: {  	v12 =	vmax.f32 v12, v17;
	v14 =	vsel vm10, $0xBF800000, v14  }
0x171: {  	v12 =	vmax.f32 v12, v18;
	[tilespmem:s8+$0x60] =	vst v14  }
0x172: {  	v12 =	vmax.f32 v12, v19;
	v13 =	vld.idx.msk [tilespmem:v13+s14+$0x0], $0xffff  }
0x173: {  	v12 =	vmax.f32 v12, v20;
	v15 =	vld [tilespmem:s9+$0x70]  }
0x174: {  	v12 =	vmax.f32 v12, v21  }
0x175: {  	v12 =	vmax.f32 v12, v22  }
0x176: {  	v12 =	vmax.f32 v12, v23  }
0x177: {  	v12 =	vmax.f32 v12, v24  }
0x178: {  	v12 =	vmax.f32 v12, v25;
	vm11 =	vgt.f32 v15, $5.000000000e-01;
	v13 =	vand.u32 $0x7FFFFFFF, v13  }
0x179: {  	v12 =	vmax.f32 v12, v14;
	v13 =	vsel vm11, $0xBF800000, v13  }
0x17a: {  	v12 =	vmax.f32 v12, v13  }
0x17b: {  	(xrf0) =	vmax.scan.msk.f32 $0xffff, v12;
	_ =	sdelay $0x2  }
0x17c: {  	s11 =	sadd.s32 $0x1, s3  }
0x17d: {  	p0 =	seq.s32 s7, $0x7;
	v12 =	vmov s11  }
0x17e: {  	s0 =	sshll.u32 @!p0 s7, $0xF  }
0x17f: {  	s1 =	rddreg [dreg:$0x10];
	s0 =	sadd.s32 @!p0 $0x8000, s0;
	v14, _, _ =	vpop (xrf0)  }
0x180: {  	s1 =	sadd.s32 @!p0 s1, s0;
	v14 =	vbroadcast v14, $0xF  }
0x181: {  	s2 =	rddreg [dreg:$0x0];
	s1 =	sshrl.u32 @!p0 s1, $0x3;
	[tilespmem:s8+$0x70] =	vst v13  }
0x182: {  	s1 =	sadd.s32 @!p0 s2, s1;
	s2 =	simm.s32 @!p0 $0x0;
	s3 =	simm.s32 @!p0 $0x8000;
	[tilespmem:v12+s21+$0x0] =	vst.idx.msk $0x1, v14  }
0x183: {  	[tilespmem:s3], [sflag:$0x1] =	stream.linear.gather @!p0 [hbm4b:s1+s2], $0x4000, $0x38;
	[tilespmem:$0x15600] =	vst v63  }
0x184: {  	s1 =	rddreg [dreg:$0x11]  }
0x185: {  	s12 =	simm.s32 $0x2;
	s0 =	sadd.s32 @!p0 s1, s0  }
0x186: {  	s2 =	simm.s32 @!p0 $0x400;
	s1 =	rddreg [dreg:$0x1];
	s0 =	sshrl.u32 @!p0 s0, $0x3  }
0x187: {  	s3 =	simm.s32 @!p0 $0x10000;
	s0 =	sadd.s32 @!p0 s1, s0;
	s1 =	simm.s32 @!p0 $0x80  }
0x188: {  	[tilespmem:s3], [sflag:$0x3] =	stream.strided.gather @!p0 [hbm4b:s0+s1], $0x800, s2, s1, $0x38;
	[tilespmem:$0x15600] =	vst v63  }
0x189: {  	s13 =	simm.s32 $0x0;
	_ =	swait.ge [sflag:s12], $0x4000  }
0x18a: {  	v12 =	vor.u32 s13, v6;
	[sflag:s12] =	ssyncset.done $0x0  }
0x18b: {  	s15 =	simm.s32 $0x4;
	[sflag:s12] =	ssyncadd.s32 $0xFFFFC000  }
0x18c: {  	_ =	swait.ge [sflag:s15], $0x800  }
0x18d: {  	[sflag:s15] =	ssyncset.done $0x0  }
0x18e: {  	[sflag:s15] =	ssyncadd.s32 $0xFFFFF800  }
0x18f: {  	s18 =	simm.s32 $0x10880;
	v12 =	vld.idx.msk [tilespmem:v12+s17+$0x0], $0xffff  }
0x190: {  	v13 =	vld [tilespmem:s18+$0xFFFFFF80];
	_ =	sdelay $0x1  }
0x191: {  	s19 =	simm.s32 $0x80  }
0x192: {  	v14 =	vor.u32 s19, v6;
	_ =	sdelay $0x1  }
0x193: {  	vm12 =	vgt.f32 v13, $5.000000000e-01;
	v12 =	vand.u32 $0x7FFFFFFF, v12  }
0x194: {  	v12 =	vsel vm12, $0xBF800000, v12  }
0x195: {  	[tilespmem:s31+$0xFFFFFF10] =	vst v12  }
0x196: {  	v13 =	vld.idx.msk [tilespmem:v14+s17+$0x0], $0xffff  }
0x197: {  	v14 =	vld [tilespmem:s18+$0xFFFFFF90];
	_ =	sdelay $0x1  }
0x198: {  	s20 =	simm.s32 $0x100  }
0x199: {  	v15 =	vor.u32 s20, v6;
	_ =	sdelay $0x1  }
0x19a: {  	vm13 =	vgt.f32 v14, $5.000000000e-01;
	v13 =	vand.u32 $0x7FFFFFFF, v13  }
0x19b: {  	v13 =	vsel vm13, $0xBF800000, v13  }
0x19c: {  	[tilespmem:s31+$0xFFFFFF20] =	vst v13  }
0x19d: {  	v14 =	vld.idx.msk [tilespmem:v15+s17+$0x0], $0xffff  }
0x19e: {  	v15 =	vld [tilespmem:s18+$0xFFFFFFA0];
	_ =	sdelay $0x1  }
0x19f: {  	s22 =	simm.s32 $0x180  }
0x1a0: {  	v29 =	vor.u32 s22, v6;
	_ =	sdelay $0x1  }
0x1a1: {  	vm14 =	vgt.f32 v15, $5.000000000e-01;
	v14 =	vand.u32 $0x7FFFFFFF, v14  }
0x1a2: {  	v14 =	vsel vm14, $0xBF800000, v14  }
0x1a3: {  	[tilespmem:s31+$0xFFFFFF30] =	vst v14  }
0x1a4: {  	v15 =	vld.idx.msk [tilespmem:v29+s17+$0x0], $0xffff  }
0x1a5: {  	v30 =	vld [tilespmem:s18+$0xFFFFFFB0];
	_ =	sdelay $0x1  }
0x1a6: {  	s23 =	simm.s32 $0x200  }
0x1a7: {  	v31 =	vor.u32 s23, v6;
	_ =	sdelay $0x1  }
0x1a8: {  	vm15 =	vgt.f32 v30, $5.000000000e-01;
	v15 =	vand.u32 $0x7FFFFFFF, v15  }
0x1a9: {  	v15 =	vsel vm15, $0xBF800000, v15  }
0x1aa: {  	[tilespmem:s31+$0xFFFFFF40] =	vst v15  }
0x1ab: {  	v32 =	vld.idx.msk [tilespmem:v31+s17+$0x0], $0xffff  }
0x1ac: {  	v33 =	vld [tilespmem:s18+$0xFFFFFFC0];
	_ =	sdelay $0x1  }
0x1ad: {  	s25 =	simm.s32 $0x280  }
0x1ae: {  	v34 =	vor.u32 s25, v6;
	_ =	sdelay $0x1  }
0x1af: {  	vm4 =	vgt.f32 v33, $5.000000000e-01;
	v16 =	vand.u32 $0x7FFFFFFF, v32  }
0x1b0: {  	v16 =	vsel vm4, $0xBF800000, v16  }
0x1b1: {  	[tilespmem:s31+$0xFFFFFF50] =	vst v16  }
0x1b2: {  	v35 =	vld.idx.msk [tilespmem:v34+s17+$0x0], $0xffff  }
0x1b3: {  	v36 =	vld [tilespmem:s18+$0xFFFFFFD0];
	_ =	sdelay $0x1  }
0x1b4: {  	s2 =	simm.s32 $0x300  }
0x1b5: {  	v37 =	vor.u32 s2, v6;
	_ =	sdelay $0x1  }
0x1b6: {  	vm5 =	vgt.f32 v36, $5.000000000e-01;
	v17 =	vand.u32 $0x7FFFFFFF, v35  }
0x1b7: {  	v17 =	vsel vm5, $0xBF800000, v17  }
0x1b8: {  	[tilespmem:s31+$0xFFFFFF60] =	vst v17  }
0x1b9: {  	v38 =	vld.idx.msk [tilespmem:v37+s17+$0x0], $0xffff  }
0x1ba: {  	v39 =	vld [tilespmem:s18+$0xFFFFFFE0];
	_ =	sdelay $0x1  }
0x1bb: {  	s3 =	simm.s32 $0x380  }
0x1bc: {  	v40 =	vor.u32 s3, v6;
	_ =	sdelay $0x1  }
0x1bd: {  	vm6 =	vgt.f32 v39, $5.000000000e-01;
	v18 =	vand.u32 $0x7FFFFFFF, v38  }
0x1be: {  	v18 =	vsel vm6, $0xBF800000, v18  }
0x1bf: {  	[tilespmem:s31+$0xFFFFFF70] =	vst v18  }
0x1c0: {  	v41 =	vld.idx.msk [tilespmem:v40+s17+$0x0], $0xffff  }
0x1c1: {  	v42 =	vld [tilespmem:s18+$0xFFFFFFF0];
	_ =	sdelay $0x1  }
0x1c2: {  	s4 =	simm.s32 $0x400  }
0x1c3: {  	v43 =	vor.u32 s4, v6;
	_ =	sdelay $0x1  }
0x1c4: {  	vm7 =	vgt.f32 v42, $5.000000000e-01;
	v19 =	vand.u32 $0x7FFFFFFF, v41  }
0x1c5: {  	v19 =	vsel vm7, $0xBF800000, v19  }
0x1c6: {  	[tilespmem:s31+$0xFFFFFF80] =	vst v19  }
0x1c7: {  	v44 =	vld.idx.msk [tilespmem:v43+s17+$0x0], $0xffff  }
0x1c8: {  	v45 =	vld [tilespmem:s18+$0x0];
	_ =	sdelay $0x1  }
0x1c9: {  	s5 =	simm.s32 $0x480  }
0x1ca: {  	v46 =	vor.u32 s5, v6;
	_ =	sdelay $0x1  }
0x1cb: {  	vm8 =	vgt.f32 v45, $5.000000000e-01;
	v20 =	vand.u32 $0x7FFFFFFF, v44  }
0x1cc: {  	v20 =	vsel vm8, $0xBF800000, v20  }
0x1cd: {  	[tilespmem:s31+$0xFFFFFF90] =	vst v20  }
0x1ce: {  	v47 =	vld.idx.msk [tilespmem:v46+s17+$0x0], $0xffff  }
0x1cf: {  	v48 =	vld [tilespmem:s18+$0x10];
	_ =	sdelay $0x1  }
0x1d0: {  	s6 =	simm.s32 $0x500  }
0x1d1: {  	v49 =	vor.u32 s6, v6;
	_ =	sdelay $0x1  }
0x1d2: {  	vm9 =	vgt.f32 v48, $5.000000000e-01;
	v21 =	vand.u32 $0x7FFFFFFF, v47  }
0x1d3: {  	v21 =	vsel vm9, $0xBF800000, v21  }
0x1d4: {  	[tilespmem:s31+$0xFFFFFFA0] =	vst v21  }
0x1d5: {  	v50 =	vld.idx.msk [tilespmem:v49+s17+$0x0], $0xffff  }
0x1d6: {  	v51 =	vld [tilespmem:s18+$0x20];
	_ =	sdelay $0x1  }
0x1d7: {  	s8 =	simm.s32 $0x580  }
0x1d8: {  	v52 =	vor.u32 s8, v6;
	_ =	sdelay $0x1  }
0x1d9: {  	vm10 =	vgt.f32 v51, $5.000000000e-01;
	v22 =	vand.u32 $0x7FFFFFFF, v50  }
0x1da: {  	v22 =	vsel vm10, $0xBF800000, v22  }
0x1db: {  	[tilespmem:s31+$0xFFFFFFB0] =	vst v22  }
0x1dc: {  	v53 =	vld.idx.msk [tilespmem:v52+s17+$0x0], $0xffff  }
0x1dd: {  	v54 =	vld [tilespmem:s18+$0x30];
	_ =	sdelay $0x1  }
0x1de: {  	s9 =	simm.s32 $0x600  }
0x1df: {  	v55 =	vor.u32 s9, v6;
	_ =	sdelay $0x1  }
0x1e0: {  	vm11 =	vgt.f32 v54, $5.000000000e-01;
	v23 =	vand.u32 $0x7FFFFFFF, v53  }
0x1e1: {  	v23 =	vsel vm11, $0xBF800000, v23  }
0x1e2: {  	[tilespmem:s31+$0xFFFFFFC0] =	vst v23  }
0x1e3: {  	v56 =	vld.idx.msk [tilespmem:v55+s17+$0x0], $0xffff  }
0x1e4: {  	v57 =	vld [tilespmem:s18+$0x40];
	_ =	sdelay $0x1  }
0x1e5: {  	s11 =	simm.s32 $0x680  }
0x1e6: {  	v58 =	vor.u32 s11, v6;
	_ =	sdelay $0x1  }
0x1e7: {  	vm12 =	vgt.f32 v57, $5.000000000e-01;
	v24 =	vand.u32 $0x7FFFFFFF, v56  }
0x1e8: {  	v24 =	vsel vm12, $0xBF800000, v24  }
0x1e9: {  	[tilespmem:s31+$0xFFFFFFD0] =	vst v24  }
0x1ea: {  	v59 =	vld.idx.msk [tilespmem:v58+s17+$0x0], $0xffff  }
0x1eb: {  	v60 =	vld [tilespmem:s18+$0x50];
	_ =	sdelay $0x1  }
0x1ec: {  	s12 =	simm.s32 $0x700  }
0x1ed: {  	v61 =	vor.u32 s12, v6;
	_ =	sdelay $0x1  }
0x1ee: {  	vm13 =	vgt.f32 v60, $5.000000000e-01;
	v25 =	vand.u32 $0x7FFFFFFF, v59  }
0x1ef: {  	v25 =	vsel vm13, $0xBF800000, v25  }
0x1f0: {  	[tilespmem:s31+$0xFFFFFFE0] =	vst v25  }
0x1f1: {  	v62 =	vld.idx.msk [tilespmem:v61+s17+$0x0], $0xffff  }
0x1f2: {  	v63 =	vld [tilespmem:s18+$0x60]  }
0x1f3: {  	v12 =	vmax.f32 v12, $-3.000000000e+00  }
0x1f4: {  	s13 =	simm.s32 $0x780;
	v12 =	vmax.f32 v12, v13  }
0x1f5: {  	v13 =	vor.u32 s13, v6;
	v12 =	vmax.f32 v12, v14  }
0x1f6: {  	v12 =	vmax.f32 v12, v15  }
0x1f7: {  	v12 =	vmax.f32 v12, v16;
	vm14 =	vgt.f32 v63, $5.000000000e-01;
	v14 =	vand.u32 $0x7FFFFFFF, v62  }
0x1f8: {  	v12 =	vmax.f32 v12, v17;
	v14 =	vsel vm14, $0xBF800000, v14  }
0x1f9: {  	v12 =	vmax.f32 v12, v18;
	[tilespmem:s31+$0xFFFFFFF0] =	vst v14  }
0x1fa: {  	v12 =	vmax.f32 v12, v19;
	v13 =	vld.idx.msk [tilespmem:v13+s17+$0x0], $0xffff  }
0x1fb: {  	v12 =	vmax.f32 v12, v20;
	v15 =	vld [tilespmem:s18+$0x70]  }
0x1fc: {  	v12 =	vmax.f32 v12, v21  }
0x1fd: {  	v12 =	vmax.f32 v12, v22  }
0x1fe: {  	v12 =	vmax.f32 v12, v23  }
0x1ff: {  	v12 =	vmax.f32 v12, v24  }
0x200: {  	v12 =	vmax.f32 v12, v25;
	vm15 =	vgt.f32 v15, $5.000000000e-01;
	v13 =	vand.u32 $0x7FFFFFFF, v13  }
0x201: {  	v12 =	vmax.f32 v12, v14;
	v13 =	vsel vm15, $0xBF800000, v13  }
0x202: {  	v12 =	vmax.f32 v12, v13  }
0x203: {  	(xrf0) =	vmax.scan.msk.f32 $0xffff, v12  }
0x204: {  	s28 =	simm.s32 $0xC80  }
0x205: {  	s30 =	simm.s32 $0xE80;
	s23 =	simm.s32 $0x900;
	s22 =	simm.s32 $0x980  }
0x206: {  	s25 =	simm.s32 $0xC00;
	s4 =	simm.s32 $0x880;
	s5 =	simm.s32 $0xD80  }
0x207: {  	s9 =	simm.s32 $0x10980;
	s20 =	simm.s32 $0xA00;
	s15 =	simm.s32 $0x800;
	[tilespmem:s31+$0x0] =	vst v13;
	v13 =	vmov s29  }
0x208: {  	s8 =	sadd.s32 $0x100, s31;
	s11 =	simm.s32 $0xF80;
	s19 =	simm.s32 $0xA80;
	v12 =	vor.u32 s15, v6  }
0x209: {  	s0 =	simm.s32 $0x2F;
	s1 =	simm.s32 $0xB00;
	s2 =	simm.s32 $0xB80;
	v14, _, _ =	vpop (xrf0)  }
0x20a: {  	s3 =	smov.u32 s29;
	s13 =	simm.s32 $0xE00;
	s18 =	simm.s32 $0xD00;
	v14 =	vbroadcast v14, $0xF  }
.LBB2_6:
0x20b: {  	s15 =	sadd.s32 $0xFFFFFF80, s11  }
0x20c: {  	[tilespmem:v13+s21+$0x0] =	vst.idx.msk $0x1, v14;
	s3 =	sadd.s32 $0x1, s3;
	s6 =	smov.u32 s0;
	s12 =	sadd.s32 $0x10, s0  }
0x20d: {  	p1 =	sne.s32 s0, $0x7F;
	v12 =	vld.idx.msk [tilespmem:v12+s17+$0x0], $0xffff  }
0x20e: {  	v13 =	vld [tilespmem:s9+$0xFFFFFF80];
	_ =	sdelay $0x2  }
0x20f: {  	v14 =	vor.u32 s4, v6;
	_ =	sdelay $0x1  }
0x210: {  	v12 =	vand.u32 $0x7FFFFFFF, v12;
	vm0 =	vgt.f32 v13, $5.000000000e-01  }
0x211: {  	v12 =	vsel vm0, $0xBF800000, v12  }
0x212: {  	[tilespmem:s8+$0xFFFFFF10] =	vst v12  }
0x213: {  	v13 =	vld.idx.msk [tilespmem:v14+s17+$0x0], $0xffff  }
0x214: {  	v14 =	vld [tilespmem:s9+$0xFFFFFF90];
	_ =	sdelay $0x2  }
0x215: {  	v15 =	vor.u32 s23, v6;
	_ =	sdelay $0x1  }
0x216: {  	v13 =	vand.u32 $0x7FFFFFFF, v13;
	vm0 =	vgt.f32 v14, $5.000000000e-01  }
0x217: {  	v13 =	vsel vm0, $0xBF800000, v13  }
0x218: {  	[tilespmem:s8+$0xFFFFFF20] =	vst v13  }
0x219: {  	v14 =	vld.idx.msk [tilespmem:v15+s17+$0x0], $0xffff  }
0x21a: {  	v15 =	vld [tilespmem:s9+$0xFFFFFFA0];
	_ =	sdelay $0x2  }
0x21b: {  	v16 =	vor.u32 s22, v6;
	_ =	sdelay $0x1  }
0x21c: {  	v14 =	vand.u32 $0x7FFFFFFF, v14;
	vm0 =	vgt.f32 v15, $5.000000000e-01  }
0x21d: {  	v14 =	vsel vm0, $0xBF800000, v14  }
0x21e: {  	[tilespmem:s8+$0xFFFFFF30] =	vst v14  }
0x21f: {  	v15 =	vld.idx.msk [tilespmem:v16+s17+$0x0], $0xffff  }
0x220: {  	v16 =	vld [tilespmem:s9+$0xFFFFFFB0];
	_ =	sdelay $0x2  }
0x221: {  	v17 =	vor.u32 s20, v6;
	_ =	sdelay $0x1  }
0x222: {  	v15 =	vand.u32 $0x7FFFFFFF, v15;
	vm0 =	vgt.f32 v16, $5.000000000e-01  }
0x223: {  	v15 =	vsel vm0, $0xBF800000, v15  }
0x224: {  	[tilespmem:s8+$0xFFFFFF40] =	vst v15  }
0x225: {  	v16 =	vld.idx.msk [tilespmem:v17+s17+$0x0], $0xffff  }
0x226: {  	v17 =	vld [tilespmem:s9+$0xFFFFFFC0];
	_ =	sdelay $0x2  }
0x227: {  	v18 =	vor.u32 s19, v6;
	_ =	sdelay $0x1  }
0x228: {  	v16 =	vand.u32 $0x7FFFFFFF, v16;
	vm0 =	vgt.f32 v17, $5.000000000e-01  }
0x229: {  	v16 =	vsel vm0, $0xBF800000, v16  }
0x22a: {  	[tilespmem:s8+$0xFFFFFF50] =	vst v16  }
0x22b: {  	v17 =	vld.idx.msk [tilespmem:v18+s17+$0x0], $0xffff  }
0x22c: {  	v18 =	vld [tilespmem:s9+$0xFFFFFFD0];
	_ =	sdelay $0x2  }
0x22d: {  	v19 =	vor.u32 s1, v6;
	_ =	sdelay $0x1  }
0x22e: {  	v17 =	vand.u32 $0x7FFFFFFF, v17;
	vm0 =	vgt.f32 v18, $5.000000000e-01  }
0x22f: {  	v17 =	vsel vm0, $0xBF800000, v17  }
0x230: {  	[tilespmem:s8+$0xFFFFFF60] =	vst v17  }
0x231: {  	v18 =	vld.idx.msk [tilespmem:v19+s17+$0x0], $0xffff  }
0x232: {  	v19 =	vld [tilespmem:s9+$0xFFFFFFE0];
	_ =	sdelay $0x2  }
0x233: {  	v20 =	vor.u32 s2, v6;
	_ =	sdelay $0x1  }
0x234: {  	v18 =	vand.u32 $0x7FFFFFFF, v18;
	vm0 =	vgt.f32 v19, $5.000000000e-01  }
0x235: {  	v18 =	vsel vm0, $0xBF800000, v18  }
0x236: {  	[tilespmem:s8+$0xFFFFFF70] =	vst v18  }
0x237: {  	v19 =	vld.idx.msk [tilespmem:v20+s17+$0x0], $0xffff  }
0x238: {  	v20 =	vld [tilespmem:s9+$0xFFFFFFF0];
	_ =	sdelay $0x2  }
0x239: {  	v21 =	vor.u32 s25, v6;
	_ =	sdelay $0x1  }
0x23a: {  	v19 =	vand.u32 $0x7FFFFFFF, v19;
	vm0 =	vgt.f32 v20, $5.000000000e-01  }
0x23b: {  	v19 =	vsel vm0, $0xBF800000, v19  }
0x23c: {  	[tilespmem:s8+$0xFFFFFF80] =	vst v19  }
0x23d: {  	v20 =	vld.idx.msk [tilespmem:v21+s17+$0x0], $0xffff  }
0x23e: {  	v21 =	vld [tilespmem:s9+$0x0];
	_ =	sdelay $0x2  }
0x23f: {  	v22 =	vor.u32 s28, v6;
	_ =	sdelay $0x1  }
0x240: {  	v20 =	vand.u32 $0x7FFFFFFF, v20;
	vm0 =	vgt.f32 v21, $5.000000000e-01  }
0x241: {  	v20 =	vsel vm0, $0xBF800000, v20  }
0x242: {  	[tilespmem:s8+$0xFFFFFF90] =	vst v20  }
0x243: {  	v21 =	vld.idx.msk [tilespmem:v22+s17+$0x0], $0xffff  }
0x244: {  	v22 =	vld [tilespmem:s9+$0x10];
	_ =	sdelay $0x2  }
0x245: {  	v23 =	vor.u32 s18, v6;
	_ =	sdelay $0x1  }
0x246: {  	v21 =	vand.u32 $0x7FFFFFFF, v21;
	vm0 =	vgt.f32 v22, $5.000000000e-01  }
0x247: {  	v21 =	vsel vm0, $0xBF800000, v21  }
0x248: {  	[tilespmem:s8+$0xFFFFFFA0] =	vst v21  }
0x249: {  	v22 =	vld.idx.msk [tilespmem:v23+s17+$0x0], $0xffff  }
0x24a: {  	v23 =	vld [tilespmem:s9+$0x20];
	_ =	sdelay $0x2  }
0x24b: {  	v24 =	vor.u32 s5, v6;
	_ =	sdelay $0x1  }
0x24c: {  	v22 =	vand.u32 $0x7FFFFFFF, v22;
	vm0 =	vgt.f32 v23, $5.000000000e-01  }
0x24d: {  	v22 =	vsel vm0, $0xBF800000, v22  }
0x24e: {  	[tilespmem:s8+$0xFFFFFFB0] =	vst v22  }
0x24f: {  	v23 =	vld.idx.msk [tilespmem:v24+s17+$0x0], $0xffff  }
0x250: {  	v24 =	vld [tilespmem:s9+$0x30];
	_ =	sdelay $0x2  }
0x251: {  	v25 =	vor.u32 s13, v6;
	_ =	sdelay $0x1  }
0x252: {  	v23 =	vand.u32 $0x7FFFFFFF, v23;
	vm0 =	vgt.f32 v24, $5.000000000e-01  }
0x253: {  	v23 =	vsel vm0, $0xBF800000, v23  }
0x254: {  	[tilespmem:s8+$0xFFFFFFC0] =	vst v23  }
0x255: {  	v24 =	vld.idx.msk [tilespmem:v25+s17+$0x0], $0xffff  }
0x256: {  	v25 =	vld [tilespmem:s9+$0x40];
	_ =	sdelay $0x2  }
0x257: {  	v26 =	vor.u32 s30, v6;
	_ =	sdelay $0x1  }
0x258: {  	v24 =	vand.u32 $0x7FFFFFFF, v24;
	vm0 =	vgt.f32 v25, $5.000000000e-01  }
0x259: {  	v24 =	vsel vm0, $0xBF800000, v24  }
0x25a: {  	[tilespmem:s8+$0xFFFFFFD0] =	vst v24  }
0x25b: {  	v25 =	vld.idx.msk [tilespmem:v26+s17+$0x0], $0xffff  }
0x25c: {  	v26 =	vld [tilespmem:s9+$0x50];
	_ =	sdelay $0x2  }
0x25d: {  	v27 =	vor.u32 s15, v6;
	_ =	sdelay $0x1  }
0x25e: {  	v25 =	vand.u32 $0x7FFFFFFF, v25;
	vm0 =	vgt.f32 v26, $5.000000000e-01  }
0x25f: {  	v25 =	vsel vm0, $0xBF800000, v25  }
0x260: {  	[tilespmem:s8+$0xFFFFFFE0] =	vst v25  }
0x261: {  	v26 =	vld.idx.msk [tilespmem:v27+s17+$0x0], $0xffff  }
0x262: {  	v27 =	vld [tilespmem:s9+$0x60]  }
0x263: {  	v12 =	vmax.f32 v12, $-3.000000000e+00  }
0x264: {  	v12 =	vmax.f32 v12, v13  }
0x265: {  	v13 =	vor.u32 s11, v6;
	v12 =	vmax.f32 v12, v14  }
0x266: {  	v12 =	vmax.f32 v12, v15  }
0x267: {  	v12 =	vmax.f32 v12, v16;
	v14 =	vand.u32 $0x7FFFFFFF, v26;
	vm0 =	vgt.f32 v27, $5.000000000e-01  }
0x268: {  	v12 =	vmax.f32 v12, v17;
	v14 =	vsel vm0, $0xBF800000, v14  }
0x269: {  	v12 =	vmax.f32 v12, v18;
	[tilespmem:s8+$0xFFFFFFF0] =	vst v14  }
0x26a: {  	v12 =	vmax.f32 v12, v19;
	v13 =	vld.idx.msk [tilespmem:v13+s17+$0x0], $0xffff  }
0x26b: {  	v12 =	vmax.f32 v12, v20;
	v15 =	vld [tilespmem:s9+$0x70]  }
0x26c: {  	v12 =	vmax.f32 v12, v21  }
0x26d: {  	v12 =	vmax.f32 v12, v22  }
0x26e: {  	v12 =	vmax.f32 v12, v23  }
0x26f: {  	v12 =	vmax.f32 v12, v24  }
0x270: {  	v12 =	vmax.f32 v12, v25;
	v13 =	vand.u32 $0x7FFFFFFF, v13;
	vm0 =	vgt.f32 v15, $5.000000000e-01  }
0x271: {  	v12 =	vmax.f32 v12, v14;
	v13 =	vsel vm0, $0xBF800000, v13  }
0x272: {  	[tilespmem:s8+$0x0] =	vst v13;
	v12 =	vmax.f32 v12, v13  }
0x273: {  	(xrf0) =	vmax.scan.msk.f32 $0xffff, v12;
	_ =	sdelay $0x1  }
0x274: {  	s11 =	sshll.u32 s6, $0x7  }
0x275: {  	s0 =	sadd.s32 $0xFFFFF880, s11;
	s9 =	sadd.s32 $0x100, s9;
	s8 =	sadd.s32 $0x100, s8  }
.Ltmp1:
0x276: {  	s4 =	sadd.s32 $0xFFFFF900, s11;
	s23 =	sadd.s32 $0xFFFFF980, s11;
	v13 =	vmov s3;
	(pc) =	sbr.rel @p1 .LBB2_6-.Ltmp1, $4  }
0x277: {  	s22 =	sadd.s32 $0xFFFFFA00, s11;
	s20 =	sadd.s32 $0xFFFFFA80, s11;
	s19 =	sadd.s32 $0xFFFFFB00, s11;
	v12 =	vor.u32 s0, v6  }
0x278: {  	s1 =	sadd.s32 $0xFFFFFB80, s11;
	s2 =	sadd.s32 $0xFFFFFC00, s11;
	s25 =	sadd.s32 $0xFFFFFC80, s11;
	v14, _, _ =	vpop (xrf0)  }
0x279: {  	s28 =	sadd.s32 $0xFFFFFD00, s11;
	s18 =	sadd.s32 $0xFFFFFD80, s11;
	s5 =	sadd.s32 $0xFFFFFE00, s11;
	v14 =	vbroadcast v14, $0xF  }
0x27a: {  	s13 =	sadd.s32 $0xFFFFFE80, s11;
	s30 =	sadd.s32 $0xFFFFFF00, s11;
	s0 =	smov.u32 s12  }
0x27b: {  	_ =	sdelay $0x3  }
0x27c: {  	[tilespmem:v13+s21+$0x0] =	vst.idx.msk $0x1, v14  }
0x27d: {  	v12 =	vld.idx.msk [tilespmem:v12+s17+$0x0], $0xffff  }
0x27e: {  	v13 =	vld [tilespmem:s9+$0xFFFFFF80];
	_ =	sdelay $0x2  }
0x27f: {  	v30 =	vor.u32 s4, v6;
	_ =	sdelay $0x1  }
0x280: {  	vm0 =	vgt.f32 v13, $5.000000000e-01;
	v12 =	vand.u32 $0x7FFFFFFF, v12  }
0x281: {  	v12 =	vsel vm0, $0xBF800000, v12  }
0x282: {  	[tilespmem:s8+$0xFFFFFF10] =	vst v12  }
0x283: {  	v31 =	vld.idx.msk [tilespmem:v30+s17+$0x0], $0xffff  }
0x284: {  	v32 =	vld [tilespmem:s9+$0xFFFFFF90];
	_ =	sdelay $0x2  }
0x285: {  	v15 =	vor.u32 s23, v6;
	_ =	sdelay $0x1  }
0x286: {  	vm13 =	vgt.f32 v32, $5.000000000e-01;
	v13 =	vand.u32 $0x7FFFFFFF, v31  }
0x287: {  	v13 =	vsel vm13, $0xBF800000, v13  }
0x288: {  	[tilespmem:s8+$0xFFFFFF20] =	vst v13  }
0x289: {  	v33 =	vld.idx.msk [tilespmem:v15+s17+$0x0], $0xffff  }
0x28a: {  	v34 =	vld [tilespmem:s9+$0xFFFFFFA0];
	_ =	sdelay $0x2  }
0x28b: {  	v16 =	vor.u32 s22, v6;
	_ =	sdelay $0x1  }
0x28c: {  	vm14 =	vgt.f32 v34, $5.000000000e-01;
	v14 =	vand.u32 $0x7FFFFFFF, v33  }
0x28d: {  	v14 =	vsel vm14, $0xBF800000, v14  }
0x28e: {  	[tilespmem:s8+$0xFFFFFF30] =	vst v14  }
0x28f: {  	v35 =	vld.idx.msk [tilespmem:v16+s17+$0x0], $0xffff  }
0x290: {  	v36 =	vld [tilespmem:s9+$0xFFFFFFB0];
	_ =	sdelay $0x2  }
0x291: {  	v17 =	vor.u32 s20, v6;
	_ =	sdelay $0x1  }
0x292: {  	vm15 =	vgt.f32 v36, $5.000000000e-01;
	v15 =	vand.u32 $0x7FFFFFFF, v35  }
0x293: {  	v15 =	vsel vm15, $0xBF800000, v15  }
0x294: {  	[tilespmem:s8+$0xFFFFFF40] =	vst v15  }
0x295: {  	v37 =	vld.idx.msk [tilespmem:v17+s17+$0x0], $0xffff  }
0x296: {  	v38 =	vld [tilespmem:s9+$0xFFFFFFC0];
	_ =	sdelay $0x2  }
0x297: {  	v18 =	vor.u32 s19, v6;
	_ =	sdelay $0x1  }
0x298: {  	vm4 =	vgt.f32 v38, $5.000000000e-01;
	v16 =	vand.u32 $0x7FFFFFFF, v37  }
0x299: {  	v16 =	vsel vm4, $0xBF800000, v16  }
0x29a: {  	[tilespmem:s8+$0xFFFFFF50] =	vst v16  }
0x29b: {  	v39 =	vld.idx.msk [tilespmem:v18+s17+$0x0], $0xffff  }
0x29c: {  	v40 =	vld [tilespmem:s9+$0xFFFFFFD0];
	_ =	sdelay $0x2  }
0x29d: {  	v19 =	vor.u32 s1, v6;
	_ =	sdelay $0x1  }
0x29e: {  	vm5 =	vgt.f32 v40, $5.000000000e-01;
	v17 =	vand.u32 $0x7FFFFFFF, v39  }
0x29f: {  	v17 =	vsel vm5, $0xBF800000, v17  }
0x2a0: {  	[tilespmem:s8+$0xFFFFFF60] =	vst v17  }
0x2a1: {  	v41 =	vld.idx.msk [tilespmem:v19+s17+$0x0], $0xffff  }
0x2a2: {  	v42 =	vld [tilespmem:s9+$0xFFFFFFE0];
	_ =	sdelay $0x2  }
0x2a3: {  	v20 =	vor.u32 s2, v6;
	_ =	sdelay $0x1  }
0x2a4: {  	vm6 =	vgt.f32 v42, $5.000000000e-01;
	v18 =	vand.u32 $0x7FFFFFFF, v41  }
0x2a5: {  	v18 =	vsel vm6, $0xBF800000, v18  }
0x2a6: {  	[tilespmem:s8+$0xFFFFFF70] =	vst v18  }
0x2a7: {  	v43 =	vld.idx.msk [tilespmem:v20+s17+$0x0], $0xffff  }
0x2a8: {  	v44 =	vld [tilespmem:s9+$0xFFFFFFF0];
	_ =	sdelay $0x2  }
0x2a9: {  	v21 =	vor.u32 s25, v6;
	_ =	sdelay $0x1  }
0x2aa: {  	vm7 =	vgt.f32 v44, $5.000000000e-01;
	v19 =	vand.u32 $0x7FFFFFFF, v43  }
0x2ab: {  	v19 =	vsel vm7, $0xBF800000, v19  }
0x2ac: {  	[tilespmem:s8+$0xFFFFFF80] =	vst v19  }
0x2ad: {  	v45 =	vld.idx.msk [tilespmem:v21+s17+$0x0], $0xffff  }
0x2ae: {  	v46 =	vld [tilespmem:s9+$0x0];
	_ =	sdelay $0x2  }
0x2af: {  	v22 =	vor.u32 s28, v6;
	_ =	sdelay $0x1  }
0x2b0: {  	vm8 =	vgt.f32 v46, $5.000000000e-01;
	v20 =	vand.u32 $0x7FFFFFFF, v45  }
0x2b1: {  	v20 =	vsel vm8, $0xBF800000, v20  }
0x2b2: {  	[tilespmem:s8+$0xFFFFFF90] =	vst v20  }
0x2b3: {  	v47 =	vld.idx.msk [tilespmem:v22+s17+$0x0], $0xffff  }
0x2b4: {  	v48 =	vld [tilespmem:s9+$0x10];
	_ =	sdelay $0x2  }
0x2b5: {  	v23 =	vor.u32 s18, v6;
	_ =	sdelay $0x1  }
0x2b6: {  	vm9 =	vgt.f32 v48, $5.000000000e-01;
	v21 =	vand.u32 $0x7FFFFFFF, v47  }
0x2b7: {  	v21 =	vsel vm9, $0xBF800000, v21  }
0x2b8: {  	[tilespmem:s8+$0xFFFFFFA0] =	vst v21  }
0x2b9: {  	v49 =	vld.idx.msk [tilespmem:v23+s17+$0x0], $0xffff  }
0x2ba: {  	v50 =	vld [tilespmem:s9+$0x20];
	_ =	sdelay $0x2  }
0x2bb: {  	v24 =	vor.u32 s5, v6;
	_ =	sdelay $0x1  }
0x2bc: {  	vm10 =	vgt.f32 v50, $5.000000000e-01;
	v22 =	vand.u32 $0x7FFFFFFF, v49  }
0x2bd: {  	v22 =	vsel vm10, $0xBF800000, v22  }
0x2be: {  	[tilespmem:s8+$0xFFFFFFB0] =	vst v22  }
0x2bf: {  	v51 =	vld.idx.msk [tilespmem:v24+s17+$0x0], $0xffff  }
0x2c0: {  	v52 =	vld [tilespmem:s9+$0x30];
	_ =	sdelay $0x2  }
0x2c1: {  	v25 =	vor.u32 s13, v6;
	_ =	sdelay $0x1  }
0x2c2: {  	vm11 =	vgt.f32 v52, $5.000000000e-01;
	v23 =	vand.u32 $0x7FFFFFFF, v51  }
0x2c3: {  	v23 =	vsel vm11, $0xBF800000, v23  }
0x2c4: {  	[tilespmem:s8+$0xFFFFFFC0] =	vst v23  }
0x2c5: {  	v53 =	vld.idx.msk [tilespmem:v25+s17+$0x0], $0xffff  }
0x2c6: {  	v54 =	vld [tilespmem:s9+$0x40];
	_ =	sdelay $0x2  }
0x2c7: {  	v26 =	vor.u32 s30, v6;
	_ =	sdelay $0x1  }
0x2c8: {  	vm12 =	vgt.f32 v54, $5.000000000e-01;
	v24 =	vand.u32 $0x7FFFFFFF, v53  }
0x2c9: {  	v24 =	vsel vm12, $0xBF800000, v24  }
0x2ca: {  	[tilespmem:s8+$0xFFFFFFD0] =	vst v24  }
0x2cb: {  	v55 =	vld.idx.msk [tilespmem:v26+s17+$0x0], $0xffff  }
0x2cc: {  	v56 =	vld [tilespmem:s9+$0x50];
	_ =	sdelay $0x1  }
0x2cd: {  	s0 =	sadd.s32 $0xFFFFFF80, s11  }
0x2ce: {  	v27 =	vor.u32 s0, v6;
	_ =	sdelay $0x1  }
0x2cf: {  	vm13 =	vgt.f32 v56, $5.000000000e-01;
	v25 =	vand.u32 $0x7FFFFFFF, v55  }
0x2d0: {  	v25 =	vsel vm13, $0xBF800000, v25  }
0x2d1: {  	[tilespmem:s8+$0xFFFFFFE0] =	vst v25  }
0x2d2: {  	v57 =	vld.idx.msk [tilespmem:v27+s17+$0x0], $0xffff  }
0x2d3: {  	v58 =	vld [tilespmem:s9+$0x60]  }
0x2d4: {  	v12 =	vmax.f32 v12, $-3.000000000e+00  }
0x2d5: {  	v12 =	vmax.f32 v12, v13  }
0x2d6: {  	v59 =	vor.u32 s11, v6;
	v12 =	vmax.f32 v12, v14  }
0x2d7: {  	v12 =	vmax.f32 v12, v15  }
0x2d8: {  	v12 =	vmax.f32 v12, v16;
	vm14 =	vgt.f32 v58, $5.000000000e-01;
	v60 =	vand.u32 $0x7FFFFFFF, v57  }
0x2d9: {  	v12 =	vmax.f32 v12, v17;
	v14 =	vsel vm14, $0xBF800000, v60  }
0x2da: {  	v12 =	vmax.f32 v12, v18;
	[tilespmem:s8+$0xFFFFFFF0] =	vst v14  }
0x2db: {  	v12 =	vmax.f32 v12, v19;
	v13 =	vld.idx.msk [tilespmem:v59+s17+$0x0], $0xffff  }
0x2dc: {  	v12 =	vmax.f32 v12, v20;
	v61 =	vld [tilespmem:s9+$0x70]  }
0x2dd: {  	v12 =	vmax.f32 v12, v21  }
0x2de: {  	v12 =	vmax.f32 v12, v22  }
0x2df: {  	v12 =	vmax.f32 v12, v23  }
0x2e0: {  	v12 =	vmax.f32 v12, v24  }
0x2e1: {  	v12 =	vmax.f32 v12, v25;
	vm15 =	vgt.f32 v61, $5.000000000e-01;
	v13 =	vand.u32 $0x7FFFFFFF, v13  }
0x2e2: {  	v12 =	vmax.f32 v12, v14;
	v13 =	vsel vm15, $0xBF800000, v13  }
0x2e3: {  	v12 =	vmax.f32 v12, v13  }
0x2e4: {  	(xrf0) =	vmax.scan.msk.f32 $0xffff, v12;
	_ =	sdelay $0x2  }
0x2e5: {  	s30 =	sadd.s32 $0x1, s3  }
0x2e6: {  	v62 =	vmov s30  }
.Ltmp2:
0x2e7: {  	_ = 	snop;
	(pc) =	sbr.rel @p0 .LBB2_8-.Ltmp2, $4  }
0x2e8: {  	v63, _, _ =	vpop (xrf0)  }
0x2e9: {  	v14 =	vbroadcast v63, $0xF  }
0x2ea: {  	[tilespmem:s8+$0x0] =	vst v13  }
0x2eb: {  	s3 =	simm.s32 $0x0;
	[tilespmem:v62+s21+$0x0] =	vst.idx.msk $0x1, v14  }
0x2ec: {  	s1 =	rddreg [dreg:$0x10]  }
0x2ed: {  	s2 =	rddreg [dreg:$0x0]  }
0x2ee: {  	s0 =	sshll.u32 s7, $0xF;
	s23 =	rddreg [dreg:$0x11]  }
0x2ef: {  	s22 =	simm.s32 $0x0;
	s25 =	rddreg [dreg:$0x1];
	s28 =	simm.s32 $0x400  }
0x2f0: {  	s30 =	simm.s32 $0x10800;
	s3 =	simm.s32 $0x80;
	s0 =	sadd.s32 $0xC000, s0  }
0x2f1: {  	s7 =	sadd.s32 $0x1, s7;
	s10 =	sadd.s32 $0x10, s10;
	s1 =	sadd.s32 s1, s0  }
.Ltmp3:
0x2f2: {  	s0 =	sadd.s32 s23, s0;
	s1 =	sshrl.u32 s1, $0x3;
	(pc) =	sbr.rel .LBB2_3-.Ltmp3, $4  }
0x2f3: {  	s16 =	sadd.s32 $0x1000, s16;
	s0 =	sshrl.u32 s0, $0x3;
	s1 =	sadd.s32 s2, s1  }
0x2f4: {  	[tilespmem:s17], [sflag:$0x2] =	stream.linear.gather [hbm4b:s1+s22], $0x4000, $0x38;
	[tilespmem:$0x15600] =	vst v63  }
0x2f5: {  	s29 =	sadd.s32 $0x10, s29;
	s31 =	sadd.s32 $0x1000, s31;
	s0 =	sadd.s32 s25, s0  }
0x2f6: {  	[tilespmem:s30], [sflag:$0x4] =	stream.strided.gather [hbm4b:s0+s3], $0x800, s28, s3, $0x38;
	[tilespmem:$0x15600] =	vst v63  }
.LBB2_8:
0x2f7: {  	s4 =	simm.s32 $0x0;
	s7 =	simm.s32 $0x0  }
.LBB2_9:
0x2f8: {  	v13 =	vld [tilespmem:$0x11000]  }
0x2f9: {  	v14 =	vld [tilespmem:$0x11010]  }
0x2fa: {  	v15 =	vld [tilespmem:$0x11020]  }
0x2fb: {  	v16 =	vld [tilespmem:$0x11030]  }
0x2fc: {  	v17 =	vld [tilespmem:$0x11040]  }
0x2fd: {  	v18 =	vld [tilespmem:$0x11050]  }
0x2fe: {  	v19 =	vld [tilespmem:$0x11060];
	v12 =	vmax.f32 v13, v14  }
0x2ff: {  	v20 =	vld [tilespmem:$0x11070];
	v12 =	vmax.f32 v12, v15  }
0x300: {  	v12 =	vmax.f32 v12, v16  }
0x301: {  	v12 =	vmax.f32 v12, v17  }
0x302: {  	v12 =	vmax.f32 v12, v18  }
0x303: {  	v12 =	vmax.f32 v12, v19  }
0x304: {  	v12 =	vmax.f32 v12, v20  }
0x305: {  	(xrf0) =	vmax.scan.msk.f32 $0xffff, v12;
	_ =	sdelay $0x5  }
0x306: {  	v12, _, _ =	vpop (xrf0)  }
0x307: {  	v12 =	vbroadcast v12, $0xF;
	_ =	sdelay $0x1  }
0x308: {  	vm0 =	veq.f32 v13, v12  }
0x309: {  	vm5 =	veq.f32 v14, v12;
	v13 =	vnsel vm0, $0xC0000000, v3  }
0x30a: {  	v25 =	vnsel vm5, $0xC0000000, v1;
	(xrf0) =	vmin.scan.msk.u32 $0xffff, v13  }
0x30b: {  	vm6 =	veq.f32 v15, v12;
	(xrf0) =	vmin.scan.msk.u32 $0xffff, v25  }
0x30c: {  	v26 =	vnsel vm6, $0xC0000000, v2  }
0x30d: {  	vm7 =	veq.f32 v16, v12;
	(xrf0) =	vmin.scan.msk.u32 $0xffff, v26  }
0x30e: {  	v27 =	vnsel vm7, $0xC0000000, v4  }
0x30f: {  	vm8 =	veq.f32 v17, v12;
	(xrf0) =	vmin.scan.msk.u32 $0xffff, v27  }
0x310: {  	v29 =	vnsel vm8, $0xC0000000, v5;
	v28, _, _ =	vpop (xrf0)  }
0x311: {  	vm9 =	veq.f32 v18, v12;
	(xrf0) =	vmin.scan.msk.u32 $0xffff, v29;
	(v2sf) =	vpush v28, $0xF;
	v30, _, _ =	vpop (xrf0)  }
0x312: {  	v31 =	vnsel vm9, $0xC0000000, v7;
	(v2sf) =	vpush v30, $0xF  }
0x313: {  	vm10 =	veq.f32 v19, v12;
	(xrf0) =	vmin.scan.msk.u32 $0xffff, v31;
	v32, _, _ =	vpop (xrf0)  }
0x314: {  	v33 =	vnsel vm10, $0xC0000000, v8;
	(v2sf) =	vpush v32, $0xF  }
0x315: {  	vm11 =	veq.f32 v20, v12;
	(xrf0) =	vmin.scan.msk.u32 $0xffff, v33;
	v34, _, _ =	vpop (xrf0)  }
0x316: {  	v35 =	vnsel vm11, $0xC0000000, v9;
	(v2sf) =	vpush v34, $0xF  }
0x317: {  	(xrf0) =	vmin.scan.msk.u32 $0xffff, v35;
	v36, _, _ =	vpop (xrf0)  }
0x318: {  	(v2sf) =	vpush v36, $0xF  }
0x319: {  	v37, _, _ =	vpop (xrf0)  }
0x31a: {  	(v2sf) =	vpush v37, $0xF  }
0x31b: {  	v38, _, _ =	vpop (xrf0)  }
0x31c: {  	(v2sf) =	vpush v38, $0xF  }
0x31d: {  	v39, _, _ =	vpop (xrf0)  }
0x31e: {  	(v2sf) =	vpush v39, $0xF;
	_ =	sdelay $0x1  }
0x31f: {  	s0 =	spop (v2sf)  }
0x320: {  	s1 =	spop (v2sf)  }
0x321: {  	s0 =	sxor.u32 $0x80000000, s0;
	s1 =	sxor.u32 $0x80000000, s1  }
0x322: {  	s2 =	spop (v2sf);
	p0 =	slt.s32 s0, s1  }
0x323: {  	s1 =	smov.u32 @p0 s0;
	s0 =	sxor.u32 $0x80000000, s2  }
0x324: {  	s8 =	spop (v2sf);
	p0 =	slt.s32 s1, s0  }
0x325: {  	s0 =	smov.u32 @p0 s1;
	s1 =	sxor.u32 $0x80000000, s8  }
0x326: {  	s9 =	spop (v2sf);
	p0 =	slt.s32 s0, s1  }
0x327: {  	s1 =	smov.u32 @p0 s0;
	s0 =	sxor.u32 $0x80000000, s9  }
0x328: {  	s10 =	spop (v2sf);
	p0 =	slt.s32 s1, s0  }
0x329: {  	s0 =	smov.u32 @p0 s1;
	s1 =	sxor.u32 $0x80000000, s10  }
0x32a: {  	s11 =	spop (v2sf);
	p0 =	slt.s32 s0, s1  }
0x32b: {  	s1 =	smov.u32 @p0 s0;
	s0 =	sxor.u32 $0x80000000, s11  }
0x32c: {  	s12 =	spop (v2sf);
	p0 =	slt.s32 s1, s0  }
0x32d: {  	s5 =	sxor.u32 $0x80000000, s12;
	s0 =	smov.u32 @p0 s1  }
0x32e: {  	p0 =	slt.s32 s0, s5  }
0x32f: {  	s5 =	smov.u32 @p0 s0  }
0x330: {  	p0 =	slt.s32 s5, $0x40000000  }
0x331: {  	s5 =	simm.s32 @!p0 $0x40000000  }
0x332: {  	s6 =	sshll.u32 s5, $0x8  }
0x333: {  	v40 =	vld [tilespmem:s6+$0x0]  }
0x334: {  	v41 =	vld [tilespmem:s6+$0x10];
	_ =	sdelay $0x1  }
0x335: {  	v42 =	vld [tilespmem:s6+$0x20];
	_ =	sdelay $0x1  }
0x336: {  	v43 =	vxor.u32 s6, v3;
	s13 =	sor.u32 $0x10, s6;
	v44 =	vld [tilespmem:s6+$0x30];
	vm12 =	veq.f32 v40, v12  }
0x337: {  	v45 =	vxor.u32 s13, v3;
	vm13 =	veq.f32 v41, v12;
	v13 =	vnsel vm12, $0xC0000000, v43  }
0x338: {  	s15 =	sor.u32 $0x20, s6;
	v47 =	vld [tilespmem:s6+$0x40];
	v46 =	vnsel vm13, $0xC0000000, v45;
	(xrf0) =	vmin.scan.msk.u32 $0xffff, v13  }
0x339: {  	v48 =	vxor.u32 s15, v3;
	vm14 =	veq.f32 v42, v12;
	(xrf0) =	vmin.scan.msk.u32 $0xffff, v46  }
0x33a: {  	s16 =	sor.u32 $0x30, s6;
	v49 =	vld [tilespmem:s6+$0x50];
	v13 =	vnsel vm14, $0xC0000000, v48  }
0x33b: {  	v50 =	vxor.u32 s16, v3;
	vm15 =	veq.f32 v44, v12;
	(xrf0) =	vmin.scan.msk.u32 $0xffff, v13  }
0x33c: {  	s18 =	sor.u32 $0x40, s6;
	v51 =	vld [tilespmem:s6+$0x60];
	v13 =	vnsel vm15, $0xC0000000, v50  }
0x33d: {  	v52 =	vxor.u32 s18, v3;
	vm4 =	veq.f32 v47, v12;
	(xrf0) =	vmin.scan.msk.u32 $0xffff, v13  }
0x33e: {  	s19 =	sor.u32 $0x50, s6;
	v54 =	vld [tilespmem:s6+$0x70];
	v13 =	vnsel vm4, $0xC0000000, v52;
	v53, _, _ =	vpop (xrf0)  }
0x33f: {  	v56 =	vxor.u32 s19, v3;
	vm5 =	veq.f32 v49, v12;
	(xrf0) =	vmin.scan.msk.u32 $0xffff, v13;
	(v2sf) =	vpush v53, $0xF;
	v55, _, _ =	vpop (xrf0)  }
0x340: {  	s20 =	sor.u32 $0x60, s6;
	v57 =	vld [tilespmem:s6+$0x80];
	v13 =	vnsel vm5, $0xC0000000, v56;
	(v2sf) =	vpush v55, $0xF  }
0x341: {  	v59 =	vxor.u32 s20, v3;
	vm6 =	veq.f32 v51, v12;
	(xrf0) =	vmin.scan.msk.u32 $0xffff, v13;
	v58, _, _ =	vpop (xrf0)  }
0x342: {  	s22 =	sor.u32 $0x70, s6;
	v60 =	vld [tilespmem:s6+$0x90];
	v13 =	vnsel vm6, $0xC0000000, v59;
	(v2sf) =	vpush v58, $0xF  }
0x343: {  	v62 =	vxor.u32 s22, v3;
	vm7 =	veq.f32 v54, v12;
	(xrf0) =	vmin.scan.msk.u32 $0xffff, v13;
	v61, _, _ =	vpop (xrf0)  }
0x344: {  	s23 =	sor.u32 $0x80, s6;
	v63 =	vld [tilespmem:s6+$0xA0];
	v13 =	vnsel vm7, $0xC0000000, v62;
	(v2sf) =	vpush v61, $0xF  }
0x345: {  	v21 =	vxor.u32 s23, v3;
	vm8 =	veq.f32 v57, v12;
	v20, _, _ =	vpop (xrf0);
	(xrf0) =	vmin.scan.msk.u32 $0xffff, v13  }
0x346: {  	s25 =	sor.u32 $0x90, s6;
	v22 =	vld [tilespmem:s6+$0xB0];
	v13 =	vnsel vm8, $0xC0000000, v21;
	(v2sf) =	vpush v20, $0xF  }
0x347: {  	v24 =	vxor.u32 s25, v3;
	vm9 =	veq.f32 v60, v12;
	v23, _, _ =	vpop (xrf0);
	(xrf0) =	vmin.scan.msk.u32 $0xffff, v13  }
0x348: {  	s28 =	sor.u32 $0xA0, s6;
	v25 =	vld [tilespmem:s6+$0xC0];
	v13 =	vnsel vm9, $0xC0000000, v24;
	(v2sf) =	vpush v23, $0xF  }
0x349: {  	v27 =	vxor.u32 s28, v3;
	vm10 =	veq.f32 v63, v12;
	v26, _, _ =	vpop (xrf0);
	(xrf0) =	vmin.scan.msk.u32 $0xffff, v13  }
0x34a: {  	s29 =	sor.u32 $0xB0, s6;
	v28 =	vld [tilespmem:s6+$0xD0];
	v13 =	vnsel vm10, $0xC0000000, v27;
	(v2sf) =	vpush v26, $0xF  }
0x34b: {  	v30 =	vxor.u32 s29, v3;
	vm11 =	veq.f32 v22, v12;
	v29, _, _ =	vpop (xrf0);
	(xrf0) =	vmin.scan.msk.u32 $0xffff, v13  }
0x34c: {  	s30 =	sor.u32 $0xC0, s6;
	v31 =	vld [tilespmem:s6+$0xE0];
	v13 =	vnsel vm11, $0xC0000000, v30;
	(v2sf) =	vpush v29, $0xF  }
0x34d: {  	v33 =	vxor.u32 s30, v3;
	vm12 =	veq.f32 v25, v12;
	v32, _, _ =	vpop (xrf0);
	(xrf0) =	vmin.scan.msk.u32 $0xffff, v13  }
0x34e: {  	s2 =	sor.u32 $0xD0, s6;
	v34 =	vld [tilespmem:s6+$0xF0];
	v13 =	vnsel vm12, $0xC0000000, v33;
	s31 =	spop (v2sf);
	(v2sf) =	vpush v32, $0xF  }
0x34f: {  	v36 =	vxor.u32 s2, v3;
	vm13 =	veq.f32 v28, v12;
	v35, _, _ =	vpop (xrf0);
	(xrf0) =	vmin.scan.msk.u32 $0xffff, v13;
	s8 =	spop (v2sf)  }
0x350: {  	s9 =	sor.u32 $0xE0, s6;
	v13 =	vnsel vm13, $0xC0000000, v36;
	s0 =	sxor.u32 $0x80000000, s31;
	(v2sf) =	vpush v35, $0xF;
	s1 =	sxor.u32 $0x80000000, s8  }
0x351: {  	v37 =	vxor.u32 s9, v3;
	vm14 =	veq.f32 v31, v12;
	s10 =	spop (v2sf);
	v38, _, _ =	vpop (xrf0);
	(xrf0) =	vmin.scan.msk.u32 $0xffff, v13;
	p0 =	slt.s32 s0, s1  }
0x352: {  	s11 =	sor.u32 $0xF0, s6;
	v39 =	vnsel vm14, $0xC0000000, v37;
	(v2sf) =	vpush v38, $0xF;
	s1 =	smov.u32 @p0 s0;
	s0 =	sxor.u32 $0x80000000, s10  }
0x353: {  	v40 =	vxor.u32 s11, v3;
	vm15 =	veq.f32 v34, v12;
	s12 =	spop (v2sf);
	v41, _, _ =	vpop (xrf0);
	(xrf0) =	vmin.scan.msk.u32 $0xffff, v39;
	p0 =	slt.s32 s1, s0  }
0x354: {  	v42 =	vnsel vm15, $0xC0000000, v40;
	(v2sf) =	vpush v41, $0xF;
	s0 =	smov.u32 @p0 s1;
	s1 =	sxor.u32 $0x80000000, s12  }
0x355: {  	v43, _, _ =	vpop (xrf0);
	(xrf0) =	vmin.scan.msk.u32 $0xffff, v42;
	s13 =	spop (v2sf);
	p0 =	slt.s32 s0, s1  }
0x356: {  	(v2sf) =	vpush v43, $0xF;
	s1 =	smov.u32 @p0 s0;
	s0 =	sxor.u32 $0x80000000, s13  }
0x357: {  	s15 =	spop (v2sf);
	v44, _, _ =	vpop (xrf0);
	p0 =	slt.s32 s1, s0  }
0x358: {  	(v2sf) =	vpush v44, $0xF;
	s0 =	smov.u32 @p0 s1;
	s1 =	sxor.u32 $0x80000000, s15  }
0x359: {  	s16 =	spop (v2sf);
	v45, _, _ =	vpop (xrf0);
	p0 =	slt.s32 s0, s1  }
0x35a: {  	(v2sf) =	vpush v45, $0xF;
	s1 =	smov.u32 @p0 s0;
	s0 =	sxor.u32 $0x80000000, s16  }
0x35b: {  	v46, _, _ =	vpop (xrf0);
	s18 =	spop (v2sf);
	p0 =	slt.s32 s1, s0  }
0x35c: {  	(v2sf) =	vpush v46, $0xF;
	s0 =	smov.u32 @p0 s1;
	s1 =	sxor.u32 $0x80000000, s18  }
0x35d: {  	s19 =	spop (v2sf);
	p0 =	slt.s32 s0, s1  }
0x35e: {  	s1 =	smov.u32 @p0 s0;
	s0 =	sxor.u32 $0x80000000, s19  }
0x35f: {  	s20 =	spop (v2sf);
	p0 =	slt.s32 s1, s0  }
0x360: {  	s0 =	smov.u32 @p0 s1;
	s1 =	sxor.u32 $0x80000000, s20  }
0x361: {  	s22 =	spop (v2sf);
	p0 =	slt.s32 s0, s1  }
0x362: {  	s1 =	smov.u32 @p0 s0;
	s0 =	sxor.u32 $0x80000000, s22  }
0x363: {  	s23 =	spop (v2sf);
	p0 =	slt.s32 s1, s0  }
0x364: {  	s0 =	smov.u32 @p0 s1;
	s1 =	sxor.u32 $0x80000000, s23  }
0x365: {  	s25 =	spop (v2sf);
	p0 =	slt.s32 s0, s1  }
0x366: {  	s1 =	smov.u32 @p0 s0;
	s0 =	sxor.u32 $0x80000000, s25  }
0x367: {  	s28 =	spop (v2sf);
	p0 =	slt.s32 s1, s0  }
0x368: {  	s0 =	smov.u32 @p0 s1;
	s1 =	sxor.u32 $0x80000000, s28  }
0x369: {  	s29 =	spop (v2sf);
	p0 =	slt.s32 s0, s1  }
0x36a: {  	s1 =	smov.u32 @p0 s0;
	s0 =	sxor.u32 $0x80000000, s29  }
0x36b: {  	s30 =	spop (v2sf);
	p0 =	slt.s32 s1, s0  }
0x36c: {  	s0 =	smov.u32 @p0 s1;
	s1 =	sxor.u32 $0x80000000, s30  }
0x36d: {  	p0 =	slt.s32 s0, s1  }
0x36e: {  	s1 =	smov.u32 @p0 s0  }
0x36f: {  	v47 =	vmov s7;
	p0 =	slt.s32 s1, $0x40000000  }
0x370: {  	s1 =	simm.s32 @!p0 $0x40000000  }
0x371: {  	v48 =	vmov s1;
	_ =	sdelay $0x2  }
0x372: {  	s31 =	rddreg [dreg:$0x5];
	[tilespmem:v47+s24+$0x0] =	vst.idx.msk $0x1, v48  }
0x373: {  	[tilespmem:v47+s31+$0x0] =	vst.idx.msk $0x1, v12  }
0x374: {  	[tilespmem:v48+s3+$0x0] =	vst.idx.msk $0x1, v10  }
0x375: {  	v12 =	vld [tilespmem:s6+$0x0]  }
0x376: {  	v13 =	vld [tilespmem:s6+$0x10]  }
0x377: {  	v14 =	vld [tilespmem:s6+$0x20]  }
0x378: {  	v49 =	vld [tilespmem:s6+$0x30]  }
0x379: {  	v50 =	vld [tilespmem:s6+$0x40]  }
0x37a: {  	v51 =	vld [tilespmem:s6+$0x50]  }
0x37b: {  	v52 =	vld [tilespmem:s6+$0x60];
	v12 =	vmax.f32 v12, v13  }
0x37c: {  	v53 =	vld [tilespmem:s6+$0x70];
	v12 =	vmax.f32 v12, v14  }
0x37d: {  	v54 =	vld [tilespmem:s6+$0x80];
	v12 =	vmax.f32 v12, v49  }
0x37e: {  	v55 =	vld [tilespmem:s6+$0x90];
	v12 =	vmax.f32 v12, v50  }
0x37f: {  	v56 =	vld [tilespmem:s6+$0xA0];
	v12 =	vmax.f32 v12, v51  }
0x380: {  	v57 =	vld [tilespmem:s6+$0xB0];
	v12 =	vmax.f32 v12, v52  }
0x381: {  	v58 =	vld [tilespmem:s6+$0xC0];
	v12 =	vmax.f32 v12, v53  }
0x382: {  	v59 =	vld [tilespmem:s6+$0xD0];
	v12 =	vmax.f32 v12, v54  }
0x383: {  	v60 =	vld [tilespmem:s6+$0xE0];
	v12 =	vmax.f32 v12, v55  }
0x384: {  	v61 =	vld [tilespmem:s6+$0xF0];
	v12 =	vmax.f32 v12, v56  }
0x385: {  	v12 =	vmax.f32 v12, v57  }
0x386: {  	v12 =	vmax.f32 v12, v58  }
0x387: {  	v12 =	vmax.f32 v12, v59  }
0x388: {  	v12 =	vmax.f32 v12, v60  }
0x389: {  	v12 =	vmax.f32 v12, v61  }
0x38a: {  	(xrf0) =	vmax.scan.msk.f32 $0xffff, v12;
	_ =	sdelay $0x3  }
0x38b: {  	v62 =	vmov s5;
	p0 =	sne.s32 s7, $0x7F  }
.Ltmp4:
0x38c: {  	_ = 	snop;
	(pc) =	sbr.rel @p0 .LBB2_9-.Ltmp4, $3  }
0x38d: {  	v63, _, _ =	vpop (xrf0)  }
0x38e: {  	v13 =	vbroadcast v63, $0xF;
	_ =	sdelay $0x1  }
0x38f: {  	s7 =	sadd.s32 $0x1, s7;
	[smem:s4] =	sst s1;
	s4 =	sadd.s32 $0x1, s4;
	[tilespmem:v62+s21+$0x0] =	vst.idx.msk $0x1, v13  }
0x390: {  	s1 =	simm.s32 $0x11200;
	s2 =	simm.s32 $0x0;
	s5 =	simm.s32 $0x5  }
.LBB2_11:
0x391: {  	p0 =	sgt.u32 s2, $0x7F  }
0x392: {  	s0 =	sld @!p0 [smem:s3+$0x0];
	_ =	sdelay $0x2  }
0x393: {  	s4 =	sand.u32 @!p0 $0xF, s0  }
0x394: {  	p1 =	slt.s32 @!p0 s0, $0x1;
	p2 =	sne.s32 @!p0 s4, $0x0  }
0x395: {  	s4 =	sshra.s32 @!p0 s0, $0x1F;
	p1 =	por @!p0 !p1, !p2  }
0x396: {  	s4 =	sshrl.u32 @!p0 s4, $0x1C;
	p1 =	por @!p0 !p1, !p1  }
0x397: {  	s0 =	sadd.s32 @!p0 s4, s0;
	s4 =	simm.s32 @!p0 $0x1;
	p1 =	por !p1, p0  }
0x398: {  	s0 =	sshrl.u32 @!p0 s0, $0x4;
	s4 =	simm.s32 @p1 $0x0  }
0x399: {  	s0 =	ssub.s32 @!p0 s0, s4  }
0x39a: {  	s0 =	sshll.u32 @!p0 s0, $0x7  }
0x39b: {  	s6 =	rddreg [dreg:$0x10];
	s4 =	sand.u32 @!p0 $0xFFFFFC00, s0  }
0x39c: {  	s0 =	sand.u32 @!p0 $0x380, s0;
	s4 =	sadd.s32 @!p0 s6, s4  }
0x39d: {  	s0 =	sor.u32 @!p0 s0, s4  }
0x39e: {  	s4 =	rddreg [dreg:$0x0];
	s0 =	sshrl.u32 @!p0 s0, $0x3  }
0x39f: {  	p1 =	slt.u32 @!p0 s2, $0x10;
	s0 =	sadd.s32 @!p0 s4, s0;
	s4 =	simm.s32 @!p0 $0x0  }
0x3a0: {  	[tilespmem:s1], [sflag:$0x5] =	stream.linear.gather @!p0 [hbm4b:s0+s4], $0x80, $0x38;
	[tilespmem:$0x15600] =	vst v63  }
0x3a1: {  	p0 =	por p0, !p1  }
0x3a2: {  	_ =	swait.ge @p0 [sflag:s5], $0x80  }
0x3a3: {  	s2 =	sadd.s32 $0x1, s2;
	[sflag:s5] =	ssyncset.done @p0 $0x0  }
0x3a4: {  	[sflag:s5] =	ssyncadd.s32 @p0 $0xFFFFFF80;
	p0 =	sne.s32 s2, $0x90  }
.Ltmp5:
0x3a5: {  	_ = 	snop;
	(pc) =	sbr.rel @p0 .LBB2_11-.Ltmp5, $2  }
0x3a6: {  	_ =	sdelay $0x2  }
0x3a7: {  	s3 =	sadd.s32 $0x1, s3;
	s1 =	sadd.s32 $0x80, s1  }
0x3a8: {  	s0 =	simm.s32 $0x0;
	v13 =	vshrl.u32 v0, $0x3  }
0x3a9: {  	v12 =	vor.u32 s0, v13;
	_ =	sdelay $0x4  }
0x3aa: {  	v14 =	vld.idx.msk [tilespmem:v12+s24+$0x0], $0xffff;
	_ =	sdelay $0x4  }
0x3ab: {  	v14 =	vshll.u32 v14, $0x3  }
0x3ac: {  	v12 =	vshll.u32 v12, $0x7;
	v14 =	vand.u32 $0x78, v14  }
0x3ad: {  	v14 =	vor.u32 v12, v14;
	v12 =	vand.u32 $0x7, v0  }
0x3ae: {  	v14 =	vor.u32 v12, v14;
	_ =	sdelay $0x4  }
0x3af: {  	s31 =	simm.s32 $0x2;
	v14 =	vld.idx.msk [tilespmem:v14+s26+$0x0], $0xffff  }
0x3b0: {  	v15 =	vor.u32 s31, v13;
	_ =	sdelay $0x2  }
0x3b1: {  	s0 =	simm.s32 $0x15200  }
0x3b2: {  	[tilespmem:s0+$0x0] =	vst v14  }
0x3b3: {  	v14 =	vld.idx.msk [tilespmem:v15+s24+$0x0], $0xffff;
	_ =	sdelay $0x4  }
0x3b4: {  	v14 =	vshll.u32 v14, $0x3  }
0x3b5: {  	v15 =	vshll.u32 v15, $0x7;
	v14 =	vand.u32 $0x78, v14  }
0x3b6: {  	v14 =	vor.u32 v15, v14  }
0x3b7: {  	v14 =	vor.u32 v12, v14;
	_ =	sdelay $0x4  }
0x3b8: {  	s1 =	simm.s32 $0x4;
	s2 =	simm.s32 $0x6;
	v14 =	vld.idx.msk [tilespmem:v14+s26+$0x0], $0xffff  }
.LBB2_13:
0x3b9: {  	p0 =	sne.s32 s2, $0x7E;
	v15 =	vor.u32 s1, v13;
	s1 =	smov.u32 s2;
	_ =	sdelay $0x2  }
0x3ba: {  	s0 =	sadd.s32 $0x10, s0  }
0x3bb: {  	[tilespmem:s0+$0x0] =	vst v14  }
0x3bc: {  	v14 =	vld.idx.msk [tilespmem:v15+s24+$0x0], $0xffff;
	_ =	sdelay $0x5  }
0x3bd: {  	v14 =	vshll.u32 v14, $0x3  }
0x3be: {  	v15 =	vshll.u32 v15, $0x7;
	v14 =	vand.u32 $0x78, v14  }
0x3bf: {  	v14 =	vor.u32 v15, v14  }
0x3c0: {  	v14 =	vor.u32 v12, v14;
	_ =	sdelay $0x1  }
.Ltmp6:
0x3c1: {  	(pc) =	sbr.rel @p0 .LBB2_13-.Ltmp6, $3  }
0x3c2: {  	_ =	sdelay $0x1  }
0x3c3: {  	v14 =	vld.idx.msk [tilespmem:v14+s26+$0x0], $0xffff  }
0x3c4: {  	s2 =	sadd.s32 $0x2, s2  }
0x3c5: {  	v13 =	vor.u32 s1, v13;
	_ =	sdelay $0x2  }
0x3c6: {  	s0 =	sadd.s32 $0x10, s0  }
0x3c7: {  	[tilespmem:s0+$0x0] =	vst v14  }
0x3c8: {  	v14 =	vld.idx.msk [tilespmem:v13+s24+$0x0], $0xffff;
	_ =	sdelay $0x4  }
0x3c9: {  	v14 =	vshll.u32 v14, $0x3  }
0x3ca: {  	v13 =	vshll.u32 v13, $0x7;
	v14 =	vand.u32 $0x78, v14  }
0x3cb: {  	v13 =	vor.u32 v13, v14  }
0x3cc: {  	v12 =	vor.u32 v12, v13;
	_ =	sdelay $0x4  }
0x3cd: {  	v12 =	vld.idx.msk [tilespmem:v12+s26+$0x0], $0xffff  }
0x3ce: {  	s19 =	rddreg [dreg:$0xa]  }
0x3cf: {  	s3 =	rddreg [dreg:$0xf]  }
0x3d0: {  	s20 =	rddreg [dreg:$0x2];
	s4 =	simm.s32 $0x400;
	s1 =	sor.u32 s19, s3  }
0x3d1: {  	s22 =	simm.s32 $0x80;
	s1 =	sshrl.u32 s1, $0x3;
	s0 =	sadd.s32 $0x10, s0  }
0x3d2: {  	s2 =	simm.s32 $0x15200;
	s23 =	simm.s32 $0x6;
	[tilespmem:s0+$0x0] =	vst v12;
	s0 =	sadd.s32 s20, s1  }
0x3d3: {  	[hbm4b:s0+s22] =	stream.strided.scatter [tilespmem:s2], [sflag:$0x6], $0x400, s4, s22, $0x38;
	[tilespmem:$0x15600] =	vst v63  }
0x3d4: {  	_ =	swait.ge [sflag:s23], $0x400  }
0x3d5: {  	[sflag:s23] =	ssyncset.done $0x0  }
0x3d6: {  	[sflag:s23] =	ssyncadd.s32 $0xFFFFFC00  }
0x3d7: {  	v53 =	vld [tilespmem:$0x11100]  }
0x3d8: {  	v54 =	vld [tilespmem:$0x11110]  }
0x3d9: {  	v55 =	vld [tilespmem:$0x11120]  }
0x3da: {  	v15 =	vld [tilespmem:$0x11130]  }
0x3db: {  	v16 =	vld [tilespmem:$0x11140]  }
0x3dc: {  	v56 =	vld [tilespmem:$0x11150];
	vm0 =	veq.f32 v53, $-1.000000000e+00  }
0x3dd: {  	v57 =	vld [tilespmem:$0x11160];
	vm9 =	veq.f32 v54, $-1.000000000e+00;
	v17 =	vsel vm0, $0x3F800000, v11  }
0x3de: {  	v59 =	vld [tilespmem:$0x11170];
	vm10 =	veq.f32 v55, $-1.000000000e+00;
	v58 =	vsel vm9, $0x3F800000, v11;
	[tilespmem:$0x11180] =	vst v17  }
0x3df: {  	vm11 =	veq.f32 v15, $-1.000000000e+00;
	v60 =	vsel vm10, $0x3F800000, v11;
	[tilespmem:$0x11190] =	vst v58  }
0x3e0: {  	vm12 =	veq.f32 v16, $-1.000000000e+00;
	v15 =	vsel vm11, $0x3F800000, v11;
	[tilespmem:$0x111A0] =	vst v60  }
0x3e1: {  	vm13 =	veq.f32 v56, $-1.000000000e+00;
	v61 =	vsel vm12, $0x3F800000, v11;
	[tilespmem:$0x111B0] =	vst v15  }
0x3e2: {  	s25 =	rddreg [dreg:$0xb];
	vm14 =	veq.f32 v57, $-1.000000000e+00;
	v12 =	vsel vm13, $0x3F800000, v11;
	[tilespmem:$0x111C0] =	vst v61  }
0x3e3: {  	s0 =	sor.u32 s25, s3;
	vm15 =	veq.f32 v59, $-1.000000000e+00;
	v62 =	vsel vm14, $0x3F800000, v11;
	[tilespmem:$0x111D0] =	vst v12  }
0x3e4: {  	s0 =	sshrl.u32 s0, $0x3;
	s28 =	rddreg [dreg:$0x3];
	v63 =	vsel vm15, $0x3F800000, v11;
	[tilespmem:$0x111E0] =	vst v62  }
0x3e5: {  	s29 =	simm.s32 $0x0;
	s30 =	simm.s32 $0x11180;
	s0 =	sadd.s32 s28, s0;
	[tilespmem:$0x111F0] =	vst v63  }
0x3e6: {  	[hbm4b:s0+s29] =	stream.linear.scatter [tilespmem:s30], [sflag:$0x6], $0x80, $0x38;
	[tilespmem:$0x15600] =	vst v63  }
0x3e7: {  	_ =	swait.ge [sflag:s23], $0x80  }
0x3e8: {  	s31 =	rddreg [dreg:$0xe]  }
0x3e9: {  	s1 =	sadd.s32 $0x1, s31  }
0x3ea: {  	p0 =	sne.s32 s1, $0x4  }
.Ltmp7:
0x3eb: {  	_ = 	snop;
	(pc) =	sbr.rel @p0 .LBB2_2-.Ltmp7, $3  }
0x3ec: {  	_ =	sdelay $0x1  }
0x3ed: {  	[sflag:s23] =	ssyncset.done $0x0  }
0x3ee: {  	[sflag:s23] =	ssyncadd.s32 $0xFFFFFF80  }
0x3ef: {  	s1 =	rddreg [dreg:$0xd]  }
0x3f0: {  	s0 =	rddreg [dreg:$0xc];
	s1 =	sadd.s32 $0x1, s1  }
0x3f1: {  	p0 =	sne.s32 s1, s0  }
.Ltmp8:
0x3f2: {  	_ = 	snop;
	(pc) =	sbr.rel @p0 .LBB2_1-.Ltmp8, $1  }
0x3f3: {  	_ =	sdelay $0x3  }
0x3f4: {  	_ =	sfence.sel $0x180000  }
0x3f5: {  	[bflag:$0x0] =	sbarrier.arrive $0xFFFF  }
0x3f6: {  	_ =	strace $0x90000047  }
0x3f7: {  	s0 =	stileid.u32;
	[bflag:$0x2] =	sbarrier.arrive $0xFFFF  }
0x3f8: {  	p0 =	sne.s32 s0, $0x0;
	s0 =	rddreg [dreg:$0x4]  }
0x3f9: {  	s0 =	sadd.s32 @!p0 $0x100000, s0  }
0x3fa: {  	[sflag:s0] =	ssyncadd.tile.s32 @!p0 $0x1;
	_ =	shalt  }
.Lfunc_end2:
_tile_overlayer_lowered:
.L_overlay_start_2:
0x3fb: {  	(tag) =	ssettag $0x2  }
0x3fc: {  	s0 =	rddreg [dreg:$0x0];
	s2 =	stileid.u32  }
0x3fd: {  	s1 =	rddreg [dreg:$0x1];
	p0 =	sne.s32 s2, $0x0  }
0x3fe: {  	s3 =	rddreg [dreg:$0x2];
	[bflag:$0x3] =	sbarrier.arrive $0xFFFF;
	s2 =	simm.s32 @!p0 $0x1C06  }
0x3ff: {  	[timem:s3], [sflag:s2] =	dma.local @!p0 [hbm:s0], s1  }
0x400: {  	s0 =	simm.s32 @!p0 $0x6  }
0x401: {  	_ =	swait.ge @!p0 [sflag:s0], s1  }
0x402: {  	s1 =	ssub.s32 @!p0 $0x0, s1;
	[sflag:s0] =	ssyncset.done @!p0 $0x0  }
0x403: {  	[sflag:s0] =	ssyncadd.s32 @!p0 s1  }
0x404: {  	[bflag:$0x3] =	sbarrier.arrive $0xFFFF  }
0x405: {  	_ =	shalt  }

</sc_bundles>
